<compile_context>
chip_gen: v7x
topology: tpu7x:2x2x1
jax: 0.10.2.dev20260603
libtpu: 0.0.44.dev20260713+nightly
codegen_flags: <defaults>
</compile_context>

<pallas_src>
import functools

import jax
import jax.numpy as jnp
from jax import lax
from jax.experimental import pallas as pl
from jax.experimental.pallas import tpu as pltpu
from jax.experimental.pallas import tpu_sc as plsc

N = 10000
D = 128
E = 320000
NC = 2
NS = 16
NW = NC * NS
EPW = E // NW
WIN = 80
NWIN = EPW // WIN
NCHUNK = 5
CH = NWIN // NCHUNK
RPT_A = 624
RPT_B = N - 15 * RPT_A

_f32 = jnp.float32


def _leaky(v):
    return jnp.where(v >= 0, v, 0.01 * v)


_sc_mesh = plsc.VectorSubcoreMesh(core_axis_name="c", subcore_axis_name="s")


@functools.partial(
    pl.kernel,
    mesh=_sc_mesh,
    out_type=jax.ShapeDtypeStruct((NC, N), _f32),
    scratch_types=[
        pltpu.VMEM_SHARED((N,), _f32),
        pltpu.VMEM((NCHUNK, CH, WIN), jnp.int32),
        pltpu.VMEM((WIN,), _f32),
        pltpu.SemaphoreType.DMA,
    ],
)
def _sc_deg(dst_hbm, zero_hbm, dp_hbm, dacc, dstv, onesv, ssem):
    cid = lax.axis_index("c")
    sid = lax.axis_index("s")
    wid = sid * NC + cid
    pltpu.sync_copy(dst_hbm.at[wid], dstv)
    for k in range(WIN // 16):
        onesv[pl.ds(k * 16, 16)] = jnp.ones((16,), _f32)

    @pl.when(sid == 0)
    def _():
        pltpu.sync_copy(zero_hbm, dacc)

    plsc.subcore_barrier()

    def chunk(c, carry):
        def body(j, carry2):
            pltpu.async_copy(onesv, dacc.at[dstv.at[c, j]], ssem, add=True)
            return carry2

        lax.fori_loop(0, CH, body, 0)

        def drain(j, carry2):
            pltpu.make_async_copy(zero_hbm.at[pl.ds(0, WIN)], onesv,
                                  ssem).wait()
            return carry2

        lax.fori_loop(0, CH, drain, 0)
        return carry

    lax.fori_loop(0, NCHUNK, chunk, 0)
    plsc.subcore_barrier()

    @pl.when(sid == 0)
    def _():
        pltpu.sync_copy(dacc, dp_hbm.at[cid])


@functools.partial(
    pl.kernel,
    mesh=_sc_mesh,
    out_type=jax.ShapeDtypeStruct((NC, N, D), _f32),
    scratch_types=[
        pltpu.VMEM_SHARED((N, D), _f32),
        pltpu.VMEM((CH, WIN), jnp.int32),
        pltpu.VMEM((CH, WIN), jnp.int32),
        pltpu.VMEM((WIN, D), _f32),
        pltpu.VMEM((WIN, D), _f32),
        pltpu.VMEM((WIN, D), _f32),
        pltpu.SemaphoreType.DMA,
        pltpu.SemaphoreType.DMA,
        pltpu.SemaphoreType.DMA,
        pltpu.SemaphoreType.DMA,
    ],
)
def _sc_agg(g_hbm, src_hbm, dst_hbm, zrows_hbm, a_hbm, acc, srcv, dstv,
            rowbuf0, rowbuf1, rowbuf2, gsem0, gsem1, gsem2, ssem):
    cid = lax.axis_index("c")
    sid = lax.axis_index("s")
    wid = sid * NC + cid
    row0 = pl.multiple_of(sid * RPT_A, 8)

    @pl.when((cid == 0) & (sid < 15))
    def _():
        pltpu.sync_copy(g_hbm.at[pl.ds(row0, RPT_A)], acc.at[pl.ds(row0, RPT_A)])

    @pl.when((cid == 0) & (sid == 15))
    def _():
        pltpu.sync_copy(g_hbm.at[pl.ds(15 * RPT_A, RPT_B)],
                        acc.at[pl.ds(15 * RPT_A, RPT_B)])

    @pl.when((cid == 1) & (sid < 15))
    def _():
        pltpu.sync_copy(zrows_hbm.at[pl.ds(0, RPT_A)], acc.at[pl.ds(row0, RPT_A)])

    @pl.when((cid == 1) & (sid == 15))
    def _():
        pltpu.sync_copy(zrows_hbm, acc.at[pl.ds(15 * RPT_A, RPT_B)])

    plsc.subcore_barrier()

    bufs = (rowbuf0, rowbuf1, rowbuf2)
    gsems = (gsem0, gsem1, gsem2)
    dummy = g_hbm.at[pl.ds(0, WIN)]

    def chunk(c, carry):
        pltpu.sync_copy(src_hbm.at[wid, c], srcv)
        pltpu.sync_copy(dst_hbm.at[wid, c], dstv)
        pltpu.async_copy(g_hbm.at[srcv.at[0]], rowbuf0, gsem0)
        pltpu.async_copy(g_hbm.at[srcv.at[1]], rowbuf1, gsem1)

        def body(j, carry2):
            def one(k):
                bc, gc = bufs[k], gsems[k]
                bn, gn = bufs[(k + 2) % 3], gsems[(k + 2) % 3]
                pltpu.make_async_copy(dummy, bc, gc).wait()
                pltpu.async_copy(bc, acc.at[dstv.at[j]], ssem, add=True)

                @pl.when(j + 2 < CH)
                def _():
                    @pl.when(j >= 1)
                    def _():
                        pltpu.make_async_copy(dummy, rowbuf0, ssem).wait()

                    pltpu.async_copy(g_hbm.at[srcv.at[j + 2]], bn, gn)

            for k in range(3):
                @pl.when(j % 3 == k)
                def _(k=k):
                    one(k)

            return carry2

        lax.fori_loop(0, CH, body, 0)
        for _ in range(3):
            pltpu.make_async_copy(dummy, rowbuf0, ssem).wait()
        return carry

    lax.fori_loop(0, NCHUNK, chunk, 0)
    plsc.subcore_barrier()

    @pl.when(sid < 15)
    def _():
        pltpu.sync_copy(acc.at[pl.ds(row0, RPT_A)],
                        a_hbm.at[cid, pl.ds(row0, RPT_A)])

    @pl.when(sid == 15)
    def _():
        pltpu.sync_copy(acc.at[pl.ds(15 * RPT_A, RPT_B)],
                        a_hbm.at[cid, pl.ds(15 * RPT_A, RPT_B)])


def _tc_emb_body(x_ref, emb_ref, wp1_ref, bp1_ref, wp2_ref, bp2_ref, h0_ref):
    table = jnp.dot(emb_ref[...], wp1_ref[...],
                    preferred_element_type=_f32) + bp1_ref[...]
    table = jnp.dot(_leaky(table), wp2_ref[...],
                    preferred_element_type=_f32) + bp2_ref[...]
    onehot = (lax.broadcasted_iota(jnp.int32, (N, D), 1)
              == x_ref[...]).astype(_f32)
    h0_ref[...] = jnp.dot(onehot, table, preferred_element_type=_f32)


_tc_emb = pl.pallas_call(
    _tc_emb_body,
    out_shape=jax.ShapeDtypeStruct((N, D), _f32),
)


def _tc_scale_body(h0_ref, dpt_ref, wc1_ref, dinv_ref, g1_ref):
    deg = dpt_ref[:, 0:1] + dpt_ref[:, 1:2] + 1.0
    dinv = lax.rsqrt(deg)
    dinv_ref[...] = dinv
    g1_ref[...] = jnp.dot(h0_ref[...], wc1_ref[...],
                          preferred_element_type=_f32) * dinv


_tc_scale = pl.pallas_call(
    _tc_scale_body,
    out_shape=[
        jax.ShapeDtypeStruct((N, 1), _f32),
        jax.ShapeDtypeStruct((N, D), _f32),
    ],
)


def _tc_mid_body(a_ref, hprev_ref, dinv_ref, bc_ref, wcn_ref,
                 hnew_ref, gnext_ref):
    s = a_ref[0] + a_ref[1]
    hnew = _leaky(dinv_ref[...] * s + bc_ref[...]) + hprev_ref[...]
    hnew_ref[...] = hnew
    gnext_ref[...] = jnp.dot(hnew, wcn_ref[...],
                             preferred_element_type=_f32) * dinv_ref[...]


_tc_mid = pl.pallas_call(
    _tc_mid_body,
    out_shape=[
        jax.ShapeDtypeStruct((N, D), _f32),
        jax.ShapeDtypeStruct((N, D), _f32),
    ],
)


def _tc_post_body(a_ref, hprev_ref, dinv_ref, bc3_ref, wpost1_ref,
                  wpost2_ref, pred_ref):
    s = a_ref[0] + a_ref[1]
    h3 = _leaky(dinv_ref[...] * s + bc3_ref[...]) + hprev_ref[...]
    p = _leaky(jnp.dot(h3, wpost1_ref[...], preferred_element_type=_f32))
    pred_ref[...] = jnp.dot(p, wpost2_ref[...], preferred_element_type=_f32)


_tc_post = pl.pallas_call(
    _tc_post_body,
    out_shape=jax.ShapeDtypeStruct((N, 1), _f32),
)


def kernel(x, edge_index, emb, W_pre1, b_pre1, W_pre2, b_pre2,
           Wc1, bc1, Wc2, bc2, Wc3, bc3, W_post1, W_post2):
    ei = edge_index.astype(jnp.int32)
    src3 = ei[0].reshape(NW, NCHUNK, CH, WIN)
    dst3 = ei[1].reshape(NW, NCHUNK, CH, WIN)
    x2 = x.astype(jnp.int32).reshape(N, 1)
    zero_n = jnp.zeros((N,), _f32)
    zrows = jnp.zeros((RPT_B, D), _f32)

    dp = _sc_deg(dst3, zero_n)
    dpt = dp.T
    h = _tc_emb(x2, emb, W_pre1, b_pre1.reshape(1, D),
                W_pre2, b_pre2.reshape(1, D))
    dinv, g = _tc_scale(h, dpt, Wc1)
    for bc, wnext in ((bc1, Wc2), (bc2, Wc3)):
        a = _sc_agg(g, src3, dst3, zrows)
        h, g = _tc_mid(a, h, dinv, bc.reshape(1, D), wnext)
    a = _sc_agg(g, src3, dst3, zrows)
    return _tc_post(a, h, dinv, bc3.reshape(1, D), W_post1, W_post2)

# --- scband reference (transcript-rebuilt; emitter-appended) ---
"""Pipeline reference for scband-residual-gcn-35227321761963 (READ-ONLY COPY).

The authoritative reference and input builder live on the scoring server;
editing this copy changes nothing except your own understanding.
"""

import jax, jax.numpy as jnp
import numpy as np

N_NODES = 10000
N_EDGES = 320000
D = 128
NUM_OPS = 128


def _leaky(x):
    return jax.nn.leaky_relu(x, negative_slope=0.01)


def _gcn_conv(x, edge_index, W, b, n):
    # PyG-style GCNConv: add self-loops, symmetric normalization D^-1/2 A_hat D^-1/2,
    # linear transform first, then normalized scatter-add aggregation, then bias.
    loop = jnp.arange(n, dtype=edge_index.dtype)
    src = jnp.concatenate([edge_index[0], loop])
    dst = jnp.concatenate([edge_index[1], loop])
    deg = jnp.zeros((n,), dtype=x.dtype).at[dst].add(1.0)
    dinv = jnp.where(deg > 0, jax.lax.rsqrt(deg), 0.0)
    norm = dinv[src] * dinv[dst]
    h = x @ W
    msg = h[src] * norm[:, None]
    out = jnp.zeros((n, W.shape[1]), dtype=x.dtype).at[dst].add(msg)
    return out + b


def setup_inputs(seed: int = 0) -> dict:
    key = jax.random.key(seed)
    ks = jax.random.split(key, 16)
    s = 0.05
    return {
        "x": jax.random.randint(ks[0], (N_NODES,), 0, NUM_OPS),
        "edge_index": jax.random.randint(ks[1], (2, N_EDGES), 0, N_NODES),
        "emb": jax.random.normal(ks[2], (NUM_OPS, D), dtype=jnp.float32) * s,
        "W_pre1": jax.random.normal(ks[3], (D, D), dtype=jnp.float32) * s,
        "b_pre1": jnp.zeros((D,), dtype=jnp.float32),
        "W_pre2": jax.random.normal(ks[4], (D, D), dtype=jnp.float32) * s,
        "b_pre2": jnp.zeros((D,), dtype=jnp.float32),
        "Wc1": jax.random.normal(ks[5], (D, D), dtype=jnp.float32) * s,
        "bc1": jnp.zeros((D,), dtype=jnp.float32),
        "Wc2": jax.random.normal(ks[6], (D, D), dtype=jnp.float32) * s,
        "bc2": jnp.zeros((D,), dtype=jnp.float32),
        "Wc3": jax.random.normal(ks[7], (D, D), dtype=jnp.float32) * s,
        "bc3": jnp.zeros((D,), dtype=jnp.float32),
        "W_post1": jax.random.normal(ks[8], (D, D), dtype=jnp.float32) * s,
        "W_post2": jax.random.normal(ks[9], (D, 1), dtype=jnp.float32) * s,
    }


def reference(x, edge_index, emb, W_pre1, b_pre1, W_pre2, b_pre2,
              Wc1, bc1, Wc2, bc2, Wc3, bc3, W_post1, W_post2):
    # op embedding lookup
    h = emb[x]
    # prenet: Linear -> LeakyReLU -> Linear
    h = h @ W_pre1 + b_pre1
    h = _leaky(h) @ W_pre2 + b_pre2
    # block 1 (residual layers are Identity since hidden_dim == hidden_channels == out_channels)
    id1 = h
    h = _leaky(_gcn_conv(h, edge_index, Wc1, bc1, N_NODES)) + id1
    # block 2
    id2 = h
    h = _leaky(_gcn_conv(h, edge_index, Wc2, bc2, N_NODES)) + id2
    # block 3
    id3 = h
    h = _leaky(_gcn_conv(h, edge_index, Wc3, bc3, N_NODES)) + id3
    # postnet: Linear(no bias) -> LeakyReLU -> Linear(no bias)
    pred = _leaky(h @ W_post1) @ W_post2
    return pred  # [N_NODES, 1], equivalent to pred.view(-1, 1)

if __name__ == "__main__":
    import jax
    _d = setup_inputs()
    print(jax.jit(kernel)(*tuple(_d.values())))

</pallas_src>

<mosaic_0001>
#map = affine_map<(d0, d1) -> (0, 0, 0, 0)>
#map1 = affine_map<(d0, d1) -> (0)>
#map2 = affine_map<(d0, d1) -> (0, 0)>
module attributes {stable_mosaic.version = 14 : i64} {
  func.func @_sc_deg(%arg0: i32, %arg1: i32, %arg2: memref<32x5x25x80xi32, #tpu.memory_space<hbm>>, %arg3: memref<10000xf32, #tpu.memory_space<hbm>>, %arg4: memref<2x10000xf32, #tpu.memory_space<hbm>>, %arg5: memref<10000xf32, #tpu.memory_space<vmem_shared>>, %arg6: memref<5x25x80xi32, #tpu.memory_space<vmem>>, %arg7: memref<80xf32, #tpu.memory_space<vmem>>, %arg8: memref<!tpu.dma_semaphore, #tpu.memory_space<semaphore_mem>>) attributes {dimension_semantics = [#tpu.dimension_semantics<core_parallel>, #tpu.dimension_semantics<subcore_parallel>], iteration_bounds = array<i64: 2, 16>, scalar_prefetch = 0 : i64, scratch_operands = 4 : i64, tpu.core_type = #tpu.core_type<sc_vector_subcore>, window_params = [{transform_indices = #map}, {transform_indices = #map1}, {transform_indices = #map2}]} {
    %mul3A = arith.constant 2 : i32
    %mul3A_0 = arith.muli %arg1, %mul3A : i32
    %add3A = arith.addi %mul3A_0, %arg0 : i32
    "tpu.region"() ({
      %run_scoped3A = tpu.sem_alloc : memref<!tpu.dma_semaphore, #tpu.memory_space<semaphore_mem>>
      %dma_start3A = arith.constant 0 : i32
      %dma_start3A_42 = arith.constant 0 : i32
      %dma_start3A_43 = arith.constant 0 : i32
      %dma_start3A_44 = tpu.memref_slice %arg2[%add3A, %dma_start3A, %dma_start3A_42, %dma_start3A_43] : memref<32x5x25x80xi32, #tpu.memory_space<hbm>> -> memref<1x5x25x80xi32, #tpu.memory_space<hbm>>
      %dma_start3A_45 = tpu.memref_squeeze %dma_start3A_44 : memref<1x5x25x80xi32, #tpu.memory_space<hbm>> -> memref<5x25x80xi32, #tpu.memory_space<hbm>>
      %dma_start3A_46 = arith.constant 0 : i32
      %dma_start3A_47 = arith.constant 0 : i32
      %dma_start3A_48 = arith.constant 0 : i32
      %dma_start3A_49 = tpu.memref_slice %arg2[%add3A, %dma_start3A_46, %dma_start3A_47, %dma_start3A_48] : memref<32x5x25x80xi32, #tpu.memory_space<hbm>> -> memref<1x5x25x80xi32, #tpu.memory_space<hbm>>
      %dma_start3A_50 = tpu.memref_squeeze %dma_start3A_49 : memref<1x5x25x80xi32, #tpu.memory_space<hbm>> -> memref<5x25x80xi32, #tpu.memory_space<hbm>>
      tpu.enqueue_dma source(%dma_start3A_50 : memref<5x25x80xi32, #tpu.memory_space<hbm>>) target(%arg6 : memref<5x25x80xi32, #tpu.memory_space<vmem>>) target_semaphore(%run_scoped3A : memref<!tpu.dma_semaphore, #tpu.memory_space<semaphore_mem>>)
      %dma_wait3A = arith.constant 0 : i32
      %dma_wait3A_51 = arith.constant 0 : i32
      %dma_wait3A_52 = arith.constant 0 : i32
      %dma_wait3A_53 = tpu.memref_slice %arg2[%add3A, %dma_wait3A, %dma_wait3A_51, %dma_wait3A_52] : memref<32x5x25x80xi32, #tpu.memory_space<hbm>> -> memref<1x5x25x80xi32, #tpu.memory_space<hbm>>
      %dma_wait3A_54 = tpu.memref_squeeze %dma_wait3A_53 : memref<1x5x25x80xi32, #tpu.memory_space<hbm>> -> memref<5x25x80xi32, #tpu.memory_space<hbm>>
      %dma_wait3A_55 = arith.constant 0 : i32
      %dma_wait3A_56 = arith.constant 0 : i32
      %dma_wait3A_57 = arith.constant 0 : i32
      %dma_wait3A_58 = tpu.memref_slice %arg2[%add3A, %dma_wait3A_55, %dma_wait3A_56, %dma_wait3A_57] : memref<32x5x25x80xi32, #tpu.memory_space<hbm>> -> memref<1x5x25x80xi32, #tpu.memory_space<hbm>>
      %dma_wait3A_59 = tpu.memref_squeeze %dma_wait3A_58 : memref<1x5x25x80xi32, #tpu.memory_space<hbm>> -> memref<5x25x80xi32, #tpu.memory_space<hbm>>
      tpu.wait_dma2 semaphore(%run_scoped3A : memref<!tpu.dma_semaphore, #tpu.memory_space<semaphore_mem>>) src(%dma_wait3A_59 : memref<5x25x80xi32, #tpu.memory_space<hbm>>) dst(%arg6 : memref<5x25x80xi32, #tpu.memory_space<vmem>>)
      tpu.yield
    }) : () -> ()
    %broadcast_in_dim3A = arith.constant 1.000000e+00 : f32
    %broadcast_in_dim3A_1 = vector.broadcast %broadcast_in_dim3A : f32 to vector<16xf32>
    %swap3A = arith.constant 0 : index
    %swap3A_2 = tpu.vector_load %arg7[%swap3A] {strides = array<i32>} : memref<80xf32, #tpu.memory_space<vmem>>, vector<16xf32>,
    %swap3A_3 = vector.shape_cast %swap3A_2 : vector<16xf32> to vector<16xf32>
    %swap3A_4 = vector.shape_cast %broadcast_in_dim3A_1 : vector<16xf32> to vector<16xf32>
    tpu.vector_store %arg7[%swap3A], %swap3A_4 {strides = array<i32>} : memref<80xf32, #tpu.memory_space<vmem>>, vector<16xf32>,
    %broadcast_in_dim3A_5 = arith.constant 1.000000e+00 : f32
    %broadcast_in_dim3A_6 = vector.broadcast %broadcast_in_dim3A_5 : f32 to vector<16xf32>
    %swap3A_7 = arith.constant 16 : index
    %swap3A_8 = tpu.vector_load %arg7[%swap3A_7] {strides = array<i32>} : memref<80xf32, #tpu.memory_space<vmem>>, vector<16xf32>,
    %swap3A_9 = vector.shape_cast %swap3A_8 : vector<16xf32> to vector<16xf32>
    %swap3A_10 = vector.shape_cast %broadcast_in_dim3A_6 : vector<16xf32> to vector<16xf32>
    tpu.vector_store %arg7[%swap3A_7], %swap3A_10 {strides = array<i32>} : memref<80xf32, #tpu.memory_space<vmem>>, vector<16xf32>,
    %broadcast_in_dim3A_11 = arith.constant 1.000000e+00 : f32
    %broadcast_in_dim3A_12 = vector.broadcast %broadcast_in_dim3A_11 : f32 to vector<16xf32>
    %swap3A_13 = arith.constant 32 : index
    %swap3A_14 = tpu.vector_load %arg7[%swap3A_13] {strides = array<i32>} : memref<80xf32, #tpu.memory_space<vmem>>, vector<16xf32>,
    %swap3A_15 = vector.shape_cast %swap3A_14 : vector<16xf32> to vector<16xf32>
    %swap3A_16 = vector.shape_cast %broadcast_in_dim3A_12 : vector<16xf32> to vector<16xf32>
    tpu.vector_store %arg7[%swap3A_13], %swap3A_16 {strides = array<i32>} : memref<80xf32, #tpu.memory_space<vmem>>, vector<16xf32>,
    %broadcast_in_dim3A_17 = arith.constant 1.000000e+00 : f32
    %broadcast_in_dim3A_18 = vector.broadcast %broadcast_in_dim3A_17 : f32 to vector<16xf32>
    %swap3A_19 = arith.constant 48 : index
    %swap3A_20 = tpu.vector_load %arg7[%swap3A_19] {strides = array<i32>} : memref<80xf32, #tpu.memory_space<vmem>>, vector<16xf32>,
    %swap3A_21 = vector.shape_cast %swap3A_20 : vector<16xf32> to vector<16xf32>
    %swap3A_22 = vector.shape_cast %broadcast_in_dim3A_18 : vector<16xf32> to vector<16xf32>
    tpu.vector_store %arg7[%swap3A_19], %swap3A_22 {strides = array<i32>} : memref<80xf32, #tpu.memory_space<vmem>>, vector<16xf32>,
    %broadcast_in_dim3A_23 = arith.constant 1.000000e+00 : f32
    %broadcast_in_dim3A_24 = vector.broadcast %broadcast_in_dim3A_23 : f32 to vector<16xf32>
    %swap3A_25 = arith.constant 64 : index
    %swap3A_26 = tpu.vector_load %arg7[%swap3A_25] {strides = array<i32>} : memref<80xf32, #tpu.memory_space<vmem>>, vector<16xf32>,
    %swap3A_27 = vector.shape_cast %swap3A_26 : vector<16xf32> to vector<16xf32>
    %swap3A_28 = vector.shape_cast %broadcast_in_dim3A_24 : vector<16xf32> to vector<16xf32>
    tpu.vector_store %arg7[%swap3A_25], %swap3A_28 {strides = array<i32>} : memref<80xf32, #tpu.memory_space<vmem>>, vector<16xf32>,
    %eq3A = arith.constant 0 : i32
    %eq3A_29 = arith.cmpi eq, %arg1, %eq3A : i32
    %convert_element_type3A = arith.extui %eq3A_29 : i1 to i32
    %cond3A = arith.constant 0 : i32
    %cond3A_30 = arith.cmpi ne, %convert_element_type3A, %cond3A : i32
    scf.if %cond3A_30 {
      "tpu.region"() ({
        %run_scoped3A = tpu.sem_alloc : memref<!tpu.dma_semaphore, #tpu.memory_space<semaphore_mem>>
        tpu.enqueue_dma source(%arg3 : memref<10000xf32, #tpu.memory_space<hbm>>) target(%arg5 : memref<10000xf32, #tpu.memory_space<vmem_shared>>) target_semaphore(%run_scoped3A : memref<!tpu.dma_semaphore, #tpu.memory_space<semaphore_mem>>)
        tpu.wait_dma2 semaphore(%run_scoped3A : memref<!tpu.dma_semaphore, #tpu.memory_space<semaphore_mem>>) src(%arg3 : memref<10000xf32, #tpu.memory_space<hbm>>) dst(%arg5 : memref<10000xf32, #tpu.memory_space<vmem_shared>>)
        tpu.yield
      }) : () -> ()
    } else {
    }
    %barrier3A = arith.constant 0 : index
    tpu.barrier barrier_id(%barrier3A)
    %scan3A = arith.constant 0 : i32
    %scan3A_31 = arith.constant 0 : i32
    %scan3A_32 = arith.constant 5 : i32
    %scan3A_33 = arith.addi %scan3A_31, %scan3A_32 : i32
    %scan3A_34 = arith.constant 1 : i32
    scf.for %scan3A_42 = %scan3A_31 to %scan3A_33 step %scan3A_34  : i32 {
      %scan3A_43 = arith.constant 0 : i32
      %scan3A_44 = arith.constant 0 : i32
      %scan3A_45 = arith.constant 25 : i32
      %scan3A_46 = arith.addi %scan3A_44, %scan3A_45 : i32
      %scan3A_47 = arith.constant 1 : i32
      scf.for %scan3A_55 = %scan3A_44 to %scan3A_46 step %scan3A_47  : i32 {
        %dma_start3A = arith.constant 0 : i32
        %dma_start3A_56 = tpu.memref_slice %arg6[%scan3A_42, %scan3A_55, %dma_start3A] : memref<5x25x80xi32, #tpu.memory_space<vmem>> -> memref<1x1x80xi32, #tpu.memory_space<vmem>>
        %dma_start3A_57 = tpu.memref_squeeze %dma_start3A_56 : memref<1x1x80xi32, #tpu.memory_space<vmem>> -> memref<80xi32, #tpu.memory_space<vmem>>
        %dma_start3A_58 = arith.constant 0 : i32
        %dma_start3A_59 = tpu.memref_slice %arg5[%dma_start3A_58] : memref<10000xf32, #tpu.memory_space<vmem_shared>> -> memref<10000xf32, #tpu.memory_space<vmem_shared>>
        tpu.enqueue_indirect_dma source(%arg7 : memref<80xf32, #tpu.memory_space<vmem>>) target(%dma_start3A_59 : memref<10000xf32, #tpu.memory_space<vmem_shared>>) offsets(%dma_start3A_57 : memref<80xi32, #tpu.memory_space<vmem>>) semaphore(%arg8 : memref<!tpu.dma_semaphore, #tpu.memory_space<semaphore_mem>>) {add = true}
      }
      %scan3A_48 = arith.constant 25 : i32
      %scan3A_49 = arith.constant 0 : i32
      %scan3A_50 = arith.constant 0 : i32
      %scan3A_51 = arith.constant 25 : i32
      %scan3A_52 = arith.addi %scan3A_50, %scan3A_51 : i32
      %scan3A_53 = arith.constant 1 : i32
      scf.for %scan3A_55 = %scan3A_50 to %scan3A_52 step %scan3A_53  : i32 {
        %dma_wait3A = arith.constant 0 : i32
        %dma_wait3A_56 = tpu.memref_slice %arg3[%dma_wait3A] : memref<10000xf32, #tpu.memory_space<hbm>> -> memref<80xf32, #tpu.memory_space<hbm>>
        %dma_wait3A_57 = arith.constant 0 : i32
        %dma_wait3A_58 = tpu.memref_slice %arg3[%dma_wait3A_57] : memref<10000xf32, #tpu.memory_space<hbm>> -> memref<80xf32, #tpu.memory_space<hbm>>
        tpu.wait_dma2 semaphore(%arg8 : memref<!tpu.dma_semaphore, #tpu.memory_space<semaphore_mem>>) src(%dma_wait3A_58 : memref<80xf32, #tpu.memory_space<hbm>>) dst(%arg7 : memref<80xf32, #tpu.memory_space<vmem>>)
      }
      %scan3A_54 = arith.constant 25 : i32
    }
    %scan3A_35 = arith.constant 5 : i32
    %barrier3A_36 = arith.constant 0 : index
    tpu.barrier barrier_id(%barrier3A_36)
    %eq3A_37 = arith.constant 0 : i32
    %eq3A_38 = arith.cmpi eq, %arg1, %eq3A_37 : i32
    %convert_element_type3A_39 = arith.extui %eq3A_38 : i1 to i32
    %cond3A_40 = arith.constant 0 : i32
    %cond3A_41 = arith.cmpi ne, %convert_element_type3A_39, %cond3A_40 : i32
    scf.if %cond3A_41 {
      "tpu.region"() ({
        %run_scoped3A = tpu.sem_alloc : memref<!tpu.dma_semaphore, #tpu.memory_space<semaphore_mem>>
        %dma_start3A = arith.constant 0 : i32
        %dma_start3A_42 = tpu.memref_slice %arg4[%arg0, %dma_start3A] : memref<2x10000xf32, #tpu.memory_space<hbm>> -> memref<1x10000xf32, #tpu.memory_space<hbm>>
        %dma_start3A_43 = tpu.memref_squeeze %dma_start3A_42 : memref<1x10000xf32, #tpu.memory_space<hbm>> -> memref<10000xf32, #tpu.memory_space<hbm>>
        tpu.enqueue_dma source(%arg5 : memref<10000xf32, #tpu.memory_space<vmem_shared>>) target(%dma_start3A_43 : memref<10000xf32, #tpu.memory_space<hbm>>) target_semaphore(%run_scoped3A : memref<!tpu.dma_semaphore, #tpu.memory_space<semaphore_mem>>)
        %dma_wait3A = arith.constant 0 : i32
        %dma_wait3A_44 = tpu.memref_slice %arg4[%arg0, %dma_wait3A] : memref<2x10000xf32, #tpu.memory_space<hbm>> -> memref<1x10000xf32, #tpu.memory_space<hbm>>
        %dma_wait3A_45 = tpu.memref_squeeze %dma_wait3A_44 : memref<1x10000xf32, #tpu.memory_space<hbm>> -> memref<10000xf32, #tpu.memory_space<hbm>>
        tpu.wait_dma2 semaphore(%run_scoped3A : memref<!tpu.dma_semaphore, #tpu.memory_space<semaphore_mem>>) src(%arg5 : memref<10000xf32, #tpu.memory_space<vmem_shared>>) dst(%dma_wait3A_45 : memref<10000xf32, #tpu.memory_space<hbm>>)
        tpu.yield
      }) : () -> ()
    } else {
    }
    return
  }
}

#map = affine_map<(d0, d1) -> (0, 0)>
#map1 = affine_map<(d0, d1) -> (0, 0, 0, 0)>
#map2 = affine_map<(d0, d1) -> (0, 0, 0)>
module attributes {stable_mosaic.version = 14 : i64} {
  func.func @_sc_agg(%arg0: i32, %arg1: i32, %arg2: memref<10000x128xf32, #tpu.memory_space<hbm>>, %arg3: memref<32x5x25x80xi32, #tpu.memory_space<hbm>>, %arg4: memref<32x5x25x80xi32, #tpu.memory_space<hbm>>, %arg5: memref<640x128xf32, #tpu.memory_space<hbm>>, %arg6: memref<2x10000x128xf32, #tpu.memory_space<hbm>>, %arg7: memref<10000x128xf32, #tpu.memory_space<vmem_shared>>, %arg8: memref<25x80xi32, #tpu.memory_space<vmem>>, %arg9: memref<25x80xi32, #tpu.memory_space<vmem>>, %arg10: memref<80x128xf32, #tpu.memory_space<vmem>>, %arg11: memref<80x128xf32, #tpu.memory_space<vmem>>, %arg12: memref<80x128xf32, #tpu.memory_space<vmem>>, %arg13: memref<!tpu.dma_semaphore, #tpu.memory_space<semaphore_mem>>, %arg14: memref<!tpu.dma_semaphore, #tpu.memory_space<semaphore_mem>>, %arg15: memref<!tpu.dma_semaphore, #tpu.memory_space<semaphore_mem>>, %arg16: memref<!tpu.dma_semaphore, #tpu.memory_space<semaphore_mem>>) attributes {dimension_semantics = [#tpu.dimension_semantics<core_parallel>, #tpu.dimension_semantics<subcore_parallel>], iteration_bounds = array<i64: 2, 16>, scalar_prefetch = 0 : i64, scratch_operands = 10 : i64, tpu.core_type = #tpu.core_type<sc_vector_subcore>, window_params = [{transform_indices = #map}, {transform_indices = #map1}, {transform_indices = #map1}, {transform_indices = #map}, {transform_indices = #map2}]} {
    %mul3A = arith.constant 2 : i32
    %mul3A_0 = arith.muli %arg1, %mul3A : i32
    %add3A = arith.addi %mul3A_0, %arg0 : i32
    %mul3A_1 = arith.constant 624 : i32
    %mul3A_2 = arith.muli %arg1, %mul3A_1 : i32
    %multiple_of3A = tpu.assume_multiple %mul3A_2, 8 : i32
    %eq3A = arith.constant 0 : i32
    %eq3A_3 = arith.cmpi eq, %arg0, %eq3A : i32
    %lt3A = arith.constant 15 : i32
    %lt3A_4 = arith.cmpi slt, %arg1, %lt3A : i32
    %and3A = arith.andi %eq3A_3, %lt3A_4 : i1
    %convert_element_type3A = arith.extui %and3A : i1 to i32
    %cond3A = arith.constant 0 : i32
    %cond3A_5 = arith.cmpi ne, %convert_element_type3A, %cond3A : i32
    scf.if %cond3A_5 {
      "tpu.region"() ({
        %run_scoped3A = tpu.sem_alloc : memref<!tpu.dma_semaphore, #tpu.memory_space<semaphore_mem>>
        %dma_start3A = arith.constant 0 : i32
        %dma_start3A_46 = tpu.memref_slice %arg7[%multiple_of3A, %dma_start3A] : memref<10000x128xf32, #tpu.memory_space<vmem_shared>> -> memref<624x128xf32, #tpu.memory_space<vmem_shared>>
        %dma_start3A_47 = arith.constant 0 : i32
        %dma_start3A_48 = tpu.memref_slice %arg2[%multiple_of3A, %dma_start3A_47] : memref<10000x128xf32, #tpu.memory_space<hbm>> -> memref<624x128xf32, #tpu.memory_space<hbm>>
        tpu.enqueue_dma source(%dma_start3A_48 : memref<624x128xf32, #tpu.memory_space<hbm>>) target(%dma_start3A_46 : memref<624x128xf32, #tpu.memory_space<vmem_shared>>) target_semaphore(%run_scoped3A : memref<!tpu.dma_semaphore, #tpu.memory_space<semaphore_mem>>)
        %dma_wait3A = arith.constant 0 : i32
        %dma_wait3A_49 = tpu.memref_slice %arg7[%multiple_of3A, %dma_wait3A] : memref<10000x128xf32, #tpu.memory_space<vmem_shared>> -> memref<624x128xf32, #tpu.memory_space<vmem_shared>>
        %dma_wait3A_50 = arith.constant 0 : i32
        %dma_wait3A_51 = tpu.memref_slice %arg2[%multiple_of3A, %dma_wait3A_50] : memref<10000x128xf32, #tpu.memory_space<hbm>> -> memref<624x128xf32, #tpu.memory_space<hbm>>
        tpu.wait_dma2 semaphore(%run_scoped3A : memref<!tpu.dma_semaphore, #tpu.memory_space<semaphore_mem>>) src(%dma_wait3A_51 : memref<624x128xf32, #tpu.memory_space<hbm>>) dst(%dma_wait3A_49 : memref<624x128xf32, #tpu.memory_space<vmem_shared>>)
        tpu.yield
      }) : () -> ()
    } else {
    }
    %eq3A_6 = arith.constant 0 : i32
    %eq3A_7 = arith.cmpi eq, %arg0, %eq3A_6 : i32
    %eq3A_8 = arith.constant 15 : i32
    %eq3A_9 = arith.cmpi eq, %arg1, %eq3A_8 : i32
    %and3A_10 = arith.andi %eq3A_7, %eq3A_9 : i1
    %convert_element_type3A_11 = arith.extui %and3A_10 : i1 to i32
    %cond3A_12 = arith.constant 0 : i32
    %cond3A_13 = arith.cmpi ne, %convert_element_type3A_11, %cond3A_12 : i32
    scf.if %cond3A_13 {
      "tpu.region"() ({
        %run_scoped3A = tpu.sem_alloc : memref<!tpu.dma_semaphore, #tpu.memory_space<semaphore_mem>>
        %dma_start3A = arith.constant 9360 : i32
        %dma_start3A_46 = arith.constant 0 : i32
        %dma_start3A_47 = tpu.memref_slice %arg7[%dma_start3A, %dma_start3A_46] : memref<10000x128xf32, #tpu.memory_space<vmem_shared>> -> memref<640x128xf32, #tpu.memory_space<vmem_shared>>
        %dma_start3A_48 = arith.constant 9360 : i32
        %dma_start3A_49 = arith.constant 0 : i32
        %dma_start3A_50 = tpu.memref_slice %arg2[%dma_start3A_48, %dma_start3A_49] : memref<10000x128xf32, #tpu.memory_space<hbm>> -> memref<640x128xf32, #tpu.memory_space<hbm>>
        tpu.enqueue_dma source(%dma_start3A_50 : memref<640x128xf32, #tpu.memory_space<hbm>>) target(%dma_start3A_47 : memref<640x128xf32, #tpu.memory_space<vmem_shared>>) target_semaphore(%run_scoped3A : memref<!tpu.dma_semaphore, #tpu.memory_space<semaphore_mem>>)
        %dma_wait3A = arith.constant 9360 : i32
        %dma_wait3A_51 = arith.constant 0 : i32
        %dma_wait3A_52 = tpu.memref_slice %arg7[%dma_wait3A, %dma_wait3A_51] : memref<10000x128xf32, #tpu.memory_space<vmem_shared>> -> memref<640x128xf32, #tpu.memory_space<vmem_shared>>
        %dma_wait3A_53 = arith.constant 9360 : i32
        %dma_wait3A_54 = arith.constant 0 : i32
        %dma_wait3A_55 = tpu.memref_slice %arg2[%dma_wait3A_53, %dma_wait3A_54] : memref<10000x128xf32, #tpu.memory_space<hbm>> -> memref<640x128xf32, #tpu.memory_space<hbm>>
        tpu.wait_dma2 semaphore(%run_scoped3A : memref<!tpu.dma_semaphore, #tpu.memory_space<semaphore_mem>>) src(%dma_wait3A_55 : memref<640x128xf32, #tpu.memory_space<hbm>>) dst(%dma_wait3A_52 : memref<640x128xf32, #tpu.memory_space<vmem_shared>>)
        tpu.yield
      }) : () -> ()
    } else {
    }
    %eq3A_14 = arith.constant 1 : i32
    %eq3A_15 = arith.cmpi eq, %arg0, %eq3A_14 : i32
    %lt3A_16 = arith.constant 15 : i32
    %lt3A_17 = arith.cmpi slt, %arg1, %lt3A_16 : i32
    %and3A_18 = arith.andi %eq3A_15, %lt3A_17 : i1
    %convert_element_type3A_19 = arith.extui %and3A_18 : i1 to i32
    %cond3A_20 = arith.constant 0 : i32
    %cond3A_21 = arith.cmpi ne, %convert_element_type3A_19, %cond3A_20 : i32
    scf.if %cond3A_21 {
      "tpu.region"() ({
        %run_scoped3A = tpu.sem_alloc : memref<!tpu.dma_semaphore, #tpu.memory_space<semaphore_mem>>
        %dma_start3A = arith.constant 0 : i32
        %dma_start3A_46 = tpu.memref_slice %arg7[%multiple_of3A, %dma_start3A] : memref<10000x128xf32, #tpu.memory_space<vmem_shared>> -> memref<624x128xf32, #tpu.memory_space<vmem_shared>>
        %dma_start3A_47 = arith.constant 0 : i32
        %dma_start3A_48 = arith.constant 0 : i32
        %dma_start3A_49 = tpu.memref_slice %arg5[%dma_start3A_47, %dma_start3A_48] : memref<640x128xf32, #tpu.memory_space<hbm>> -> memref<624x128xf32, #tpu.memory_space<hbm>>
        tpu.enqueue_dma source(%dma_start3A_49 : memref<624x128xf32, #tpu.memory_space<hbm>>) target(%dma_start3A_46 : memref<624x128xf32, #tpu.memory_space<vmem_shared>>) target_semaphore(%run_scoped3A : memref<!tpu.dma_semaphore, #tpu.memory_space<semaphore_mem>>)
        %dma_wait3A = arith.constant 0 : i32
        %dma_wait3A_50 = tpu.memref_slice %arg7[%multiple_of3A, %dma_wait3A] : memref<10000x128xf32, #tpu.memory_space<vmem_shared>> -> memref<624x128xf32, #tpu.memory_space<vmem_shared>>
        %dma_wait3A_51 = arith.constant 0 : i32
        %dma_wait3A_52 = arith.constant 0 : i32
        %dma_wait3A_53 = tpu.memref_slice %arg5[%dma_wait3A_51, %dma_wait3A_52] : memref<640x128xf32, #tpu.memory_space<hbm>> -> memref<624x128xf32, #tpu.memory_space<hbm>>
        tpu.wait_dma2 semaphore(%run_scoped3A : memref<!tpu.dma_semaphore, #tpu.memory_space<semaphore_mem>>) src(%dma_wait3A_53 : memref<624x128xf32, #tpu.memory_space<hbm>>) dst(%dma_wait3A_50 : memref<624x128xf32, #tpu.memory_space<vmem_shared>>)
        tpu.yield
      }) : () -> ()
    } else {
    }
    %eq3A_22 = arith.constant 1 : i32
    %eq3A_23 = arith.cmpi eq, %arg0, %eq3A_22 : i32
    %eq3A_24 = arith.constant 15 : i32
    %eq3A_25 = arith.cmpi eq, %arg1, %eq3A_24 : i32
    %and3A_26 = arith.andi %eq3A_23, %eq3A_25 : i1
    %convert_element_type3A_27 = arith.extui %and3A_26 : i1 to i32
    %cond3A_28 = arith.constant 0 : i32
    %cond3A_29 = arith.cmpi ne, %convert_element_type3A_27, %cond3A_28 : i32
    scf.if %cond3A_29 {
      "tpu.region"() ({
        %run_scoped3A = tpu.sem_alloc : memref<!tpu.dma_semaphore, #tpu.memory_space<semaphore_mem>>
        %dma_start3A = arith.constant 9360 : i32
        %dma_start3A_46 = arith.constant 0 : i32
        %dma_start3A_47 = tpu.memref_slice %arg7[%dma_start3A, %dma_start3A_46] : memref<10000x128xf32, #tpu.memory_space<vmem_shared>> -> memref<640x128xf32, #tpu.memory_space<vmem_shared>>
        tpu.enqueue_dma source(%arg5 : memref<640x128xf32, #tpu.memory_space<hbm>>) target(%dma_start3A_47 : memref<640x128xf32, #tpu.memory_space<vmem_shared>>) target_semaphore(%run_scoped3A : memref<!tpu.dma_semaphore, #tpu.memory_space<semaphore_mem>>)
        %dma_wait3A = arith.constant 9360 : i32
        %dma_wait3A_48 = arith.constant 0 : i32
        %dma_wait3A_49 = tpu.memref_slice %arg7[%dma_wait3A, %dma_wait3A_48] : memref<10000x128xf32, #tpu.memory_space<vmem_shared>> -> memref<640x128xf32, #tpu.memory_space<vmem_shared>>
        tpu.wait_dma2 semaphore(%run_scoped3A : memref<!tpu.dma_semaphore, #tpu.memory_space<semaphore_mem>>) src(%arg5 : memref<640x128xf32, #tpu.memory_space<hbm>>) dst(%dma_wait3A_49 : memref<640x128xf32, #tpu.memory_space<vmem_shared>>)
        tpu.yield
      }) : () -> ()
    } else {
    }
    %barrier3A = arith.constant 0 : index
    tpu.barrier barrier_id(%barrier3A)
    %scan3A = arith.constant 0 : i32
    %scan3A_30 = arith.constant 0 : i32
    %scan3A_31 = arith.constant 5 : i32
    %scan3A_32 = arith.addi %scan3A_30, %scan3A_31 : i32
    %scan3A_33 = arith.constant 1 : i32
    scf.for %scan3A_46 = %scan3A_30 to %scan3A_32 step %scan3A_33  : i32 {
      "tpu.region"() ({
        %run_scoped3A = tpu.sem_alloc : memref<!tpu.dma_semaphore, #tpu.memory_space<semaphore_mem>>
        %dma_start3A_83 = arith.constant 0 : i32
        %dma_start3A_84 = arith.constant 0 : i32
        %dma_start3A_85 = tpu.memref_slice %arg3[%add3A, %scan3A_46, %dma_start3A_83, %dma_start3A_84] : memref<32x5x25x80xi32, #tpu.memory_space<hbm>> -> memref<1x1x25x80xi32, #tpu.memory_space<hbm>>
        %dma_start3A_86 = tpu.memref_squeeze %dma_start3A_85 : memref<1x1x25x80xi32, #tpu.memory_space<hbm>> -> memref<25x80xi32, #tpu.memory_space<hbm>>
        %dma_start3A_87 = arith.constant 0 : i32
        %dma_start3A_88 = arith.constant 0 : i32
        %dma_start3A_89 = tpu.memref_slice %arg3[%add3A, %scan3A_46, %dma_start3A_87, %dma_start3A_88] : memref<32x5x25x80xi32, #tpu.memory_space<hbm>> -> memref<1x1x25x80xi32, #tpu.memory_space<hbm>>
        %dma_start3A_90 = tpu.memref_squeeze %dma_start3A_89 : memref<1x1x25x80xi32, #tpu.memory_space<hbm>> -> memref<25x80xi32, #tpu.memory_space<hbm>>
        tpu.enqueue_dma source(%dma_start3A_90 : memref<25x80xi32, #tpu.memory_space<hbm>>) target(%arg8 : memref<25x80xi32, #tpu.memory_space<vmem>>) target_semaphore(%run_scoped3A : memref<!tpu.dma_semaphore, #tpu.memory_space<semaphore_mem>>)
        %dma_wait3A_91 = arith.constant 0 : i32
        %dma_wait3A_92 = arith.constant 0 : i32
        %dma_wait3A_93 = tpu.memref_slice %arg3[%add3A, %scan3A_46, %dma_wait3A_91, %dma_wait3A_92] : memref<32x5x25x80xi32, #tpu.memory_space<hbm>> -> memref<1x1x25x80xi32, #tpu.memory_space<hbm>>
        %dma_wait3A_94 = tpu.memref_squeeze %dma_wait3A_93 : memref<1x1x25x80xi32, #tpu.memory_space<hbm>> -> memref<25x80xi32, #tpu.memory_space<hbm>>
        %dma_wait3A_95 = arith.constant 0 : i32
        %dma_wait3A_96 = arith.constant 0 : i32
        %dma_wait3A_97 = tpu.memref_slice %arg3[%add3A, %scan3A_46, %dma_wait3A_95, %dma_wait3A_96] : memref<32x5x25x80xi32, #tpu.memory_space<hbm>> -> memref<1x1x25x80xi32, #tpu.memory_space<hbm>>
        %dma_wait3A_98 = tpu.memref_squeeze %dma_wait3A_97 : memref<1x1x25x80xi32, #tpu.memory_space<hbm>> -> memref<25x80xi32, #tpu.memory_space<hbm>>
        tpu.wait_dma2 semaphore(%run_scoped3A : memref<!tpu.dma_semaphore, #tpu.memory_space<semaphore_mem>>) src(%dma_wait3A_98 : memref<25x80xi32, #tpu.memory_space<hbm>>) dst(%arg8 : memref<25x80xi32, #tpu.memory_space<vmem>>)
        tpu.yield
      }) : () -> ()
      "tpu.region"() ({
        %run_scoped3A = tpu.sem_alloc : memref<!tpu.dma_semaphore, #tpu.memory_space<semaphore_mem>>
        %dma_start3A_83 = arith.constant 0 : i32
        %dma_start3A_84 = arith.constant 0 : i32
        %dma_start3A_85 = tpu.memref_slice %arg4[%add3A, %scan3A_46, %dma_start3A_83, %dma_start3A_84] : memref<32x5x25x80xi32, #tpu.memory_space<hbm>> -> memref<1x1x25x80xi32, #tpu.memory_space<hbm>>
        %dma_start3A_86 = tpu.memref_squeeze %dma_start3A_85 : memref<1x1x25x80xi32, #tpu.memory_space<hbm>> -> memref<25x80xi32, #tpu.memory_space<hbm>>
        %dma_start3A_87 = arith.constant 0 : i32
        %dma_start3A_88 = arith.constant 0 : i32
        %dma_start3A_89 = tpu.memref_slice %arg4[%add3A, %scan3A_46, %dma_start3A_87, %dma_start3A_88] : memref<32x5x25x80xi32, #tpu.memory_space<hbm>> -> memref<1x1x25x80xi32, #tpu.memory_space<hbm>>
        %dma_start3A_90 = tpu.memref_squeeze %dma_start3A_89 : memref<1x1x25x80xi32, #tpu.memory_space<hbm>> -> memref<25x80xi32, #tpu.memory_space<hbm>>
        tpu.enqueue_dma source(%dma_start3A_90 : memref<25x80xi32, #tpu.memory_space<hbm>>) target(%arg9 : memref<25x80xi32, #tpu.memory_space<vmem>>) target_semaphore(%run_scoped3A : memref<!tpu.dma_semaphore, #tpu.memory_space<semaphore_mem>>)
        %dma_wait3A_91 = arith.constant 0 : i32
        %dma_wait3A_92 = arith.constant 0 : i32
        %dma_wait3A_93 = tpu.memref_slice %arg4[%add3A, %scan3A_46, %dma_wait3A_91, %dma_wait3A_92] : memref<32x5x25x80xi32, #tpu.memory_space<hbm>> -> memref<1x1x25x80xi32, #tpu.memory_space<hbm>>
        %dma_wait3A_94 = tpu.memref_squeeze %dma_wait3A_93 : memref<1x1x25x80xi32, #tpu.memory_space<hbm>> -> memref<25x80xi32, #tpu.memory_space<hbm>>
        %dma_wait3A_95 = arith.constant 0 : i32
        %dma_wait3A_96 = arith.constant 0 : i32
        %dma_wait3A_97 = tpu.memref_slice %arg4[%add3A, %scan3A_46, %dma_wait3A_95, %dma_wait3A_96] : memref<32x5x25x80xi32, #tpu.memory_space<hbm>> -> memref<1x1x25x80xi32, #tpu.memory_space<hbm>>
        %dma_wait3A_98 = tpu.memref_squeeze %dma_wait3A_97 : memref<1x1x25x80xi32, #tpu.memory_space<hbm>> -> memref<25x80xi32, #tpu.memory_space<hbm>>
        tpu.wait_dma2 semaphore(%run_scoped3A : memref<!tpu.dma_semaphore, #tpu.memory_space<semaphore_mem>>) src(%dma_wait3A_98 : memref<25x80xi32, #tpu.memory_space<hbm>>) dst(%arg9 : memref<25x80xi32, #tpu.memory_space<vmem>>)
        tpu.yield
      }) : () -> ()
      %dma_start3A = arith.constant 0 : i32
      %dma_start3A_47 = arith.constant 0 : i32
      %dma_start3A_48 = tpu.memref_slice %arg8[%dma_start3A, %dma_start3A_47] : memref<25x80xi32, #tpu.memory_space<vmem>> -> memref<1x80xi32, #tpu.memory_space<vmem>>
      %dma_start3A_49 = tpu.memref_squeeze %dma_start3A_48 : memref<1x80xi32, #tpu.memory_space<vmem>> -> memref<80xi32, #tpu.memory_space<vmem>>
      %dma_start3A_50 = arith.constant 0 : i32
      %dma_start3A_51 = arith.constant 0 : i32
      %dma_start3A_52 = tpu.memref_slice %arg2[%dma_start3A_50, %dma_start3A_51] : memref<10000x128xf32, #tpu.memory_space<hbm>> -> memref<10000x128xf32, #tpu.memory_space<hbm>>
      tpu.enqueue_indirect_dma source(%dma_start3A_52 : memref<10000x128xf32, #tpu.memory_space<hbm>>) target(%arg10 : memref<80x128xf32, #tpu.memory_space<vmem>>) offsets(%dma_start3A_49 : memref<80xi32, #tpu.memory_space<vmem>>) semaphore(%arg13 : memref<!tpu.dma_semaphore, #tpu.memory_space<semaphore_mem>>)
      %dma_start3A_53 = arith.constant 1 : i32
      %dma_start3A_54 = arith.constant 0 : i32
      %dma_start3A_55 = tpu.memref_slice %arg8[%dma_start3A_53, %dma_start3A_54] : memref<25x80xi32, #tpu.memory_space<vmem>> -> memref<1x80xi32, #tpu.memory_space<vmem>>
      %dma_start3A_56 = tpu.memref_squeeze %dma_start3A_55 : memref<1x80xi32, #tpu.memory_space<vmem>> -> memref<80xi32, #tpu.memory_space<vmem>>
      %dma_start3A_57 = arith.constant 0 : i32
      %dma_start3A_58 = arith.constant 0 : i32
      %dma_start3A_59 = tpu.memref_slice %arg2[%dma_start3A_57, %dma_start3A_58] : memref<10000x128xf32, #tpu.memory_space<hbm>> -> memref<10000x128xf32, #tpu.memory_space<hbm>>
      tpu.enqueue_indirect_dma source(%dma_start3A_59 : memref<10000x128xf32, #tpu.memory_space<hbm>>) target(%arg11 : memref<80x128xf32, #tpu.memory_space<vmem>>) offsets(%dma_start3A_56 : memref<80xi32, #tpu.memory_space<vmem>>) semaphore(%arg14 : memref<!tpu.dma_semaphore, #tpu.memory_space<semaphore_mem>>)
      %scan3A_60 = arith.constant 0 : i32
      %scan3A_61 = arith.constant 0 : i32
      %scan3A_62 = arith.constant 25 : i32
      %scan3A_63 = arith.addi %scan3A_61, %scan3A_62 : i32
      %scan3A_64 = arith.constant 1 : i32
      scf.for %scan3A_83 = %scan3A_61 to %scan3A_63 step %scan3A_64  : i32 {
        %jit3A = arith.constant 3 : i32
        %eq3A_84 = arith.constant 0 : i32
        %eq3A_85 = arith.cmpi eq, %jit3A, %eq3A_84 : i32
        %jit3A_86 = arith.constant 1 : i32
        %select_n3A = arith.select %eq3A_85, %jit3A_86, %jit3A : i32
        %rem3A = arith.remsi %scan3A_83, %select_n3A : i32
        %ne3A = arith.constant 0 : i32
        %ne3A_87 = arith.cmpi ne, %rem3A, %ne3A : i32
        %lt3A_88 = arith.constant 0 : i32
        %lt3A_89 = arith.cmpi slt, %rem3A, %lt3A_88 : i32
        %lt3A_90 = arith.constant 0 : i32
        %lt3A_91 = arith.cmpi slt, %select_n3A, %lt3A_90 : i32
        %ne3A_92 = arith.xori %lt3A_89, %lt3A_91 : i1
        %and3A_93 = arith.andi %ne3A_92, %ne3A_87 : i1
        %add3A_94 = arith.addi %rem3A, %select_n3A : i32
        %select_n3A_95 = arith.select %and3A_93, %add3A_94, %rem3A : i32
        %eq3A_96 = arith.constant 0 : i32
        %eq3A_97 = arith.cmpi eq, %select_n3A_95, %eq3A_96 : i32
        %convert_element_type3A_98 = arith.extui %eq3A_97 : i1 to i32
        %cond3A_99 = arith.constant 0 : i32
        %cond3A_100 = arith.cmpi ne, %convert_element_type3A_98, %cond3A_99 : i32
        scf.if %cond3A_100 {
          %dma_wait3A_143 = arith.constant 0 : i32
          %dma_wait3A_144 = arith.constant 0 : i32
          %dma_wait3A_145 = tpu.memref_slice %arg2[%dma_wait3A_143, %dma_wait3A_144] : memref<10000x128xf32, #tpu.memory_space<hbm>> -> memref<80x128xf32, #tpu.memory_space<hbm>>
          %dma_wait3A_146 = arith.constant 0 : i32
          %dma_wait3A_147 = arith.constant 0 : i32
          %dma_wait3A_148 = tpu.memref_slice %arg2[%dma_wait3A_146, %dma_wait3A_147] : memref<10000x128xf32, #tpu.memory_space<hbm>> -> memref<80x128xf32, #tpu.memory_space<hbm>>
          tpu.wait_dma2 semaphore(%arg13 : memref<!tpu.dma_semaphore, #tpu.memory_space<semaphore_mem>>) src(%dma_wait3A_148 : memref<80x128xf32, #tpu.memory_space<hbm>>) dst(%arg10 : memref<80x128xf32, #tpu.memory_space<vmem>>)
          %dma_start3A_149 = arith.constant 0 : i32
          %dma_start3A_150 = tpu.memref_slice %arg9[%scan3A_83, %dma_start3A_149] : memref<25x80xi32, #tpu.memory_space<vmem>> -> memref<1x80xi32, #tpu.memory_space<vmem>>
          %dma_start3A_151 = tpu.memref_squeeze %dma_start3A_150 : memref<1x80xi32, #tpu.memory_space<vmem>> -> memref<80xi32, #tpu.memory_space<vmem>>
          %dma_start3A_152 = arith.constant 0 : i32
          %dma_start3A_153 = arith.constant 0 : i32
          %dma_start3A_154 = tpu.memref_slice %arg7[%dma_start3A_152, %dma_start3A_153] : memref<10000x128xf32, #tpu.memory_space<vmem_shared>> -> memref<10000x128xf32, #tpu.memory_space<vmem_shared>>
          tpu.enqueue_indirect_dma source(%arg10 : memref<80x128xf32, #tpu.memory_space<vmem>>) target(%dma_start3A_154 : memref<10000x128xf32, #tpu.memory_space<vmem_shared>>) offsets(%dma_start3A_151 : memref<80xi32, #tpu.memory_space<vmem>>) semaphore(%arg16 : memref<!tpu.dma_semaphore, #tpu.memory_space<semaphore_mem>>) {add = true}
          %add3A_155 = arith.constant 2 : i32
          %add3A_156 = arith.addi %scan3A_83, %add3A_155 : i32
          %lt3A_157 = arith.constant 25 : i32
          %lt3A_158 = arith.cmpi slt, %add3A_156, %lt3A_157 : i32
          %convert_element_type3A_159 = arith.extui %lt3A_158 : i1 to i32
          %cond3A_160 = arith.constant 0 : i32
          %cond3A_161 = arith.cmpi ne, %convert_element_type3A_159, %cond3A_160 : i32
          scf.if %cond3A_161 {
            %ge3A = arith.constant 1 : i32
            %ge3A_162 = arith.cmpi sge, %scan3A_83, %ge3A : i32
            %convert_element_type3A_163 = arith.extui %ge3A_162 : i1 to i32
            %cond3A_164 = arith.constant 0 : i32
            %cond3A_165 = arith.cmpi ne, %convert_element_type3A_163, %cond3A_164 : i32
            scf.if %cond3A_165 {
              %dma_wait3A_174 = arith.constant 0 : i32
              %dma_wait3A_175 = arith.constant 0 : i32
              %dma_wait3A_176 = tpu.memref_slice %arg2[%dma_wait3A_174, %dma_wait3A_175] : memref<10000x128xf32, #tpu.memory_space<hbm>> -> memref<80x128xf32, #tpu.memory_space<hbm>>
              %dma_wait3A_177 = arith.constant 0 : i32
              %dma_wait3A_178 = arith.constant 0 : i32
              %dma_wait3A_179 = tpu.memref_slice %arg2[%dma_wait3A_177, %dma_wait3A_178] : memref<10000x128xf32, #tpu.memory_space<hbm>> -> memref<80x128xf32, #tpu.memory_space<hbm>>
              tpu.wait_dma2 semaphore(%arg16 : memref<!tpu.dma_semaphore, #tpu.memory_space<semaphore_mem>>) src(%dma_wait3A_179 : memref<80x128xf32, #tpu.memory_space<hbm>>) dst(%arg10 : memref<80x128xf32, #tpu.memory_space<vmem>>)
            } else {
            }
            %add3A_166 = arith.constant 2 : i32
            %add3A_167 = arith.addi %scan3A_83, %add3A_166 : i32
            %dma_start3A_168 = arith.constant 0 : i32
            %dma_start3A_169 = tpu.memref_slice %arg8[%add3A_167, %dma_start3A_168] : memref<25x80xi32, #tpu.memory_space<vmem>> -> memref<1x80xi32, #tpu.memory_space<vmem>>
            %dma_start3A_170 = tpu.memref_squeeze %dma_start3A_169 : memref<1x80xi32, #tpu.memory_space<vmem>> -> memref<80xi32, #tpu.memory_space<vmem>>
            %dma_start3A_171 = arith.constant 0 : i32
            %dma_start3A_172 = arith.constant 0 : i32
            %dma_start3A_173 = tpu.memref_slice %arg2[%dma_start3A_171, %dma_start3A_172] : memref<10000x128xf32, #tpu.memory_space<hbm>> -> memref<10000x128xf32, #tpu.memory_space<hbm>>
            tpu.enqueue_indirect_dma source(%dma_start3A_173 : memref<10000x128xf32, #tpu.memory_space<hbm>>) target(%arg12 : memref<80x128xf32, #tpu.memory_space<vmem>>) offsets(%dma_start3A_170 : memref<80xi32, #tpu.memory_space<vmem>>) semaphore(%arg15 : memref<!tpu.dma_semaphore, #tpu.memory_space<semaphore_mem>>)
          } else {
          }
        } else {
        }
        %jit3A_101 = arith.constant 3 : i32
        %eq3A_102 = arith.constant 0 : i32
        %eq3A_103 = arith.cmpi eq, %jit3A_101, %eq3A_102 : i32
        %jit3A_104 = arith.constant 1 : i32
        %select_n3A_105 = arith.select %eq3A_103, %jit3A_104, %jit3A_101 : i32
        %rem3A_106 = arith.remsi %scan3A_83, %select_n3A_105 : i32
        %ne3A_107 = arith.constant 0 : i32
        %ne3A_108 = arith.cmpi ne, %rem3A_106, %ne3A_107 : i32
        %lt3A_109 = arith.constant 0 : i32
        %lt3A_110 = arith.cmpi slt, %rem3A_106, %lt3A_109 : i32
        %lt3A_111 = arith.constant 0 : i32
        %lt3A_112 = arith.cmpi slt, %select_n3A_105, %lt3A_111 : i32
        %ne3A_113 = arith.xori %lt3A_110, %lt3A_112 : i1
        %and3A_114 = arith.andi %ne3A_113, %ne3A_108 : i1
        %add3A_115 = arith.addi %rem3A_106, %select_n3A_105 : i32
        %select_n3A_116 = arith.select %and3A_114, %add3A_115, %rem3A_106 : i32
        %eq3A_117 = arith.constant 1 : i32
        %eq3A_118 = arith.cmpi eq, %select_n3A_116, %eq3A_117 : i32
        %convert_element_type3A_119 = arith.extui %eq3A_118 : i1 to i32
        %cond3A_120 = arith.constant 0 : i32
        %cond3A_121 = arith.cmpi ne, %convert_element_type3A_119, %cond3A_120 : i32
        scf.if %cond3A_121 {
          %dma_wait3A_143 = arith.constant 0 : i32
          %dma_wait3A_144 = arith.constant 0 : i32
          %dma_wait3A_145 = tpu.memref_slice %arg2[%dma_wait3A_143, %dma_wait3A_144] : memref<10000x128xf32, #tpu.memory_space<hbm>> -> memref<80x128xf32, #tpu.memory_space<hbm>>
          %dma_wait3A_146 = arith.constant 0 : i32
          %dma_wait3A_147 = arith.constant 0 : i32
          %dma_wait3A_148 = tpu.memref_slice %arg2[%dma_wait3A_146, %dma_wait3A_147] : memref<10000x128xf32, #tpu.memory_space<hbm>> -> memref<80x128xf32, #tpu.memory_space<hbm>>
          tpu.wait_dma2 semaphore(%arg14 : memref<!tpu.dma_semaphore, #tpu.memory_space<semaphore_mem>>) src(%dma_wait3A_148 : memref<80x128xf32, #tpu.memory_space<hbm>>) dst(%arg11 : memref<80x128xf32, #tpu.memory_space<vmem>>)
          %dma_start3A_149 = arith.constant 0 : i32
          %dma_start3A_150 = tpu.memref_slice %arg9[%scan3A_83, %dma_start3A_149] : memref<25x80xi32, #tpu.memory_space<vmem>> -> memref<1x80xi32, #tpu.memory_space<vmem>>
          %dma_start3A_151 = tpu.memref_squeeze %dma_start3A_150 : memref<1x80xi32, #tpu.memory_space<vmem>> -> memref<80xi32, #tpu.memory_space<vmem>>
          %dma_start3A_152 = arith.constant 0 : i32
          %dma_start3A_153 = arith.constant 0 : i32
          %dma_start3A_154 = tpu.memref_slice %arg7[%dma_start3A_152, %dma_start3A_153] : memref<10000x128xf32, #tpu.memory_space<vmem_shared>> -> memref<10000x128xf32, #tpu.memory_space<vmem_shared>>
          tpu.enqueue_indirect_dma source(%arg11 : memref<80x128xf32, #tpu.memory_space<vmem>>) target(%dma_start3A_154 : memref<10000x128xf32, #tpu.memory_space<vmem_shared>>) offsets(%dma_start3A_151 : memref<80xi32, #tpu.memory_space<vmem>>) semaphore(%arg16 : memref<!tpu.dma_semaphore, #tpu.memory_space<semaphore_mem>>) {add = true}
          %add3A_155 = arith.constant 2 : i32
          %add3A_156 = arith.addi %scan3A_83, %add3A_155 : i32
          %lt3A_157 = arith.constant 25 : i32
          %lt3A_158 = arith.cmpi slt, %add3A_156, %lt3A_157 : i32
          %convert_element_type3A_159 = arith.extui %lt3A_158 : i1 to i32
          %cond3A_160 = arith.constant 0 : i32
          %cond3A_161 = arith.cmpi ne, %convert_element_type3A_159, %cond3A_160 : i32
          scf.if %cond3A_161 {
            %ge3A = arith.constant 1 : i32
            %ge3A_162 = arith.cmpi sge, %scan3A_83, %ge3A : i32
            %convert_element_type3A_163 = arith.extui %ge3A_162 : i1 to i32
            %cond3A_164 = arith.constant 0 : i32
            %cond3A_165 = arith.cmpi ne, %convert_element_type3A_163, %cond3A_164 : i32
            scf.if %cond3A_165 {
              %dma_wait3A_174 = arith.constant 0 : i32
              %dma_wait3A_175 = arith.constant 0 : i32
              %dma_wait3A_176 = tpu.memref_slice %arg2[%dma_wait3A_174, %dma_wait3A_175] : memref<10000x128xf32, #tpu.memory_space<hbm>> -> memref<80x128xf32, #tpu.memory_space<hbm>>
              %dma_wait3A_177 = arith.constant 0 : i32
              %dma_wait3A_178 = arith.constant 0 : i32
              %dma_wait3A_179 = tpu.memref_slice %arg2[%dma_wait3A_177, %dma_wait3A_178] : memref<10000x128xf32, #tpu.memory_space<hbm>> -> memref<80x128xf32, #tpu.memory_space<hbm>>
              tpu.wait_dma2 semaphore(%arg16 : memref<!tpu.dma_semaphore, #tpu.memory_space<semaphore_mem>>) src(%dma_wait3A_179 : memref<80x128xf32, #tpu.memory_space<hbm>>) dst(%arg10 : memref<80x128xf32, #tpu.memory_space<vmem>>)
            } else {
            }
            %add3A_166 = arith.constant 2 : i32
            %add3A_167 = arith.addi %scan3A_83, %add3A_166 : i32
            %dma_start3A_168 = arith.constant 0 : i32
            %dma_start3A_169 = tpu.memref_slice %arg8[%add3A_167, %dma_start3A_168] : memref<25x80xi32, #tpu.memory_space<vmem>> -> memref<1x80xi32, #tpu.memory_space<vmem>>
            %dma_start3A_170 = tpu.memref_squeeze %dma_start3A_169 : memref<1x80xi32, #tpu.memory_space<vmem>> -> memref<80xi32, #tpu.memory_space<vmem>>
            %dma_start3A_171 = arith.constant 0 : i32
            %dma_start3A_172 = arith.constant 0 : i32
            %dma_start3A_173 = tpu.memref_slice %arg2[%dma_start3A_171, %dma_start3A_172] : memref<10000x128xf32, #tpu.memory_space<hbm>> -> memref<10000x128xf32, #tpu.memory_space<hbm>>
            tpu.enqueue_indirect_dma source(%dma_start3A_173 : memref<10000x128xf32, #tpu.memory_space<hbm>>) target(%arg10 : memref<80x128xf32, #tpu.memory_space<vmem>>) offsets(%dma_start3A_170 : memref<80xi32, #tpu.memory_space<vmem>>) semaphore(%arg13 : memref<!tpu.dma_semaphore, #tpu.memory_space<semaphore_mem>>)
          } else {
          }
        } else {
        }
        %jit3A_122 = arith.constant 3 : i32
        %eq3A_123 = arith.constant 0 : i32
        %eq3A_124 = arith.cmpi eq, %jit3A_122, %eq3A_123 : i32
        %jit3A_125 = arith.constant 1 : i32
        %select_n3A_126 = arith.select %eq3A_124, %jit3A_125, %jit3A_122 : i32
        %rem3A_127 = arith.remsi %scan3A_83, %select_n3A_126 : i32
        %ne3A_128 = arith.constant 0 : i32
        %ne3A_129 = arith.cmpi ne, %rem3A_127, %ne3A_128 : i32
        %lt3A_130 = arith.constant 0 : i32
        %lt3A_131 = arith.cmpi slt, %rem3A_127, %lt3A_130 : i32
        %lt3A_132 = arith.constant 0 : i32
        %lt3A_133 = arith.cmpi slt, %select_n3A_126, %lt3A_132 : i32
        %ne3A_134 = arith.xori %lt3A_131, %lt3A_133 : i1
        %and3A_135 = arith.andi %ne3A_134, %ne3A_129 : i1
        %add3A_136 = arith.addi %rem3A_127, %select_n3A_126 : i32
        %select_n3A_137 = arith.select %and3A_135, %add3A_136, %rem3A_127 : i32
        %eq3A_138 = arith.constant 2 : i32
        %eq3A_139 = arith.cmpi eq, %select_n3A_137, %eq3A_138 : i32
        %convert_element_type3A_140 = arith.extui %eq3A_139 : i1 to i32
        %cond3A_141 = arith.constant 0 : i32
        %cond3A_142 = arith.cmpi ne, %convert_element_type3A_140, %cond3A_141 : i32
        scf.if %cond3A_142 {
          %dma_wait3A_143 = arith.constant 0 : i32
          %dma_wait3A_144 = arith.constant 0 : i32
          %dma_wait3A_145 = tpu.memref_slice %arg2[%dma_wait3A_143, %dma_wait3A_144] : memref<10000x128xf32, #tpu.memory_space<hbm>> -> memref<80x128xf32, #tpu.memory_space<hbm>>
          %dma_wait3A_146 = arith.constant 0 : i32
          %dma_wait3A_147 = arith.constant 0 : i32
          %dma_wait3A_148 = tpu.memref_slice %arg2[%dma_wait3A_146, %dma_wait3A_147] : memref<10000x128xf32, #tpu.memory_space<hbm>> -> memref<80x128xf32, #tpu.memory_space<hbm>>
          tpu.wait_dma2 semaphore(%arg15 : memref<!tpu.dma_semaphore, #tpu.memory_space<semaphore_mem>>) src(%dma_wait3A_148 : memref<80x128xf32, #tpu.memory_space<hbm>>) dst(%arg12 : memref<80x128xf32, #tpu.memory_space<vmem>>)
          %dma_start3A_149 = arith.constant 0 : i32
          %dma_start3A_150 = tpu.memref_slice %arg9[%scan3A_83, %dma_start3A_149] : memref<25x80xi32, #tpu.memory_space<vmem>> -> memref<1x80xi32, #tpu.memory_space<vmem>>
          %dma_start3A_151 = tpu.memref_squeeze %dma_start3A_150 : memref<1x80xi32, #tpu.memory_space<vmem>> -> memref<80xi32, #tpu.memory_space<vmem>>
          %dma_start3A_152 = arith.constant 0 : i32
          %dma_start3A_153 = arith.constant 0 : i32
          %dma_start3A_154 = tpu.memref_slice %arg7[%dma_start3A_152, %dma_start3A_153] : memref<10000x128xf32, #tpu.memory_space<vmem_shared>> -> memref<10000x128xf32, #tpu.memory_space<vmem_shared>>
          tpu.enqueue_indirect_dma source(%arg12 : memref<80x128xf32, #tpu.memory_space<vmem>>) target(%dma_start3A_154 : memref<10000x128xf32, #tpu.memory_space<vmem_shared>>) offsets(%dma_start3A_151 : memref<80xi32, #tpu.memory_space<vmem>>) semaphore(%arg16 : memref<!tpu.dma_semaphore, #tpu.memory_space<semaphore_mem>>) {add = true}
          %add3A_155 = arith.constant 2 : i32
          %add3A_156 = arith.addi %scan3A_83, %add3A_155 : i32
          %lt3A_157 = arith.constant 25 : i32
          %lt3A_158 = arith.cmpi slt, %add3A_156, %lt3A_157 : i32
          %convert_element_type3A_159 = arith.extui %lt3A_158 : i1 to i32
          %cond3A_160 = arith.constant 0 : i32
          %cond3A_161 = arith.cmpi ne, %convert_element_type3A_159, %cond3A_160 : i32
          scf.if %cond3A_161 {
            %ge3A = arith.constant 1 : i32
            %ge3A_162 = arith.cmpi sge, %scan3A_83, %ge3A : i32
            %convert_element_type3A_163 = arith.extui %ge3A_162 : i1 to i32
            %cond3A_164 = arith.constant 0 : i32
            %cond3A_165 = arith.cmpi ne, %convert_element_type3A_163, %cond3A_164 : i32
            scf.if %cond3A_165 {
              %dma_wait3A_174 = arith.constant 0 : i32
              %dma_wait3A_175 = arith.constant 0 : i32
              %dma_wait3A_176 = tpu.memref_slice %arg2[%dma_wait3A_174, %dma_wait3A_175] : memref<10000x128xf32, #tpu.memory_space<hbm>> -> memref<80x128xf32, #tpu.memory_space<hbm>>
              %dma_wait3A_177 = arith.constant 0 : i32
              %dma_wait3A_178 = arith.constant 0 : i32
              %dma_wait3A_179 = tpu.memref_slice %arg2[%dma_wait3A_177, %dma_wait3A_178] : memref<10000x128xf32, #tpu.memory_space<hbm>> -> memref<80x128xf32, #tpu.memory_space<hbm>>
              tpu.wait_dma2 semaphore(%arg16 : memref<!tpu.dma_semaphore, #tpu.memory_space<semaphore_mem>>) src(%dma_wait3A_179 : memref<80x128xf32, #tpu.memory_space<hbm>>) dst(%arg10 : memref<80x128xf32, #tpu.memory_space<vmem>>)
            } else {
            }
            %add3A_166 = arith.constant 2 : i32
            %add3A_167 = arith.addi %scan3A_83, %add3A_166 : i32
            %dma_start3A_168 = arith.constant 0 : i32
            %dma_start3A_169 = tpu.memref_slice %arg8[%add3A_167, %dma_start3A_168] : memref<25x80xi32, #tpu.memory_space<vmem>> -> memref<1x80xi32, #tpu.memory_space<vmem>>
            %dma_start3A_170 = tpu.memref_squeeze %dma_start3A_169 : memref<1x80xi32, #tpu.memory_space<vmem>> -> memref<80xi32, #tpu.memory_space<vmem>>
            %dma_start3A_171 = arith.constant 0 : i32
            %dma_start3A_172 = arith.constant 0 : i32
            %dma_start3A_173 = tpu.memref_slice %arg2[%dma_start3A_171, %dma_start3A_172] : memref<10000x128xf32, #tpu.memory_space<hbm>> -> memref<10000x128xf32, #tpu.memory_space<hbm>>
            tpu.enqueue_indirect_dma source(%dma_start3A_173 : memref<10000x128xf32, #tpu.memory_space<hbm>>) target(%arg11 : memref<80x128xf32, #tpu.memory_space<vmem>>) offsets(%dma_start3A_170 : memref<80xi32, #tpu.memory_space<vmem>>) semaphore(%arg14 : memref<!tpu.dma_semaphore, #tpu.memory_space<semaphore_mem>>)
          } else {
          }
        } else {
        }
      }
      %scan3A_65 = arith.constant 25 : i32
      %dma_wait3A = arith.constant 0 : i32
      %dma_wait3A_66 = arith.constant 0 : i32
      %dma_wait3A_67 = tpu.memref_slice %arg2[%dma_wait3A, %dma_wait3A_66] : memref<10000x128xf32, #tpu.memory_space<hbm>> -> memref<80x128xf32, #tpu.memory_space<hbm>>
      %dma_wait3A_68 = arith.constant 0 : i32
      %dma_wait3A_69 = arith.constant 0 : i32
      %dma_wait3A_70 = tpu.memref_slice %arg2[%dma_wait3A_68, %dma_wait3A_69] : memref<10000x128xf32, #tpu.memory_space<hbm>> -> memref<80x128xf32, #tpu.memory_space<hbm>>
      tpu.wait_dma2 semaphore(%arg16 : memref<!tpu.dma_semaphore, #tpu.memory_space<semaphore_mem>>) src(%dma_wait3A_70 : memref<80x128xf32, #tpu.memory_space<hbm>>) dst(%arg10 : memref<80x128xf32, #tpu.memory_space<vmem>>)
      %dma_wait3A_71 = arith.constant 0 : i32
      %dma_wait3A_72 = arith.constant 0 : i32
      %dma_wait3A_73 = tpu.memref_slice %arg2[%dma_wait3A_71, %dma_wait3A_72] : memref<10000x128xf32, #tpu.memory_space<hbm>> -> memref<80x128xf32, #tpu.memory_space<hbm>>
      %dma_wait3A_74 = arith.constant 0 : i32
      %dma_wait3A_75 = arith.constant 0 : i32
      %dma_wait3A_76 = tpu.memref_slice %arg2[%dma_wait3A_74, %dma_wait3A_75] : memref<10000x128xf32, #tpu.memory_space<hbm>> -> memref<80x128xf32, #tpu.memory_space<hbm>>
      tpu.wait_dma2 semaphore(%arg16 : memref<!tpu.dma_semaphore, #tpu.memory_space<semaphore_mem>>) src(%dma_wait3A_76 : memref<80x128xf32, #tpu.memory_space<hbm>>) dst(%arg10 : memref<80x128xf32, #tpu.memory_space<vmem>>)
      %dma_wait3A_77 = arith.constant 0 : i32
      %dma_wait3A_78 = arith.constant 0 : i32
      %dma_wait3A_79 = tpu.memref_slice %arg2[%dma_wait3A_77, %dma_wait3A_78] : memref<10000x128xf32, #tpu.memory_space<hbm>> -> memref<80x128xf32, #tpu.memory_space<hbm>>
      %dma_wait3A_80 = arith.constant 0 : i32
      %dma_wait3A_81 = arith.constant 0 : i32
      %dma_wait3A_82 = tpu.memref_slice %arg2[%dma_wait3A_80, %dma_wait3A_81] : memref<10000x128xf32, #tpu.memory_space<hbm>> -> memref<80x128xf32, #tpu.memory_space<hbm>>
      tpu.wait_dma2 semaphore(%arg16 : memref<!tpu.dma_semaphore, #tpu.memory_space<semaphore_mem>>) src(%dma_wait3A_82 : memref<80x128xf32, #tpu.memory_space<hbm>>) dst(%arg10 : memref<80x128xf32, #tpu.memory_space<vmem>>)
    }
    %scan3A_34 = arith.constant 5 : i32
    %barrier3A_35 = arith.constant 0 : index
    tpu.barrier barrier_id(%barrier3A_35)
    %lt3A_36 = arith.constant 15 : i32
    %lt3A_37 = arith.cmpi slt, %arg1, %lt3A_36 : i32
    %convert_element_type3A_38 = arith.extui %lt3A_37 : i1 to i32
    %cond3A_39 = arith.constant 0 : i32
    %cond3A_40 = arith.cmpi ne, %convert_element_type3A_38, %cond3A_39 : i32
    scf.if %cond3A_40 {
      "tpu.region"() ({
        %run_scoped3A = tpu.sem_alloc : memref<!tpu.dma_semaphore, #tpu.memory_space<semaphore_mem>>
        %dma_start3A = arith.constant 0 : i32
        %dma_start3A_46 = tpu.memref_slice %arg6[%arg0, %multiple_of3A, %dma_start3A] : memref<2x10000x128xf32, #tpu.memory_space<hbm>> -> memref<1x624x128xf32, #tpu.memory_space<hbm>>
        %dma_start3A_47 = tpu.memref_squeeze %dma_start3A_46 : memref<1x624x128xf32, #tpu.memory_space<hbm>> -> memref<624x128xf32, #tpu.memory_space<hbm>>
        %dma_start3A_48 = arith.constant 0 : i32
        %dma_start3A_49 = tpu.memref_slice %arg7[%multiple_of3A, %dma_start3A_48] : memref<10000x128xf32, #tpu.memory_space<vmem_shared>> -> memref<624x128xf32, #tpu.memory_space<vmem_shared>>
        tpu.enqueue_dma source(%dma_start3A_49 : memref<624x128xf32, #tpu.memory_space<vmem_shared>>) target(%dma_start3A_47 : memref<624x128xf32, #tpu.memory_space<hbm>>) target_semaphore(%run_scoped3A : memref<!tpu.dma_semaphore, #tpu.memory_space<semaphore_mem>>)
        %dma_wait3A = arith.constant 0 : i32
        %dma_wait3A_50 = tpu.memref_slice %arg6[%arg0, %multiple_of3A, %dma_wait3A] : memref<2x10000x128xf32, #tpu.memory_space<hbm>> -> memref<1x624x128xf32, #tpu.memory_space<hbm>>
        %dma_wait3A_51 = tpu.memref_squeeze %dma_wait3A_50 : memref<1x624x128xf32, #tpu.memory_space<hbm>> -> memref<624x128xf32, #tpu.memory_space<hbm>>
        %dma_wait3A_52 = arith.constant 0 : i32
        %dma_wait3A_53 = tpu.memref_slice %arg7[%multiple_of3A, %dma_wait3A_52] : memref<10000x128xf32, #tpu.memory_space<vmem_shared>> -> memref<624x128xf32, #tpu.memory_space<vmem_shared>>
        tpu.wait_dma2 semaphore(%run_scoped3A : memref<!tpu.dma_semaphore, #tpu.memory_space<semaphore_mem>>) src(%dma_wait3A_53 : memref<624x128xf32, #tpu.memory_space<vmem_shared>>) dst(%dma_wait3A_51 : memref<624x128xf32, #tpu.memory_space<hbm>>)
        tpu.yield
      }) : () -> ()
    } else {
    }
    %eq3A_41 = arith.constant 15 : i32
    %eq3A_42 = arith.cmpi eq, %arg1, %eq3A_41 : i32
    %convert_element_type3A_43 = arith.extui %eq3A_42 : i1 to i32
    %cond3A_44 = arith.constant 0 : i32
    %cond3A_45 = arith.cmpi ne, %convert_element_type3A_43, %cond3A_44 : i32
    scf.if %cond3A_45 {
      "tpu.region"() ({
        %run_scoped3A = tpu.sem_alloc : memref<!tpu.dma_semaphore, #tpu.memory_space<semaphore_mem>>
        %dma_start3A = arith.constant 9360 : i32
        %dma_start3A_46 = arith.constant 0 : i32
        %dma_start3A_47 = tpu.memref_slice %arg6[%arg0, %dma_start3A, %dma_start3A_46] : memref<2x10000x128xf32, #tpu.memory_space<hbm>> -> memref<1x640x128xf32, #tpu.memory_space<hbm>>
        %dma_start3A_48 = tpu.memref_squeeze %dma_start3A_47 : memref<1x640x128xf32, #tpu.memory_space<hbm>> -> memref<640x128xf32, #tpu.memory_space<hbm>>
        %dma_start3A_49 = arith.constant 9360 : i32
        %dma_start3A_50 = arith.constant 0 : i32
        %dma_start3A_51 = tpu.memref_slice %arg7[%dma_start3A_49, %dma_start3A_50] : memref<10000x128xf32, #tpu.memory_space<vmem_shared>> -> memref<640x128xf32, #tpu.memory_space<vmem_shared>>
        tpu.enqueue_dma source(%dma_start3A_51 : memref<640x128xf32, #tpu.memory_space<vmem_shared>>) target(%dma_start3A_48 : memref<640x128xf32, #tpu.memory_space<hbm>>) target_semaphore(%run_scoped3A : memref<!tpu.dma_semaphore, #tpu.memory_space<semaphore_mem>>)
        %dma_wait3A = arith.constant 9360 : i32
        %dma_wait3A_52 = arith.constant 0 : i32
        %dma_wait3A_53 = tpu.memref_slice %arg6[%arg0, %dma_wait3A, %dma_wait3A_52] : memref<2x10000x128xf32, #tpu.memory_space<hbm>> -> memref<1x640x128xf32, #tpu.memory_space<hbm>>
        %dma_wait3A_54 = tpu.memref_squeeze %dma_wait3A_53 : memref<1x640x128xf32, #tpu.memory_space<hbm>> -> memref<640x128xf32, #tpu.memory_space<hbm>>
        %dma_wait3A_55 = arith.constant 9360 : i32
        %dma_wait3A_56 = arith.constant 0 : i32
        %dma_wait3A_57 = tpu.memref_slice %arg7[%dma_wait3A_55, %dma_wait3A_56] : memref<10000x128xf32, #tpu.memory_space<vmem_shared>> -> memref<640x128xf32, #tpu.memory_space<vmem_shared>>
        tpu.wait_dma2 semaphore(%run_scoped3A : memref<!tpu.dma_semaphore, #tpu.memory_space<semaphore_mem>>) src(%dma_wait3A_57 : memref<640x128xf32, #tpu.memory_space<vmem_shared>>) dst(%dma_wait3A_54 : memref<640x128xf32, #tpu.memory_space<hbm>>)
        tpu.yield
      }) : () -> ()
    } else {
    }
    return
  }
}

#map = affine_map<(d0, d1) -> (0, 0)>
#map1 = affine_map<(d0, d1) -> (0, 0, 0, 0)>
#map2 = affine_map<(d0, d1) -> (0, 0, 0)>
module attributes {stable_mosaic.version = 14 : i64} {
  func.func @_sc_agg(%arg0: i32, %arg1: i32, %arg2: memref<10000x128xf32, #tpu.memory_space<hbm>>, %arg3: memref<32x5x25x80xi32, #tpu.memory_space<hbm>>, %arg4: memref<32x5x25x80xi32, #tpu.memory_space<hbm>>, %arg5: memref<640x128xf32, #tpu.memory_space<hbm>>, %arg6: memref<2x10000x128xf32, #tpu.memory_space<hbm>>, %arg7: memref<10000x128xf32, #tpu.memory_space<vmem_shared>>, %arg8: memref<25x80xi32, #tpu.memory_space<vmem>>, %arg9: memref<25x80xi32, #tpu.memory_space<vmem>>, %arg10: memref<80x128xf32, #tpu.memory_space<vmem>>, %arg11: memref<80x128xf32, #tpu.memory_space<vmem>>, %arg12: memref<80x128xf32, #tpu.memory_space<vmem>>, %arg13: memref<!tpu.dma_semaphore, #tpu.memory_space<semaphore_mem>>, %arg14: memref<!tpu.dma_semaphore, #tpu.memory_space<semaphore_mem>>, %arg15: memref<!tpu.dma_semaphore, #tpu.memory_space<semaphore_mem>>, %arg16: memref<!tpu.dma_semaphore, #tpu.memory_space<semaphore_mem>>) attributes {dimension_semantics = [#tpu.dimension_semantics<core_parallel>, #tpu.dimension_semantics<subcore_parallel>], iteration_bounds = array<i64: 2, 16>, scalar_prefetch = 0 : i64, scratch_operands = 10 : i64, tpu.core_type = #tpu.core_type<sc_vector_subcore>, window_params = [{transform_indices = #map}, {transform_indices = #map1}, {transform_indices = #map1}, {transform_indices = #map}, {transform_indices = #map2}]} {
    %mul3A = arith.constant 2 : i32
    %mul3A_0 = arith.muli %arg1, %mul3A : i32
    %add3A = arith.addi %mul3A_0, %arg0 : i32
    %mul3A_1 = arith.constant 624 : i32
    %mul3A_2 = arith.muli %arg1, %mul3A_1 : i32
    %multiple_of3A = tpu.assume_multiple %mul3A_2, 8 : i32
    %eq3A = arith.constant 0 : i32
    %eq3A_3 = arith.cmpi eq, %arg0, %eq3A : i32
    %lt3A = arith.constant 15 : i32
    %lt3A_4 = arith.cmpi slt, %arg1, %lt3A : i32
    %and3A = arith.andi %eq3A_3, %lt3A_4 : i1
    %convert_element_type3A = arith.extui %and3A : i1 to i32
    %cond3A = arith.constant 0 : i32
    %cond3A_5 = arith.cmpi ne, %convert_element_type3A, %cond3A : i32
    scf.if %cond3A_5 {
      "tpu.region"() ({
        %run_scoped3A = tpu.sem_alloc : memref<!tpu.dma_semaphore, #tpu.memory_space<semaphore_mem>>
        %dma_start3A = arith.constant 0 : i32
        %dma_start3A_46 = tpu.memref_slice %arg7[%multiple_of3A, %dma_start3A] : memref<10000x128xf32, #tpu.memory_space<vmem_shared>> -> memref<624x128xf32, #tpu.memory_space<vmem_shared>>
        %dma_start3A_47 = arith.constant 0 : i32
        %dma_start3A_48 = tpu.memref_slice %arg2[%multiple_of3A, %dma_start3A_47] : memref<10000x128xf32, #tpu.memory_space<hbm>> -> memref<624x128xf32, #tpu.memory_space<hbm>>
        tpu.enqueue_dma source(%dma_start3A_48 : memref<624x128xf32, #tpu.memory_space<hbm>>) target(%dma_start3A_46 : memref<624x128xf32, #tpu.memory_space<vmem_shared>>) target_semaphore(%run_scoped3A : memref<!tpu.dma_semaphore, #tpu.memory_space<semaphore_mem>>)
        %dma_wait3A = arith.constant 0 : i32
        %dma_wait3A_49 = tpu.memref_slice %arg7[%multiple_of3A, %dma_wait3A] : memref<10000x128xf32, #tpu.memory_space<vmem_shared>> -> memref<624x128xf32, #tpu.memory_space<vmem_shared>>
        %dma_wait3A_50 = arith.constant 0 : i32
        %dma_wait3A_51 = tpu.memref_slice %arg2[%multiple_of3A, %dma_wait3A_50] : memref<10000x128xf32, #tpu.memory_space<hbm>> -> memref<624x128xf32, #tpu.memory_space<hbm>>
        tpu.wait_dma2 semaphore(%run_scoped3A : memref<!tpu.dma_semaphore, #tpu.memory_space<semaphore_mem>>) src(%dma_wait3A_51 : memref<624x128xf32, #tpu.memory_space<hbm>>) dst(%dma_wait3A_49 : memref<624x128xf32, #tpu.memory_space<vmem_shared>>)
        tpu.yield
      }) : () -> ()
    } else {
    }
    %eq3A_6 = arith.constant 0 : i32
    %eq3A_7 = arith.cmpi eq, %arg0, %eq3A_6 : i32
    %eq3A_8 = arith.constant 15 : i32
    %eq3A_9 = arith.cmpi eq, %arg1, %eq3A_8 : i32
    %and3A_10 = arith.andi %eq3A_7, %eq3A_9 : i1
    %convert_element_type3A_11 = arith.extui %and3A_10 : i1 to i32
    %cond3A_12 = arith.constant 0 : i32
    %cond3A_13 = arith.cmpi ne, %convert_element_type3A_11, %cond3A_12 : i32
    scf.if %cond3A_13 {
      "tpu.region"() ({
        %run_scoped3A = tpu.sem_alloc : memref<!tpu.dma_semaphore, #tpu.memory_space<semaphore_mem>>
        %dma_start3A = arith.constant 9360 : i32
        %dma_start3A_46 = arith.constant 0 : i32
        %dma_start3A_47 = tpu.memref_slice %arg7[%dma_start3A, %dma_start3A_46] : memref<10000x128xf32, #tpu.memory_space<vmem_shared>> -> memref<640x128xf32, #tpu.memory_space<vmem_shared>>
        %dma_start3A_48 = arith.constant 9360 : i32
        %dma_start3A_49 = arith.constant 0 : i32
        %dma_start3A_50 = tpu.memref_slice %arg2[%dma_start3A_48, %dma_start3A_49] : memref<10000x128xf32, #tpu.memory_space<hbm>> -> memref<640x128xf32, #tpu.memory_space<hbm>>
        tpu.enqueue_dma source(%dma_start3A_50 : memref<640x128xf32, #tpu.memory_space<hbm>>) target(%dma_start3A_47 : memref<640x128xf32, #tpu.memory_space<vmem_shared>>) target_semaphore(%run_scoped3A : memref<!tpu.dma_semaphore, #tpu.memory_space<semaphore_mem>>)
        %dma_wait3A = arith.constant 9360 : i32
        %dma_wait3A_51 = arith.constant 0 : i32
        %dma_wait3A_52 = tpu.memref_slice %arg7[%dma_wait3A, %dma_wait3A_51] : memref<10000x128xf32, #tpu.memory_space<vmem_shared>> -> memref<640x128xf32, #tpu.memory_space<vmem_shared>>
        %dma_wait3A_53 = arith.constant 9360 : i32
        %dma_wait3A_54 = arith.constant 0 : i32
        %dma_wait3A_55 = tpu.memref_slice %arg2[%dma_wait3A_53, %dma_wait3A_54] : memref<10000x128xf32, #tpu.memory_space<hbm>> -> memref<640x128xf32, #tpu.memory_space<hbm>>
        tpu.wait_dma2 semaphore(%run_scoped3A : memref<!tpu.dma_semaphore, #tpu.memory_space<semaphore_mem>>) src(%dma_wait3A_55 : memref<640x128xf32, #tpu.memory_space<hbm>>) dst(%dma_wait3A_52 : memref<640x128xf32, #tpu.memory_space<vmem_shared>>)
        tpu.yield
      }) : () -> ()
    } else {
    }
    %eq3A_14 = arith.constant 1 : i32
    %eq3A_15 = arith.cmpi eq, %arg0, %eq3A_14 : i32
    %lt3A_16 = arith.constant 15 : i32
    %lt3A_17 = arith.cmpi slt, %arg1, %lt3A_16 : i32
    %and3A_18 = arith.andi %eq3A_15, %lt3A_17 : i1
    %convert_element_type3A_19 = arith.extui %and3A_18 : i1 to i32
    %cond3A_20 = arith.constant 0 : i32
    %cond3A_21 = arith.cmpi ne, %convert_element_type3A_19, %cond3A_20 : i32
    scf.if %cond3A_21 {
      "tpu.region"() ({
        %run_scoped3A = tpu.sem_alloc : memref<!tpu.dma_semaphore, #tpu.memory_space<semaphore_mem>>
        %dma_start3A = arith.constant 0 : i32
        %dma_start3A_46 = tpu.memref_slice %arg7[%multiple_of3A, %dma_start3A] : memref<10000x128xf32, #tpu.memory_space<vmem_shared>> -> memref<624x128xf32, #tpu.memory_space<vmem_shared>>
        %dma_start3A_47 = arith.constant 0 : i32
        %dma_start3A_48 = arith.constant 0 : i32
        %dma_start3A_49 = tpu.memref_slice %arg5[%dma_start3A_47, %dma_start3A_48] : memref<640x128xf32, #tpu.memory_space<hbm>> -> memref<624x128xf32, #tpu.memory_space<hbm>>
        tpu.enqueue_dma source(%dma_start3A_49 : memref<624x128xf32, #tpu.memory_space<hbm>>) target(%dma_start3A_46 : memref<624x128xf32, #tpu.memory_space<vmem_shared>>) target_semaphore(%run_scoped3A : memref<!tpu.dma_semaphore, #tpu.memory_space<semaphore_mem>>)
        %dma_wait3A = arith.constant 0 : i32
        %dma_wait3A_50 = tpu.memref_slice %arg7[%multiple_of3A, %dma_wait3A] : memref<10000x128xf32, #tpu.memory_space<vmem_shared>> -> memref<624x128xf32, #tpu.memory_space<vmem_shared>>
        %dma_wait3A_51 = arith.constant 0 : i32
        %dma_wait3A_52 = arith.constant 0 : i32
        %dma_wait3A_53 = tpu.memref_slice %arg5[%dma_wait3A_51, %dma_wait3A_52] : memref<640x128xf32, #tpu.memory_space<hbm>> -> memref<624x128xf32, #tpu.memory_space<hbm>>
        tpu.wait_dma2 semaphore(%run_scoped3A : memref<!tpu.dma_semaphore, #tpu.memory_space<semaphore_mem>>) src(%dma_wait3A_53 : memref<624x128xf32, #tpu.memory_space<hbm>>) dst(%dma_wait3A_50 : memref<624x128xf32, #tpu.memory_space<vmem_shared>>)
        tpu.yield
      }) : () -> ()
    } else {
    }
    %eq3A_22 = arith.constant 1 : i32
    %eq3A_23 = arith.cmpi eq, %arg0, %eq3A_22 : i32
    %eq3A_24 = arith.constant 15 : i32
    %eq3A_25 = arith.cmpi eq, %arg1, %eq3A_24 : i32
    %and3A_26 = arith.andi %eq3A_23, %eq3A_25 : i1
    %convert_element_type3A_27 = arith.extui %and3A_26 : i1 to i32
    %cond3A_28 = arith.constant 0 : i32
    %cond3A_29 = arith.cmpi ne, %convert_element_type3A_27, %cond3A_28 : i32
    scf.if %cond3A_29 {
      "tpu.region"() ({
        %run_scoped3A = tpu.sem_alloc : memref<!tpu.dma_semaphore, #tpu.memory_space<semaphore_mem>>
        %dma_start3A = arith.constant 9360 : i32
        %dma_start3A_46 = arith.constant 0 : i32
        %dma_start3A_47 = tpu.memref_slice %arg7[%dma_start3A, %dma_start3A_46] : memref<10000x128xf32, #tpu.memory_space<vmem_shared>> -> memref<640x128xf32, #tpu.memory_space<vmem_shared>>
        tpu.enqueue_dma source(%arg5 : memref<640x128xf32, #tpu.memory_space<hbm>>) target(%dma_start3A_47 : memref<640x128xf32, #tpu.memory_space<vmem_shared>>) target_semaphore(%run_scoped3A : memref<!tpu.dma_semaphore, #tpu.memory_space<semaphore_mem>>)
        %dma_wait3A = arith.constant 9360 : i32
        %dma_wait3A_48 = arith.constant 0 : i32
        %dma_wait3A_49 = tpu.memref_slice %arg7[%dma_wait3A, %dma_wait3A_48] : memref<10000x128xf32, #tpu.memory_space<vmem_shared>> -> memref<640x128xf32, #tpu.memory_space<vmem_shared>>
        tpu.wait_dma2 semaphore(%run_scoped3A : memref<!tpu.dma_semaphore, #tpu.memory_space<semaphore_mem>>) src(%arg5 : memref<640x128xf32, #tpu.memory_space<hbm>>) dst(%dma_wait3A_49 : memref<640x128xf32, #tpu.memory_space<vmem_shared>>)
        tpu.yield
      }) : () -> ()
    } else {
    }
    %barrier3A = arith.constant 0 : index
    tpu.barrier barrier_id(%barrier3A)
    %scan3A = arith.constant 0 : i32
    %scan3A_30 = arith.constant 0 : i32
    %scan3A_31 = arith.constant 5 : i32
    %scan3A_32 = arith.addi %scan3A_30, %scan3A_31 : i32
    %scan3A_33 = arith.constant 1 : i32
    scf.for %scan3A_46 = %scan3A_30 to %scan3A_32 step %scan3A_33  : i32 {
      "tpu.region"() ({
        %run_scoped3A = tpu.sem_alloc : memref<!tpu.dma_semaphore, #tpu.memory_space<semaphore_mem>>
        %dma_start3A_83 = arith.constant 0 : i32
        %dma_start3A_84 = arith.constant 0 : i32
        %dma_start3A_85 = tpu.memref_slice %arg3[%add3A, %scan3A_46, %dma_start3A_83, %dma_start3A_84] : memref<32x5x25x80xi32, #tpu.memory_space<hbm>> -> memref<1x1x25x80xi32, #tpu.memory_space<hbm>>
        %dma_start3A_86 = tpu.memref_squeeze %dma_start3A_85 : memref<1x1x25x80xi32, #tpu.memory_space<hbm>> -> memref<25x80xi32, #tpu.memory_space<hbm>>
        %dma_start3A_87 = arith.constant 0 : i32
        %dma_start3A_88 = arith.constant 0 : i32
        %dma_start3A_89 = tpu.memref_slice %arg3[%add3A, %scan3A_46, %dma_start3A_87, %dma_start3A_88] : memref<32x5x25x80xi32, #tpu.memory_space<hbm>> -> memref<1x1x25x80xi32, #tpu.memory_space<hbm>>
        %dma_start3A_90 = tpu.memref_squeeze %dma_start3A_89 : memref<1x1x25x80xi32, #tpu.memory_space<hbm>> -> memref<25x80xi32, #tpu.memory_space<hbm>>
        tpu.enqueue_dma source(%dma_start3A_90 : memref<25x80xi32, #tpu.memory_space<hbm>>) target(%arg8 : memref<25x80xi32, #tpu.memory_space<vmem>>) target_semaphore(%run_scoped3A : memref<!tpu.dma_semaphore, #tpu.memory_space<semaphore_mem>>)
        %dma_wait3A_91 = arith.constant 0 : i32
        %dma_wait3A_92 = arith.constant 0 : i32
        %dma_wait3A_93 = tpu.memref_slice %arg3[%add3A, %scan3A_46, %dma_wait3A_91, %dma_wait3A_92] : memref<32x5x25x80xi32, #tpu.memory_space<hbm>> -> memref<1x1x25x80xi32, #tpu.memory_space<hbm>>
        %dma_wait3A_94 = tpu.memref_squeeze %dma_wait3A_93 : memref<1x1x25x80xi32, #tpu.memory_space<hbm>> -> memref<25x80xi32, #tpu.memory_space<hbm>>
        %dma_wait3A_95 = arith.constant 0 : i32
        %dma_wait3A_96 = arith.constant 0 : i32
        %dma_wait3A_97 = tpu.memref_slice %arg3[%add3A, %scan3A_46, %dma_wait3A_95, %dma_wait3A_96] : memref<32x5x25x80xi32, #tpu.memory_space<hbm>> -> memref<1x1x25x80xi32, #tpu.memory_space<hbm>>
        %dma_wait3A_98 = tpu.memref_squeeze %dma_wait3A_97 : memref<1x1x25x80xi32, #tpu.memory_space<hbm>> -> memref<25x80xi32, #tpu.memory_space<hbm>>
        tpu.wait_dma2 semaphore(%run_scoped3A : memref<!tpu.dma_semaphore, #tpu.memory_space<semaphore_mem>>) src(%dma_wait3A_98 : memref<25x80xi32, #tpu.memory_space<hbm>>) dst(%arg8 : memref<25x80xi32, #tpu.memory_space<vmem>>)
        tpu.yield
      }) : () -> ()
      "tpu.region"() ({
        %run_scoped3A = tpu.sem_alloc : memref<!tpu.dma_semaphore, #tpu.memory_space<semaphore_mem>>
        %dma_start3A_83 = arith.constant 0 : i32
        %dma_start3A_84 = arith.constant 0 : i32
        %dma_start3A_85 = tpu.memref_slice %arg4[%add3A, %scan3A_46, %dma_start3A_83, %dma_start3A_84] : memref<32x5x25x80xi32, #tpu.memory_space<hbm>> -> memref<1x1x25x80xi32, #tpu.memory_space<hbm>>
        %dma_start3A_86 = tpu.memref_squeeze %dma_start3A_85 : memref<1x1x25x80xi32, #tpu.memory_space<hbm>> -> memref<25x80xi32, #tpu.memory_space<hbm>>
        %dma_start3A_87 = arith.constant 0 : i32
        %dma_start3A_88 = arith.constant 0 : i32
        %dma_start3A_89 = tpu.memref_slice %arg4[%add3A, %scan3A_46, %dma_start3A_87, %dma_start3A_88] : memref<32x5x25x80xi32, #tpu.memory_space<hbm>> -> memref<1x1x25x80xi32, #tpu.memory_space<hbm>>
        %dma_start3A_90 = tpu.memref_squeeze %dma_start3A_89 : memref<1x1x25x80xi32, #tpu.memory_space<hbm>> -> memref<25x80xi32, #tpu.memory_space<hbm>>
        tpu.enqueue_dma source(%dma_start3A_90 : memref<25x80xi32, #tpu.memory_space<hbm>>) target(%arg9 : memref<25x80xi32, #tpu.memory_space<vmem>>) target_semaphore(%run_scoped3A : memref<!tpu.dma_semaphore, #tpu.memory_space<semaphore_mem>>)
        %dma_wait3A_91 = arith.constant 0 : i32
        %dma_wait3A_92 = arith.constant 0 : i32
        %dma_wait3A_93 = tpu.memref_slice %arg4[%add3A, %scan3A_46, %dma_wait3A_91, %dma_wait3A_92] : memref<32x5x25x80xi32, #tpu.memory_space<hbm>> -> memref<1x1x25x80xi32, #tpu.memory_space<hbm>>
        %dma_wait3A_94 = tpu.memref_squeeze %dma_wait3A_93 : memref<1x1x25x80xi32, #tpu.memory_space<hbm>> -> memref<25x80xi32, #tpu.memory_space<hbm>>
        %dma_wait3A_95 = arith.constant 0 : i32
        %dma_wait3A_96 = arith.constant 0 : i32
        %dma_wait3A_97 = tpu.memref_slice %arg4[%add3A, %scan3A_46, %dma_wait3A_95, %dma_wait3A_96] : memref<32x5x25x80xi32, #tpu.memory_space<hbm>> -> memref<1x1x25x80xi32, #tpu.memory_space<hbm>>
        %dma_wait3A_98 = tpu.memref_squeeze %dma_wait3A_97 : memref<1x1x25x80xi32, #tpu.memory_space<hbm>> -> memref<25x80xi32, #tpu.memory_space<hbm>>
        tpu.wait_dma2 semaphore(%run_scoped3A : memref<!tpu.dma_semaphore, #tpu.memory_space<semaphore_mem>>) src(%dma_wait3A_98 : memref<25x80xi32, #tpu.memory_space<hbm>>) dst(%arg9 : memref<25x80xi32, #tpu.memory_space<vmem>>)
        tpu.yield
      }) : () -> ()
      %dma_start3A = arith.constant 0 : i32
      %dma_start3A_47 = arith.constant 0 : i32
      %dma_start3A_48 = tpu.memref_slice %arg8[%dma_start3A, %dma_start3A_47] : memref<25x80xi32, #tpu.memory_space<vmem>> -> memref<1x80xi32, #tpu.memory_space<vmem>>
      %dma_start3A_49 = tpu.memref_squeeze %dma_start3A_48 : memref<1x80xi32, #tpu.memory_space<vmem>> -> memref<80xi32, #tpu.memory_space<vmem>>
      %dma_start3A_50 = arith.constant 0 : i32
      %dma_start3A_51 = arith.constant 0 : i32
      %dma_start3A_52 = tpu.memref_slice %arg2[%dma_start3A_50, %dma_start3A_51] : memref<10000x128xf32, #tpu.memory_space<hbm>> -> memref<10000x128xf32, #tpu.memory_space<hbm>>
      tpu.enqueue_indirect_dma source(%dma_start3A_52 : memref<10000x128xf32, #tpu.memory_space<hbm>>) target(%arg10 : memref<80x128xf32, #tpu.memory_space<vmem>>) offsets(%dma_start3A_49 : memref<80xi32, #tpu.memory_space<vmem>>) semaphore(%arg13 : memref<!tpu.dma_semaphore, #tpu.memory_space<semaphore_mem>>)
      %dma_start3A_53 = arith.constant 1 : i32
      %dma_start3A_54 = arith.constant 0 : i32
      %dma_start3A_55 = tpu.memref_slice %arg8[%dma_start3A_53, %dma_start3A_54] : memref<25x80xi32, #tpu.memory_space<vmem>> -> memref<1x80xi32, #tpu.memory_space<vmem>>
      %dma_start3A_56 = tpu.memref_squeeze %dma_start3A_55 : memref<1x80xi32, #tpu.memory_space<vmem>> -> memref<80xi32, #tpu.memory_space<vmem>>
      %dma_start3A_57 = arith.constant 0 : i32
      %dma_start3A_58 = arith.constant 0 : i32
      %dma_start3A_59 = tpu.memref_slice %arg2[%dma_start3A_57, %dma_start3A_58] : memref<10000x128xf32, #tpu.memory_space<hbm>> -> memref<10000x128xf32, #tpu.memory_space<hbm>>
      tpu.enqueue_indirect_dma source(%dma_start3A_59 : memref<10000x128xf32, #tpu.memory_space<hbm>>) target(%arg11 : memref<80x128xf32, #tpu.memory_space<vmem>>) offsets(%dma_start3A_56 : memref<80xi32, #tpu.memory_space<vmem>>) semaphore(%arg14 : memref<!tpu.dma_semaphore, #tpu.memory_space<semaphore_mem>>)
      %scan3A_60 = arith.constant 0 : i32
      %scan3A_61 = arith.constant 0 : i32
      %scan3A_62 = arith.constant 25 : i32
      %scan3A_63 = arith.addi %scan3A_61, %scan3A_62 : i32
      %scan3A_64 = arith.constant 1 : i32
      scf.for %scan3A_83 = %scan3A_61 to %scan3A_63 step %scan3A_64  : i32 {
        %jit3A = arith.constant 3 : i32
        %eq3A_84 = arith.constant 0 : i32
        %eq3A_85 = arith.cmpi eq, %jit3A, %eq3A_84 : i32
        %jit3A_86 = arith.constant 1 : i32
        %select_n3A = arith.select %eq3A_85, %jit3A_86, %jit3A : i32
        %rem3A = arith.remsi %scan3A_83, %select_n3A : i32
        %ne3A = arith.constant 0 : i32
        %ne3A_87 = arith.cmpi ne, %rem3A, %ne3A : i32
        %lt3A_88 = arith.constant 0 : i32
        %lt3A_89 = arith.cmpi slt, %rem3A, %lt3A_88 : i32
        %lt3A_90 = arith.constant 0 : i32
        %lt3A_91 = arith.cmpi slt, %select_n3A, %lt3A_90 : i32
        %ne3A_92 = arith.xori %lt3A_89, %lt3A_91 : i1
        %and3A_93 = arith.andi %ne3A_92, %ne3A_87 : i1
        %add3A_94 = arith.addi %rem3A, %select_n3A : i32
        %select_n3A_95 = arith.select %and3A_93, %add3A_94, %rem3A : i32
        %eq3A_96 = arith.constant 0 : i32
        %eq3A_97 = arith.cmpi eq, %select_n3A_95, %eq3A_96 : i32
        %convert_element_type3A_98 = arith.extui %eq3A_97 : i1 to i32
        %cond3A_99 = arith.constant 0 : i32
        %cond3A_100 = arith.cmpi ne, %convert_element_type3A_98, %cond3A_99 : i32
        scf.if %cond3A_100 {
          %dma_wait3A_143 = arith.constant 0 : i32
          %dma_wait3A_144 = arith.constant 0 : i32
          %dma_wait3A_145 = tpu.memref_slice %arg2[%dma_wait3A_143, %dma_wait3A_144] : memref<10000x128xf32, #tpu.memory_space<hbm>> -> memref<80x128xf32, #tpu.memory_space<hbm>>
          %dma_wait3A_146 = arith.constant 0 : i32
          %dma_wait3A_147 = arith.constant 0 : i32
          %dma_wait3A_148 = tpu.memref_slice %arg2[%dma_wait3A_146, %dma_wait3A_147] : memref<10000x128xf32, #tpu.memory_space<hbm>> -> memref<80x128xf32, #tpu.memory_space<hbm>>
          tpu.wait_dma2 semaphore(%arg13 : memref<!tpu.dma_semaphore, #tpu.memory_space<semaphore_mem>>) src(%dma_wait3A_148 : memref<80x128xf32, #tpu.memory_space<hbm>>) dst(%arg10 : memref<80x128xf32, #tpu.memory_space<vmem>>)
          %dma_start3A_149 = arith.constant 0 : i32
          %dma_start3A_150 = tpu.memref_slice %arg9[%scan3A_83, %dma_start3A_149] : memref<25x80xi32, #tpu.memory_space<vmem>> -> memref<1x80xi32, #tpu.memory_space<vmem>>
          %dma_start3A_151 = tpu.memref_squeeze %dma_start3A_150 : memref<1x80xi32, #tpu.memory_space<vmem>> -> memref<80xi32, #tpu.memory_space<vmem>>
          %dma_start3A_152 = arith.constant 0 : i32
          %dma_start3A_153 = arith.constant 0 : i32
          %dma_start3A_154 = tpu.memref_slice %arg7[%dma_start3A_152, %dma_start3A_153] : memref<10000x128xf32, #tpu.memory_space<vmem_shared>> -> memref<10000x128xf32, #tpu.memory_space<vmem_shared>>
          tpu.enqueue_indirect_dma source(%arg10 : memref<80x128xf32, #tpu.memory_space<vmem>>) target(%dma_start3A_154 : memref<10000x128xf32, #tpu.memory_space<vmem_shared>>) offsets(%dma_start3A_151 : memref<80xi32, #tpu.memory_space<vmem>>) semaphore(%arg16 : memref<!tpu.dma_semaphore, #tpu.memory_space<semaphore_mem>>) {add = true}
          %add3A_155 = arith.constant 2 : i32
          %add3A_156 = arith.addi %scan3A_83, %add3A_155 : i32
          %lt3A_157 = arith.constant 25 : i32
          %lt3A_158 = arith.cmpi slt, %add3A_156, %lt3A_157 : i32
          %convert_element_type3A_159 = arith.extui %lt3A_158 : i1 to i32
          %cond3A_160 = arith.constant 0 : i32
          %cond3A_161 = arith.cmpi ne, %convert_element_type3A_159, %cond3A_160 : i32
          scf.if %cond3A_161 {
            %ge3A = arith.constant 1 : i32
            %ge3A_162 = arith.cmpi sge, %scan3A_83, %ge3A : i32
            %convert_element_type3A_163 = arith.extui %ge3A_162 : i1 to i32
            %cond3A_164 = arith.constant 0 : i32
            %cond3A_165 = arith.cmpi ne, %convert_element_type3A_163, %cond3A_164 : i32
            scf.if %cond3A_165 {
              %dma_wait3A_174 = arith.constant 0 : i32
              %dma_wait3A_175 = arith.constant 0 : i32
              %dma_wait3A_176 = tpu.memref_slice %arg2[%dma_wait3A_174, %dma_wait3A_175] : memref<10000x128xf32, #tpu.memory_space<hbm>> -> memref<80x128xf32, #tpu.memory_space<hbm>>
              %dma_wait3A_177 = arith.constant 0 : i32
              %dma_wait3A_178 = arith.constant 0 : i32
              %dma_wait3A_179 = tpu.memref_slice %arg2[%dma_wait3A_177, %dma_wait3A_178] : memref<10000x128xf32, #tpu.memory_space<hbm>> -> memref<80x128xf32, #tpu.memory_space<hbm>>
              tpu.wait_dma2 semaphore(%arg16 : memref<!tpu.dma_semaphore, #tpu.memory_space<semaphore_mem>>) src(%dma_wait3A_179 : memref<80x128xf32, #tpu.memory_space<hbm>>) dst(%arg10 : memref<80x128xf32, #tpu.memory_space<vmem>>)
            } else {
            }
            %add3A_166 = arith.constant 2 : i32
            %add3A_167 = arith.addi %scan3A_83, %add3A_166 : i32
            %dma_start3A_168 = arith.constant 0 : i32
            %dma_start3A_169 = tpu.memref_slice %arg8[%add3A_167, %dma_start3A_168] : memref<25x80xi32, #tpu.memory_space<vmem>> -> memref<1x80xi32, #tpu.memory_space<vmem>>
            %dma_start3A_170 = tpu.memref_squeeze %dma_start3A_169 : memref<1x80xi32, #tpu.memory_space<vmem>> -> memref<80xi32, #tpu.memory_space<vmem>>
            %dma_start3A_171 = arith.constant 0 : i32
            %dma_start3A_172 = arith.constant 0 : i32
            %dma_start3A_173 = tpu.memref_slice %arg2[%dma_start3A_171, %dma_start3A_172] : memref<10000x128xf32, #tpu.memory_space<hbm>> -> memref<10000x128xf32, #tpu.memory_space<hbm>>
            tpu.enqueue_indirect_dma source(%dma_start3A_173 : memref<10000x128xf32, #tpu.memory_space<hbm>>) target(%arg12 : memref<80x128xf32, #tpu.memory_space<vmem>>) offsets(%dma_start3A_170 : memref<80xi32, #tpu.memory_space<vmem>>) semaphore(%arg15 : memref<!tpu.dma_semaphore, #tpu.memory_space<semaphore_mem>>)
          } else {
          }
        } else {
        }
        %jit3A_101 = arith.constant 3 : i32
        %eq3A_102 = arith.constant 0 : i32
        %eq3A_103 = arith.cmpi eq, %jit3A_101, %eq3A_102 : i32
        %jit3A_104 = arith.constant 1 : i32
        %select_n3A_105 = arith.select %eq3A_103, %jit3A_104, %jit3A_101 : i32
        %rem3A_106 = arith.remsi %scan3A_83, %select_n3A_105 : i32
        %ne3A_107 = arith.constant 0 : i32
        %ne3A_108 = arith.cmpi ne, %rem3A_106, %ne3A_107 : i32
        %lt3A_109 = arith.constant 0 : i32
        %lt3A_110 = arith.cmpi slt, %rem3A_106, %lt3A_109 : i32
        %lt3A_111 = arith.constant 0 : i32
        %lt3A_112 = arith.cmpi slt, %select_n3A_105, %lt3A_111 : i32
        %ne3A_113 = arith.xori %lt3A_110, %lt3A_112 : i1
        %and3A_114 = arith.andi %ne3A_113, %ne3A_108 : i1
        %add3A_115 = arith.addi %rem3A_106, %select_n3A_105 : i32
        %select_n3A_116 = arith.select %and3A_114, %add3A_115, %rem3A_106 : i32
        %eq3A_117 = arith.constant 1 : i32
        %eq3A_118 = arith.cmpi eq, %select_n3A_116, %eq3A_117 : i32
        %convert_element_type3A_119 = arith.extui %eq3A_118 : i1 to i32
        %cond3A_120 = arith.constant 0 : i32
        %cond3A_121 = arith.cmpi ne, %convert_element_type3A_119, %cond3A_120 : i32
        scf.if %cond3A_121 {
          %dma_wait3A_143 = arith.constant 0 : i32
          %dma_wait3A_144 = arith.constant 0 : i32
          %dma_wait3A_145 = tpu.memref_slice %arg2[%dma_wait3A_143, %dma_wait3A_144] : memref<10000x128xf32, #tpu.memory_space<hbm>> -> memref<80x128xf32, #tpu.memory_space<hbm>>
          %dma_wait3A_146 = arith.constant 0 : i32
          %dma_wait3A_147 = arith.constant 0 : i32
          %dma_wait3A_148 = tpu.memref_slice %arg2[%dma_wait3A_146, %dma_wait3A_147] : memref<10000x128xf32, #tpu.memory_space<hbm>> -> memref<80x128xf32, #tpu.memory_space<hbm>>
          tpu.wait_dma2 semaphore(%arg14 : memref<!tpu.dma_semaphore, #tpu.memory_space<semaphore_mem>>) src(%dma_wait3A_148 : memref<80x128xf32, #tpu.memory_space<hbm>>) dst(%arg11 : memref<80x128xf32, #tpu.memory_space<vmem>>)
          %dma_start3A_149 = arith.constant 0 : i32
          %dma_start3A_150 = tpu.memref_slice %arg9[%scan3A_83, %dma_start3A_149] : memref<25x80xi32, #tpu.memory_space<vmem>> -> memref<1x80xi32, #tpu.memory_space<vmem>>
          %dma_start3A_151 = tpu.memref_squeeze %dma_start3A_150 : memref<1x80xi32, #tpu.memory_space<vmem>> -> memref<80xi32, #tpu.memory_space<vmem>>
          %dma_start3A_152 = arith.constant 0 : i32
          %dma_start3A_153 = arith.constant 0 : i32
          %dma_start3A_154 = tpu.memref_slice %arg7[%dma_start3A_152, %dma_start3A_153] : memref<10000x128xf32, #tpu.memory_space<vmem_shared>> -> memref<10000x128xf32, #tpu.memory_space<vmem_shared>>
          tpu.enqueue_indirect_dma source(%arg11 : memref<80x128xf32, #tpu.memory_space<vmem>>) target(%dma_start3A_154 : memref<10000x128xf32, #tpu.memory_space<vmem_shared>>) offsets(%dma_start3A_151 : memref<80xi32, #tpu.memory_space<vmem>>) semaphore(%arg16 : memref<!tpu.dma_semaphore, #tpu.memory_space<semaphore_mem>>) {add = true}
          %add3A_155 = arith.constant 2 : i32
          %add3A_156 = arith.addi %scan3A_83, %add3A_155 : i32
          %lt3A_157 = arith.constant 25 : i32
          %lt3A_158 = arith.cmpi slt, %add3A_156, %lt3A_157 : i32
          %convert_element_type3A_159 = arith.extui %lt3A_158 : i1 to i32
          %cond3A_160 = arith.constant 0 : i32
          %cond3A_161 = arith.cmpi ne, %convert_element_type3A_159, %cond3A_160 : i32
          scf.if %cond3A_161 {
            %ge3A = arith.constant 1 : i32
            %ge3A_162 = arith.cmpi sge, %scan3A_83, %ge3A : i32
            %convert_element_type3A_163 = arith.extui %ge3A_162 : i1 to i32
            %cond3A_164 = arith.constant 0 : i32
            %cond3A_165 = arith.cmpi ne, %convert_element_type3A_163, %cond3A_164 : i32
            scf.if %cond3A_165 {
              %dma_wait3A_174 = arith.constant 0 : i32
              %dma_wait3A_175 = arith.constant 0 : i32
              %dma_wait3A_176 = tpu.memref_slice %arg2[%dma_wait3A_174, %dma_wait3A_175] : memref<10000x128xf32, #tpu.memory_space<hbm>> -> memref<80x128xf32, #tpu.memory_space<hbm>>
              %dma_wait3A_177 = arith.constant 0 : i32
              %dma_wait3A_178 = arith.constant 0 : i32
              %dma_wait3A_179 = tpu.memref_slice %arg2[%dma_wait3A_177, %dma_wait3A_178] : memref<10000x128xf32, #tpu.memory_space<hbm>> -> memref<80x128xf32, #tpu.memory_space<hbm>>
              tpu.wait_dma2 semaphore(%arg16 : memref<!tpu.dma_semaphore, #tpu.memory_space<semaphore_mem>>) src(%dma_wait3A_179 : memref<80x128xf32, #tpu.memory_space<hbm>>) dst(%arg10 : memref<80x128xf32, #tpu.memory_space<vmem>>)
            } else {
            }
            %add3A_166 = arith.constant 2 : i32
            %add3A_167 = arith.addi %scan3A_83, %add3A_166 : i32
            %dma_start3A_168 = arith.constant 0 : i32
            %dma_start3A_169 = tpu.memref_slice %arg8[%add3A_167, %dma_start3A_168] : memref<25x80xi32, #tpu.memory_space<vmem>> -> memref<1x80xi32, #tpu.memory_space<vmem>>
            %dma_start3A_170 = tpu.memref_squeeze %dma_start3A_169 : memref<1x80xi32, #tpu.memory_space<vmem>> -> memref<80xi32, #tpu.memory_space<vmem>>
            %dma_start3A_171 = arith.constant 0 : i32
            %dma_start3A_172 = arith.constant 0 : i32
            %dma_start3A_173 = tpu.memref_slice %arg2[%dma_start3A_171, %dma_start3A_172] : memref<10000x128xf32, #tpu.memory_space<hbm>> -> memref<10000x128xf32, #tpu.memory_space<hbm>>
            tpu.enqueue_indirect_dma source(%dma_start3A_173 : memref<10000x128xf32, #tpu.memory_space<hbm>>) target(%arg10 : memref<80x128xf32, #tpu.memory_space<vmem>>) offsets(%dma_start3A_170 : memref<80xi32, #tpu.memory_space<vmem>>) semaphore(%arg13 : memref<!tpu.dma_semaphore, #tpu.memory_space<semaphore_mem>>)
          } else {
          }
        } else {
        }
        %jit3A_122 = arith.constant 3 : i32
        %eq3A_123 = arith.constant 0 : i32
        %eq3A_124 = arith.cmpi eq, %jit3A_122, %eq3A_123 : i32
        %jit3A_125 = arith.constant 1 : i32
        %select_n3A_126 = arith.select %eq3A_124, %jit3A_125, %jit3A_122 : i32
        %rem3A_127 = arith.remsi %scan3A_83, %select_n3A_126 : i32
        %ne3A_128 = arith.constant 0 : i32
        %ne3A_129 = arith.cmpi ne, %rem3A_127, %ne3A_128 : i32
        %lt3A_130 = arith.constant 0 : i32
        %lt3A_131 = arith.cmpi slt, %rem3A_127, %lt3A_130 : i32
        %lt3A_132 = arith.constant 0 : i32
        %lt3A_133 = arith.cmpi slt, %select_n3A_126, %lt3A_132 : i32
        %ne3A_134 = arith.xori %lt3A_131, %lt3A_133 : i1
        %and3A_135 = arith.andi %ne3A_134, %ne3A_129 : i1
        %add3A_136 = arith.addi %rem3A_127, %select_n3A_126 : i32
        %select_n3A_137 = arith.select %and3A_135, %add3A_136, %rem3A_127 : i32
        %eq3A_138 = arith.constant 2 : i32
        %eq3A_139 = arith.cmpi eq, %select_n3A_137, %eq3A_138 : i32
        %convert_element_type3A_140 = arith.extui %eq3A_139 : i1 to i32
        %cond3A_141 = arith.constant 0 : i32
        %cond3A_142 = arith.cmpi ne, %convert_element_type3A_140, %cond3A_141 : i32
        scf.if %cond3A_142 {
          %dma_wait3A_143 = arith.constant 0 : i32
          %dma_wait3A_144 = arith.constant 0 : i32
          %dma_wait3A_145 = tpu.memref_slice %arg2[%dma_wait3A_143, %dma_wait3A_144] : memref<10000x128xf32, #tpu.memory_space<hbm>> -> memref<80x128xf32, #tpu.memory_space<hbm>>
          %dma_wait3A_146 = arith.constant 0 : i32
          %dma_wait3A_147 = arith.constant 0 : i32
          %dma_wait3A_148 = tpu.memref_slice %arg2[%dma_wait3A_146, %dma_wait3A_147] : memref<10000x128xf32, #tpu.memory_space<hbm>> -> memref<80x128xf32, #tpu.memory_space<hbm>>
          tpu.wait_dma2 semaphore(%arg15 : memref<!tpu.dma_semaphore, #tpu.memory_space<semaphore_mem>>) src(%dma_wait3A_148 : memref<80x128xf32, #tpu.memory_space<hbm>>) dst(%arg12 : memref<80x128xf32, #tpu.memory_space<vmem>>)
          %dma_start3A_149 = arith.constant 0 : i32
          %dma_start3A_150 = tpu.memref_slice %arg9[%scan3A_83, %dma_start3A_149] : memref<25x80xi32, #tpu.memory_space<vmem>> -> memref<1x80xi32, #tpu.memory_space<vmem>>
          %dma_start3A_151 = tpu.memref_squeeze %dma_start3A_150 : memref<1x80xi32, #tpu.memory_space<vmem>> -> memref<80xi32, #tpu.memory_space<vmem>>
          %dma_start3A_152 = arith.constant 0 : i32
          %dma_start3A_153 = arith.constant 0 : i32
          %dma_start3A_154 = tpu.memref_slice %arg7[%dma_start3A_152, %dma_start3A_153] : memref<10000x128xf32, #tpu.memory_space<vmem_shared>> -> memref<10000x128xf32, #tpu.memory_space<vmem_shared>>
          tpu.enqueue_indirect_dma source(%arg12 : memref<80x128xf32, #tpu.memory_space<vmem>>) target(%dma_start3A_154 : memref<10000x128xf32, #tpu.memory_space<vmem_shared>>) offsets(%dma_start3A_151 : memref<80xi32, #tpu.memory_space<vmem>>) semaphore(%arg16 : memref<!tpu.dma_semaphore, #tpu.memory_space<semaphore_mem>>) {add = true}
          %add3A_155 = arith.constant 2 : i32
          %add3A_156 = arith.addi %scan3A_83, %add3A_155 : i32
          %lt3A_157 = arith.constant 25 : i32
          %lt3A_158 = arith.cmpi slt, %add3A_156, %lt3A_157 : i32
          %convert_element_type3A_159 = arith.extui %lt3A_158 : i1 to i32
          %cond3A_160 = arith.constant 0 : i32
          %cond3A_161 = arith.cmpi ne, %convert_element_type3A_159, %cond3A_160 : i32
          scf.if %cond3A_161 {
            %ge3A = arith.constant 1 : i32
            %ge3A_162 = arith.cmpi sge, %scan3A_83, %ge3A : i32
            %convert_element_type3A_163 = arith.extui %ge3A_162 : i1 to i32
            %cond3A_164 = arith.constant 0 : i32
            %cond3A_165 = arith.cmpi ne, %convert_element_type3A_163, %cond3A_164 : i32
            scf.if %cond3A_165 {
              %dma_wait3A_174 = arith.constant 0 : i32
              %dma_wait3A_175 = arith.constant 0 : i32
              %dma_wait3A_176 = tpu.memref_slice %arg2[%dma_wait3A_174, %dma_wait3A_175] : memref<10000x128xf32, #tpu.memory_space<hbm>> -> memref<80x128xf32, #tpu.memory_space<hbm>>
              %dma_wait3A_177 = arith.constant 0 : i32
              %dma_wait3A_178 = arith.constant 0 : i32
              %dma_wait3A_179 = tpu.memref_slice %arg2[%dma_wait3A_177, %dma_wait3A_178] : memref<10000x128xf32, #tpu.memory_space<hbm>> -> memref<80x128xf32, #tpu.memory_space<hbm>>
              tpu.wait_dma2 semaphore(%arg16 : memref<!tpu.dma_semaphore, #tpu.memory_space<semaphore_mem>>) src(%dma_wait3A_179 : memref<80x128xf32, #tpu.memory_space<hbm>>) dst(%arg10 : memref<80x128xf32, #tpu.memory_space<vmem>>)
            } else {
            }
            %add3A_166 = arith.constant 2 : i32
            %add3A_167 = arith.addi %scan3A_83, %add3A_166 : i32
            %dma_start3A_168 = arith.constant 0 : i32
            %dma_start3A_169 = tpu.memref_slice %arg8[%add3A_167, %dma_start3A_168] : memref<25x80xi32, #tpu.memory_space<vmem>> -> memref<1x80xi32, #tpu.memory_space<vmem>>
            %dma_start3A_170 = tpu.memref_squeeze %dma_start3A_169 : memref<1x80xi32, #tpu.memory_space<vmem>> -> memref<80xi32, #tpu.memory_space<vmem>>
            %dma_start3A_171 = arith.constant 0 : i32
            %dma_start3A_172 = arith.constant 0 : i32
            %dma_start3A_173 = tpu.memref_slice %arg2[%dma_start3A_171, %dma_start3A_172] : memref<10000x128xf32, #tpu.memory_space<hbm>> -> memref<10000x128xf32, #tpu.memory_space<hbm>>
            tpu.enqueue_indirect_dma source(%dma_start3A_173 : memref<10000x128xf32, #tpu.memory_space<hbm>>) target(%arg11 : memref<80x128xf32, #tpu.memory_space<vmem>>) offsets(%dma_start3A_170 : memref<80xi32, #tpu.memory_space<vmem>>) semaphore(%arg14 : memref<!tpu.dma_semaphore, #tpu.memory_space<semaphore_mem>>)
          } else {
          }
        } else {
        }
      }
      %scan3A_65 = arith.constant 25 : i32
      %dma_wait3A = arith.constant 0 : i32
      %dma_wait3A_66 = arith.constant 0 : i32
      %dma_wait3A_67 = tpu.memref_slice %arg2[%dma_wait3A, %dma_wait3A_66] : memref<10000x128xf32, #tpu.memory_space<hbm>> -> memref<80x128xf32, #tpu.memory_space<hbm>>
      %dma_wait3A_68 = arith.constant 0 : i32
      %dma_wait3A_69 = arith.constant 0 : i32
      %dma_wait3A_70 = tpu.memref_slice %arg2[%dma_wait3A_68, %dma_wait3A_69] : memref<10000x128xf32, #tpu.memory_space<hbm>> -> memref<80x128xf32, #tpu.memory_space<hbm>>
      tpu.wait_dma2 semaphore(%arg16 : memref<!tpu.dma_semaphore, #tpu.memory_space<semaphore_mem>>) src(%dma_wait3A_70 : memref<80x128xf32, #tpu.memory_space<hbm>>) dst(%arg10 : memref<80x128xf32, #tpu.memory_space<vmem>>)
      %dma_wait3A_71 = arith.constant 0 : i32
      %dma_wait3A_72 = arith.constant 0 : i32
      %dma_wait3A_73 = tpu.memref_slice %arg2[%dma_wait3A_71, %dma_wait3A_72] : memref<10000x128xf32, #tpu.memory_space<hbm>> -> memref<80x128xf32, #tpu.memory_space<hbm>>
      %dma_wait3A_74 = arith.constant 0 : i32
      %dma_wait3A_75 = arith.constant 0 : i32
      %dma_wait3A_76 = tpu.memref_slice %arg2[%dma_wait3A_74, %dma_wait3A_75] : memref<10000x128xf32, #tpu.memory_space<hbm>> -> memref<80x128xf32, #tpu.memory_space<hbm>>
      tpu.wait_dma2 semaphore(%arg16 : memref<!tpu.dma_semaphore, #tpu.memory_space<semaphore_mem>>) src(%dma_wait3A_76 : memref<80x128xf32, #tpu.memory_space<hbm>>) dst(%arg10 : memref<80x128xf32, #tpu.memory_space<vmem>>)
      %dma_wait3A_77 = arith.constant 0 : i32
      %dma_wait3A_78 = arith.constant 0 : i32
      %dma_wait3A_79 = tpu.memref_slice %arg2[%dma_wait3A_77, %dma_wait3A_78] : memref<10000x128xf32, #tpu.memory_space<hbm>> -> memref<80x128xf32, #tpu.memory_space<hbm>>
      %dma_wait3A_80 = arith.constant 0 : i32
      %dma_wait3A_81 = arith.constant 0 : i32
      %dma_wait3A_82 = tpu.memref_slice %arg2[%dma_wait3A_80, %dma_wait3A_81] : memref<10000x128xf32, #tpu.memory_space<hbm>> -> memref<80x128xf32, #tpu.memory_space<hbm>>
      tpu.wait_dma2 semaphore(%arg16 : memref<!tpu.dma_semaphore, #tpu.memory_space<semaphore_mem>>) src(%dma_wait3A_82 : memref<80x128xf32, #tpu.memory_space<hbm>>) dst(%arg10 : memref<80x128xf32, #tpu.memory_space<vmem>>)
    }
    %scan3A_34 = arith.constant 5 : i32
    %barrier3A_35 = arith.constant 0 : index
    tpu.barrier barrier_id(%barrier3A_35)
    %lt3A_36 = arith.constant 15 : i32
    %lt3A_37 = arith.cmpi slt, %arg1, %lt3A_36 : i32
    %convert_element_type3A_38 = arith.extui %lt3A_37 : i1 to i32
    %cond3A_39 = arith.constant 0 : i32
    %cond3A_40 = arith.cmpi ne, %convert_element_type3A_38, %cond3A_39 : i32
    scf.if %cond3A_40 {
      "tpu.region"() ({
        %run_scoped3A = tpu.sem_alloc : memref<!tpu.dma_semaphore, #tpu.memory_space<semaphore_mem>>
        %dma_start3A = arith.constant 0 : i32
        %dma_start3A_46 = tpu.memref_slice %arg6[%arg0, %multiple_of3A, %dma_start3A] : memref<2x10000x128xf32, #tpu.memory_space<hbm>> -> memref<1x624x128xf32, #tpu.memory_space<hbm>>
        %dma_start3A_47 = tpu.memref_squeeze %dma_start3A_46 : memref<1x624x128xf32, #tpu.memory_space<hbm>> -> memref<624x128xf32, #tpu.memory_space<hbm>>
        %dma_start3A_48 = arith.constant 0 : i32
        %dma_start3A_49 = tpu.memref_slice %arg7[%multiple_of3A, %dma_start3A_48] : memref<10000x128xf32, #tpu.memory_space<vmem_shared>> -> memref<624x128xf32, #tpu.memory_space<vmem_shared>>
        tpu.enqueue_dma source(%dma_start3A_49 : memref<624x128xf32, #tpu.memory_space<vmem_shared>>) target(%dma_start3A_47 : memref<624x128xf32, #tpu.memory_space<hbm>>) target_semaphore(%run_scoped3A : memref<!tpu.dma_semaphore, #tpu.memory_space<semaphore_mem>>)
        %dma_wait3A = arith.constant 0 : i32
        %dma_wait3A_50 = tpu.memref_slice %arg6[%arg0, %multiple_of3A, %dma_wait3A] : memref<2x10000x128xf32, #tpu.memory_space<hbm>> -> memref<1x624x128xf32, #tpu.memory_space<hbm>>
        %dma_wait3A_51 = tpu.memref_squeeze %dma_wait3A_50 : memref<1x624x128xf32, #tpu.memory_space<hbm>> -> memref<624x128xf32, #tpu.memory_space<hbm>>
        %dma_wait3A_52 = arith.constant 0 : i32
        %dma_wait3A_53 = tpu.memref_slice %arg7[%multiple_of3A, %dma_wait3A_52] : memref<10000x128xf32, #tpu.memory_space<vmem_shared>> -> memref<624x128xf32, #tpu.memory_space<vmem_shared>>
        tpu.wait_dma2 semaphore(%run_scoped3A : memref<!tpu.dma_semaphore, #tpu.memory_space<semaphore_mem>>) src(%dma_wait3A_53 : memref<624x128xf32, #tpu.memory_space<vmem_shared>>) dst(%dma_wait3A_51 : memref<624x128xf32, #tpu.memory_space<hbm>>)
        tpu.yield
      }) : () -> ()
    } else {
    }
    %eq3A_41 = arith.constant 15 : i32
    %eq3A_42 = arith.cmpi eq, %arg1, %eq3A_41 : i32
    %convert_element_type3A_43 = arith.extui %eq3A_42 : i1 to i32
    %cond3A_44 = arith.constant 0 : i32
    %cond3A_45 = arith.cmpi ne, %convert_element_type3A_43, %cond3A_44 : i32
    scf.if %cond3A_45 {
      "tpu.region"() ({
        %run_scoped3A = tpu.sem_alloc : memref<!tpu.dma_semaphore, #tpu.memory_space<semaphore_mem>>
        %dma_start3A = arith.constant 9360 : i32
        %dma_start3A_46 = arith.constant 0 : i32
        %dma_start3A_47 = tpu.memref_slice %arg6[%arg0, %dma_start3A, %dma_start3A_46] : memref<2x10000x128xf32, #tpu.memory_space<hbm>> -> memref<1x640x128xf32, #tpu.memory_space<hbm>>
        %dma_start3A_48 = tpu.memref_squeeze %dma_start3A_47 : memref<1x640x128xf32, #tpu.memory_space<hbm>> -> memref<640x128xf32, #tpu.memory_space<hbm>>
        %dma_start3A_49 = arith.constant 9360 : i32
        %dma_start3A_50 = arith.constant 0 : i32
        %dma_start3A_51 = tpu.memref_slice %arg7[%dma_start3A_49, %dma_start3A_50] : memref<10000x128xf32, #tpu.memory_space<vmem_shared>> -> memref<640x128xf32, #tpu.memory_space<vmem_shared>>
        tpu.enqueue_dma source(%dma_start3A_51 : memref<640x128xf32, #tpu.memory_space<vmem_shared>>) target(%dma_start3A_48 : memref<640x128xf32, #tpu.memory_space<hbm>>) target_semaphore(%run_scoped3A : memref<!tpu.dma_semaphore, #tpu.memory_space<semaphore_mem>>)
        %dma_wait3A = arith.constant 9360 : i32
        %dma_wait3A_52 = arith.constant 0 : i32
        %dma_wait3A_53 = tpu.memref_slice %arg6[%arg0, %dma_wait3A, %dma_wait3A_52] : memref<2x10000x128xf32, #tpu.memory_space<hbm>> -> memref<1x640x128xf32, #tpu.memory_space<hbm>>
        %dma_wait3A_54 = tpu.memref_squeeze %dma_wait3A_53 : memref<1x640x128xf32, #tpu.memory_space<hbm>> -> memref<640x128xf32, #tpu.memory_space<hbm>>
        %dma_wait3A_55 = arith.constant 9360 : i32
        %dma_wait3A_56 = arith.constant 0 : i32
        %dma_wait3A_57 = tpu.memref_slice %arg7[%dma_wait3A_55, %dma_wait3A_56] : memref<10000x128xf32, #tpu.memory_space<vmem_shared>> -> memref<640x128xf32, #tpu.memory_space<vmem_shared>>
        tpu.wait_dma2 semaphore(%run_scoped3A : memref<!tpu.dma_semaphore, #tpu.memory_space<semaphore_mem>>) src(%dma_wait3A_57 : memref<640x128xf32, #tpu.memory_space<vmem_shared>>) dst(%dma_wait3A_54 : memref<640x128xf32, #tpu.memory_space<hbm>>)
        tpu.yield
      }) : () -> ()
    } else {
    }
    return
  }
}

#map = affine_map<(d0, d1) -> (0, 0)>
#map1 = affine_map<(d0, d1) -> (0, 0, 0, 0)>
#map2 = affine_map<(d0, d1) -> (0, 0, 0)>
module attributes {stable_mosaic.version = 14 : i64} {
  func.func @_sc_agg(%arg0: i32, %arg1: i32, %arg2: memref<10000x128xf32, #tpu.memory_space<hbm>>, %arg3: memref<32x5x25x80xi32, #tpu.memory_space<hbm>>, %arg4: memref<32x5x25x80xi32, #tpu.memory_space<hbm>>, %arg5: memref<640x128xf32, #tpu.memory_space<hbm>>, %arg6: memref<2x10000x128xf32, #tpu.memory_space<hbm>>, %arg7: memref<10000x128xf32, #tpu.memory_space<vmem_shared>>, %arg8: memref<25x80xi32, #tpu.memory_space<vmem>>, %arg9: memref<25x80xi32, #tpu.memory_space<vmem>>, %arg10: memref<80x128xf32, #tpu.memory_space<vmem>>, %arg11: memref<80x128xf32, #tpu.memory_space<vmem>>, %arg12: memref<80x128xf32, #tpu.memory_space<vmem>>, %arg13: memref<!tpu.dma_semaphore, #tpu.memory_space<semaphore_mem>>, %arg14: memref<!tpu.dma_semaphore, #tpu.memory_space<semaphore_mem>>, %arg15: memref<!tpu.dma_semaphore, #tpu.memory_space<semaphore_mem>>, %arg16: memref<!tpu.dma_semaphore, #tpu.memory_space<semaphore_mem>>) attributes {dimension_semantics = [#tpu.dimension_semantics<core_parallel>, #tpu.dimension_semantics<subcore_parallel>], iteration_bounds = array<i64: 2, 16>, scalar_prefetch = 0 : i64, scratch_operands = 10 : i64, tpu.core_type = #tpu.core_type<sc_vector_subcore>, window_params = [{transform_indices = #map}, {transform_indices = #map1}, {transform_indices = #map1}, {transform_indices = #map}, {transform_indices = #map2}]} {
    %mul3A = arith.constant 2 : i32
    %mul3A_0 = arith.muli %arg1, %mul3A : i32
    %add3A = arith.addi %mul3A_0, %arg0 : i32
    %mul3A_1 = arith.constant 624 : i32
    %mul3A_2 = arith.muli %arg1, %mul3A_1 : i32
    %multiple_of3A = tpu.assume_multiple %mul3A_2, 8 : i32
    %eq3A = arith.constant 0 : i32
    %eq3A_3 = arith.cmpi eq, %arg0, %eq3A : i32
    %lt3A = arith.constant 15 : i32
    %lt3A_4 = arith.cmpi slt, %arg1, %lt3A : i32
    %and3A = arith.andi %eq3A_3, %lt3A_4 : i1
    %convert_element_type3A = arith.extui %and3A : i1 to i32
    %cond3A = arith.constant 0 : i32
    %cond3A_5 = arith.cmpi ne, %convert_element_type3A, %cond3A : i32
    scf.if %cond3A_5 {
      "tpu.region"() ({
        %run_scoped3A = tpu.sem_alloc : memref<!tpu.dma_semaphore, #tpu.memory_space<semaphore_mem>>
        %dma_start3A = arith.constant 0 : i32
        %dma_start3A_46 = tpu.memref_slice %arg7[%multiple_of3A, %dma_start3A] : memref<10000x128xf32, #tpu.memory_space<vmem_shared>> -> memref<624x128xf32, #tpu.memory_space<vmem_shared>>
        %dma_start3A_47 = arith.constant 0 : i32
        %dma_start3A_48 = tpu.memref_slice %arg2[%multiple_of3A, %dma_start3A_47] : memref<10000x128xf32, #tpu.memory_space<hbm>> -> memref<624x128xf32, #tpu.memory_space<hbm>>
        tpu.enqueue_dma source(%dma_start3A_48 : memref<624x128xf32, #tpu.memory_space<hbm>>) target(%dma_start3A_46 : memref<624x128xf32, #tpu.memory_space<vmem_shared>>) target_semaphore(%run_scoped3A : memref<!tpu.dma_semaphore, #tpu.memory_space<semaphore_mem>>)
        %dma_wait3A = arith.constant 0 : i32
        %dma_wait3A_49 = tpu.memref_slice %arg7[%multiple_of3A, %dma_wait3A] : memref<10000x128xf32, #tpu.memory_space<vmem_shared>> -> memref<624x128xf32, #tpu.memory_space<vmem_shared>>
        %dma_wait3A_50 = arith.constant 0 : i32
        %dma_wait3A_51 = tpu.memref_slice %arg2[%multiple_of3A, %dma_wait3A_50] : memref<10000x128xf32, #tpu.memory_space<hbm>> -> memref<624x128xf32, #tpu.memory_space<hbm>>
        tpu.wait_dma2 semaphore(%run_scoped3A : memref<!tpu.dma_semaphore, #tpu.memory_space<semaphore_mem>>) src(%dma_wait3A_51 : memref<624x128xf32, #tpu.memory_space<hbm>>) dst(%dma_wait3A_49 : memref<624x128xf32, #tpu.memory_space<vmem_shared>>)
        tpu.yield
      }) : () -> ()
    } else {
    }
    %eq3A_6 = arith.constant 0 : i32
    %eq3A_7 = arith.cmpi eq, %arg0, %eq3A_6 : i32
    %eq3A_8 = arith.constant 15 : i32
    %eq3A_9 = arith.cmpi eq, %arg1, %eq3A_8 : i32
    %and3A_10 = arith.andi %eq3A_7, %eq3A_9 : i1
    %convert_element_type3A_11 = arith.extui %and3A_10 : i1 to i32
    %cond3A_12 = arith.constant 0 : i32
    %cond3A_13 = arith.cmpi ne, %convert_element_type3A_11, %cond3A_12 : i32
    scf.if %cond3A_13 {
      "tpu.region"() ({
        %run_scoped3A = tpu.sem_alloc : memref<!tpu.dma_semaphore, #tpu.memory_space<semaphore_mem>>
        %dma_start3A = arith.constant 9360 : i32
        %dma_start3A_46 = arith.constant 0 : i32
        %dma_start3A_47 = tpu.memref_slice %arg7[%dma_start3A, %dma_start3A_46] : memref<10000x128xf32, #tpu.memory_space<vmem_shared>> -> memref<640x128xf32, #tpu.memory_space<vmem_shared>>
        %dma_start3A_48 = arith.constant 9360 : i32
        %dma_start3A_49 = arith.constant 0 : i32
        %dma_start3A_50 = tpu.memref_slice %arg2[%dma_start3A_48, %dma_start3A_49] : memref<10000x128xf32, #tpu.memory_space<hbm>> -> memref<640x128xf32, #tpu.memory_space<hbm>>
        tpu.enqueue_dma source(%dma_start3A_50 : memref<640x128xf32, #tpu.memory_space<hbm>>) target(%dma_start3A_47 : memref<640x128xf32, #tpu.memory_space<vmem_shared>>) target_semaphore(%run_scoped3A : memref<!tpu.dma_semaphore, #tpu.memory_space<semaphore_mem>>)
        %dma_wait3A = arith.constant 9360 : i32
        %dma_wait3A_51 = arith.constant 0 : i32
        %dma_wait3A_52 = tpu.memref_slice %arg7[%dma_wait3A, %dma_wait3A_51] : memref<10000x128xf32, #tpu.memory_space<vmem_shared>> -> memref<640x128xf32, #tpu.memory_space<vmem_shared>>
        %dma_wait3A_53 = arith.constant 9360 : i32
        %dma_wait3A_54 = arith.constant 0 : i32
        %dma_wait3A_55 = tpu.memref_slice %arg2[%dma_wait3A_53, %dma_wait3A_54] : memref<10000x128xf32, #tpu.memory_space<hbm>> -> memref<640x128xf32, #tpu.memory_space<hbm>>
        tpu.wait_dma2 semaphore(%run_scoped3A : memref<!tpu.dma_semaphore, #tpu.memory_space<semaphore_mem>>) src(%dma_wait3A_55 : memref<640x128xf32, #tpu.memory_space<hbm>>) dst(%dma_wait3A_52 : memref<640x128xf32, #tpu.memory_space<vmem_shared>>)
        tpu.yield
      }) : () -> ()
    } else {
    }
    %eq3A_14 = arith.constant 1 : i32
    %eq3A_15 = arith.cmpi eq, %arg0, %eq3A_14 : i32
    %lt3A_16 = arith.constant 15 : i32
    %lt3A_17 = arith.cmpi slt, %arg1, %lt3A_16 : i32
    %and3A_18 = arith.andi %eq3A_15, %lt3A_17 : i1
    %convert_element_type3A_19 = arith.extui %and3A_18 : i1 to i32
    %cond3A_20 = arith.constant 0 : i32
    %cond3A_21 = arith.cmpi ne, %convert_element_type3A_19, %cond3A_20 : i32
    scf.if %cond3A_21 {
      "tpu.region"() ({
        %run_scoped3A = tpu.sem_alloc : memref<!tpu.dma_semaphore, #tpu.memory_space<semaphore_mem>>
        %dma_start3A = arith.constant 0 : i32
        %dma_start3A_46 = tpu.memref_slice %arg7[%multiple_of3A, %dma_start3A] : memref<10000x128xf32, #tpu.memory_space<vmem_shared>> -> memref<624x128xf32, #tpu.memory_space<vmem_shared>>
        %dma_start3A_47 = arith.constant 0 : i32
        %dma_start3A_48 = arith.constant 0 : i32
        %dma_start3A_49 = tpu.memref_slice %arg5[%dma_start3A_47, %dma_start3A_48] : memref<640x128xf32, #tpu.memory_space<hbm>> -> memref<624x128xf32, #tpu.memory_space<hbm>>
        tpu.enqueue_dma source(%dma_start3A_49 : memref<624x128xf32, #tpu.memory_space<hbm>>) target(%dma_start3A_46 : memref<624x128xf32, #tpu.memory_space<vmem_shared>>) target_semaphore(%run_scoped3A : memref<!tpu.dma_semaphore, #tpu.memory_space<semaphore_mem>>)
        %dma_wait3A = arith.constant 0 : i32
        %dma_wait3A_50 = tpu.memref_slice %arg7[%multiple_of3A, %dma_wait3A] : memref<10000x128xf32, #tpu.memory_space<vmem_shared>> -> memref<624x128xf32, #tpu.memory_space<vmem_shared>>
        %dma_wait3A_51 = arith.constant 0 : i32
        %dma_wait3A_52 = arith.constant 0 : i32
        %dma_wait3A_53 = tpu.memref_slice %arg5[%dma_wait3A_51, %dma_wait3A_52] : memref<640x128xf32, #tpu.memory_space<hbm>> -> memref<624x128xf32, #tpu.memory_space<hbm>>
        tpu.wait_dma2 semaphore(%run_scoped3A : memref<!tpu.dma_semaphore, #tpu.memory_space<semaphore_mem>>) src(%dma_wait3A_53 : memref<624x128xf32, #tpu.memory_space<hbm>>) dst(%dma_wait3A_50 : memref<624x128xf32, #tpu.memory_space<vmem_shared>>)
        tpu.yield
      }) : () -> ()
    } else {
    }
    %eq3A_22 = arith.constant 1 : i32
    %eq3A_23 = arith.cmpi eq, %arg0, %eq3A_22 : i32
    %eq3A_24 = arith.constant 15 : i32
    %eq3A_25 = arith.cmpi eq, %arg1, %eq3A_24 : i32
    %and3A_26 = arith.andi %eq3A_23, %eq3A_25 : i1
    %convert_element_type3A_27 = arith.extui %and3A_26 : i1 to i32
    %cond3A_28 = arith.constant 0 : i32
    %cond3A_29 = arith.cmpi ne, %convert_element_type3A_27, %cond3A_28 : i32
    scf.if %cond3A_29 {
      "tpu.region"() ({
        %run_scoped3A = tpu.sem_alloc : memref<!tpu.dma_semaphore, #tpu.memory_space<semaphore_mem>>
        %dma_start3A = arith.constant 9360 : i32
        %dma_start3A_46 = arith.constant 0 : i32
        %dma_start3A_47 = tpu.memref_slice %arg7[%dma_start3A, %dma_start3A_46] : memref<10000x128xf32, #tpu.memory_space<vmem_shared>> -> memref<640x128xf32, #tpu.memory_space<vmem_shared>>
        tpu.enqueue_dma source(%arg5 : memref<640x128xf32, #tpu.memory_space<hbm>>) target(%dma_start3A_47 : memref<640x128xf32, #tpu.memory_space<vmem_shared>>) target_semaphore(%run_scoped3A : memref<!tpu.dma_semaphore, #tpu.memory_space<semaphore_mem>>)
        %dma_wait3A = arith.constant 9360 : i32
        %dma_wait3A_48 = arith.constant 0 : i32
        %dma_wait3A_49 = tpu.memref_slice %arg7[%dma_wait3A, %dma_wait3A_48] : memref<10000x128xf32, #tpu.memory_space<vmem_shared>> -> memref<640x128xf32, #tpu.memory_space<vmem_shared>>
        tpu.wait_dma2 semaphore(%run_scoped3A : memref<!tpu.dma_semaphore, #tpu.memory_space<semaphore_mem>>) src(%arg5 : memref<640x128xf32, #tpu.memory_space<hbm>>) dst(%dma_wait3A_49 : memref<640x128xf32, #tpu.memory_space<vmem_shared>>)
        tpu.yield
      }) : () -> ()
    } else {
    }
    %barrier3A = arith.constant 0 : index
    tpu.barrier barrier_id(%barrier3A)
    %scan3A = arith.constant 0 : i32
    %scan3A_30 = arith.constant 0 : i32
    %scan3A_31 = arith.constant 5 : i32
    %scan3A_32 = arith.addi %scan3A_30, %scan3A_31 : i32
    %scan3A_33 = arith.constant 1 : i32
    scf.for %scan3A_46 = %scan3A_30 to %scan3A_32 step %scan3A_33  : i32 {
      "tpu.region"() ({
        %run_scoped3A = tpu.sem_alloc : memref<!tpu.dma_semaphore, #tpu.memory_space<semaphore_mem>>
        %dma_start3A_83 = arith.constant 0 : i32
        %dma_start3A_84 = arith.constant 0 : i32
        %dma_start3A_85 = tpu.memref_slice %arg3[%add3A, %scan3A_46, %dma_start3A_83, %dma_start3A_84] : memref<32x5x25x80xi32, #tpu.memory_space<hbm>> -> memref<1x1x25x80xi32, #tpu.memory_space<hbm>>
        %dma_start3A_86 = tpu.memref_squeeze %dma_start3A_85 : memref<1x1x25x80xi32, #tpu.memory_space<hbm>> -> memref<25x80xi32, #tpu.memory_space<hbm>>
        %dma_start3A_87 = arith.constant 0 : i32
        %dma_start3A_88 = arith.constant 0 : i32
        %dma_start3A_89 = tpu.memref_slice %arg3[%add3A, %scan3A_46, %dma_start3A_87, %dma_start3A_88] : memref<32x5x25x80xi32, #tpu.memory_space<hbm>> -> memref<1x1x25x80xi32, #tpu.memory_space<hbm>>
        %dma_start3A_90 = tpu.memref_squeeze %dma_start3A_89 : memref<1x1x25x80xi32, #tpu.memory_space<hbm>> -> memref<25x80xi32, #tpu.memory_space<hbm>>
        tpu.enqueue_dma source(%dma_start3A_90 : memref<25x80xi32, #tpu.memory_space<hbm>>) target(%arg8 : memref<25x80xi32, #tpu.memory_space<vmem>>) target_semaphore(%run_scoped3A : memref<!tpu.dma_semaphore, #tpu.memory_space<semaphore_mem>>)
        %dma_wait3A_91 = arith.constant 0 : i32
        %dma_wait3A_92 = arith.constant 0 : i32
        %dma_wait3A_93 = tpu.memref_slice %arg3[%add3A, %scan3A_46, %dma_wait3A_91, %dma_wait3A_92] : memref<32x5x25x80xi32, #tpu.memory_space<hbm>> -> memref<1x1x25x80xi32, #tpu.memory_space<hbm>>
        %dma_wait3A_94 = tpu.memref_squeeze %dma_wait3A_93 : memref<1x1x25x80xi32, #tpu.memory_space<hbm>> -> memref<25x80xi32, #tpu.memory_space<hbm>>
        %dma_wait3A_95 = arith.constant 0 : i32
        %dma_wait3A_96 = arith.constant 0 : i32
        %dma_wait3A_97 = tpu.memref_slice %arg3[%add3A, %scan3A_46, %dma_wait3A_95, %dma_wait3A_96] : memref<32x5x25x80xi32, #tpu.memory_space<hbm>> -> memref<1x1x25x80xi32, #tpu.memory_space<hbm>>
        %dma_wait3A_98 = tpu.memref_squeeze %dma_wait3A_97 : memref<1x1x25x80xi32, #tpu.memory_space<hbm>> -> memref<25x80xi32, #tpu.memory_space<hbm>>
        tpu.wait_dma2 semaphore(%run_scoped3A : memref<!tpu.dma_semaphore, #tpu.memory_space<semaphore_mem>>) src(%dma_wait3A_98 : memref<25x80xi32, #tpu.memory_space<hbm>>) dst(%arg8 : memref<25x80xi32, #tpu.memory_space<vmem>>)
        tpu.yield
      }) : () -> ()
      "tpu.region"() ({
        %run_scoped3A = tpu.sem_alloc : memref<!tpu.dma_semaphore, #tpu.memory_space<semaphore_mem>>
        %dma_start3A_83 = arith.constant 0 : i32
        %dma_start3A_84 = arith.constant 0 : i32
        %dma_start3A_85 = tpu.memref_slice %arg4[%add3A, %scan3A_46, %dma_start3A_83, %dma_start3A_84] : memref<32x5x25x80xi32, #tpu.memory_space<hbm>> -> memref<1x1x25x80xi32, #tpu.memory_space<hbm>>
        %dma_start3A_86 = tpu.memref_squeeze %dma_start3A_85 : memref<1x1x25x80xi32, #tpu.memory_space<hbm>> -> memref<25x80xi32, #tpu.memory_space<hbm>>
        %dma_start3A_87 = arith.constant 0 : i32
        %dma_start3A_88 = arith.constant 0 : i32
        %dma_start3A_89 = tpu.memref_slice %arg4[%add3A, %scan3A_46, %dma_start3A_87, %dma_start3A_88] : memref<32x5x25x80xi32, #tpu.memory_space<hbm>> -> memref<1x1x25x80xi32, #tpu.memory_space<hbm>>
        %dma_start3A_90 = tpu.memref_squeeze %dma_start3A_89 : memref<1x1x25x80xi32, #tpu.memory_space<hbm>> -> memref<25x80xi32, #tpu.memory_space<hbm>>
        tpu.enqueue_dma source(%dma_start3A_90 : memref<25x80xi32, #tpu.memory_space<hbm>>) target(%arg9 : memref<25x80xi32, #tpu.memory_space<vmem>>) target_semaphore(%run_scoped3A : memref<!tpu.dma_semaphore, #tpu.memory_space<semaphore_mem>>)
        %dma_wait3A_91 = arith.constant 0 : i32
        %dma_wait3A_92 = arith.constant 0 : i32
        %dma_wait3A_93 = tpu.memref_slice %arg4[%add3A, %scan3A_46, %dma_wait3A_91, %dma_wait3A_92] : memref<32x5x25x80xi32, #tpu.memory_space<hbm>> -> memref<1x1x25x80xi32, #tpu.memory_space<hbm>>
        %dma_wait3A_94 = tpu.memref_squeeze %dma_wait3A_93 : memref<1x1x25x80xi32, #tpu.memory_space<hbm>> -> memref<25x80xi32, #tpu.memory_space<hbm>>
        %dma_wait3A_95 = arith.constant 0 : i32
        %dma_wait3A_96 = arith.constant 0 : i32
        %dma_wait3A_97 = tpu.memref_slice %arg4[%add3A, %scan3A_46, %dma_wait3A_95, %dma_wait3A_96] : memref<32x5x25x80xi32, #tpu.memory_space<hbm>> -> memref<1x1x25x80xi32, #tpu.memory_space<hbm>>
        %dma_wait3A_98 = tpu.memref_squeeze %dma_wait3A_97 : memref<1x1x25x80xi32, #tpu.memory_space<hbm>> -> memref<25x80xi32, #tpu.memory_space<hbm>>
        tpu.wait_dma2 semaphore(%run_scoped3A : memref<!tpu.dma_semaphore, #tpu.memory_space<semaphore_mem>>) src(%dma_wait3A_98 : memref<25x80xi32, #tpu.memory_space<hbm>>) dst(%arg9 : memref<25x80xi32, #tpu.memory_space<vmem>>)
        tpu.yield
      }) : () -> ()
      %dma_start3A = arith.constant 0 : i32
      %dma_start3A_47 = arith.constant 0 : i32
      %dma_start3A_48 = tpu.memref_slice %arg8[%dma_start3A, %dma_start3A_47] : memref<25x80xi32, #tpu.memory_space<vmem>> -> memref<1x80xi32, #tpu.memory_space<vmem>>
      %dma_start3A_49 = tpu.memref_squeeze %dma_start3A_48 : memref<1x80xi32, #tpu.memory_space<vmem>> -> memref<80xi32, #tpu.memory_space<vmem>>
      %dma_start3A_50 = arith.constant 0 : i32
      %dma_start3A_51 = arith.constant 0 : i32
      %dma_start3A_52 = tpu.memref_slice %arg2[%dma_start3A_50, %dma_start3A_51] : memref<10000x128xf32, #tpu.memory_space<hbm>> -> memref<10000x128xf32, #tpu.memory_space<hbm>>
      tpu.enqueue_indirect_dma source(%dma_start3A_52 : memref<10000x128xf32, #tpu.memory_space<hbm>>) target(%arg10 : memref<80x128xf32, #tpu.memory_space<vmem>>) offsets(%dma_start3A_49 : memref<80xi32, #tpu.memory_space<vmem>>) semaphore(%arg13 : memref<!tpu.dma_semaphore, #tpu.memory_space<semaphore_mem>>)
      %dma_start3A_53 = arith.constant 1 : i32
      %dma_start3A_54 = arith.constant 0 : i32
      %dma_start3A_55 = tpu.memref_slice %arg8[%dma_start3A_53, %dma_start3A_54] : memref<25x80xi32, #tpu.memory_space<vmem>> -> memref<1x80xi32, #tpu.memory_space<vmem>>
      %dma_start3A_56 = tpu.memref_squeeze %dma_start3A_55 : memref<1x80xi32, #tpu.memory_space<vmem>> -> memref<80xi32, #tpu.memory_space<vmem>>
      %dma_start3A_57 = arith.constant 0 : i32
      %dma_start3A_58 = arith.constant 0 : i32
      %dma_start3A_59 = tpu.memref_slice %arg2[%dma_start3A_57, %dma_start3A_58] : memref<10000x128xf32, #tpu.memory_space<hbm>> -> memref<10000x128xf32, #tpu.memory_space<hbm>>
      tpu.enqueue_indirect_dma source(%dma_start3A_59 : memref<10000x128xf32, #tpu.memory_space<hbm>>) target(%arg11 : memref<80x128xf32, #tpu.memory_space<vmem>>) offsets(%dma_start3A_56 : memref<80xi32, #tpu.memory_space<vmem>>) semaphore(%arg14 : memref<!tpu.dma_semaphore, #tpu.memory_space<semaphore_mem>>)
      %scan3A_60 = arith.constant 0 : i32
      %scan3A_61 = arith.constant 0 : i32
      %scan3A_62 = arith.constant 25 : i32
      %scan3A_63 = arith.addi %scan3A_61, %scan3A_62 : i32
      %scan3A_64 = arith.constant 1 : i32
      scf.for %scan3A_83 = %scan3A_61 to %scan3A_63 step %scan3A_64  : i32 {
        %jit3A = arith.constant 3 : i32
        %eq3A_84 = arith.constant 0 : i32
        %eq3A_85 = arith.cmpi eq, %jit3A, %eq3A_84 : i32
        %jit3A_86 = arith.constant 1 : i32
        %select_n3A = arith.select %eq3A_85, %jit3A_86, %jit3A : i32
        %rem3A = arith.remsi %scan3A_83, %select_n3A : i32
        %ne3A = arith.constant 0 : i32
        %ne3A_87 = arith.cmpi ne, %rem3A, %ne3A : i32
        %lt3A_88 = arith.constant 0 : i32
        %lt3A_89 = arith.cmpi slt, %rem3A, %lt3A_88 : i32
        %lt3A_90 = arith.constant 0 : i32
        %lt3A_91 = arith.cmpi slt, %select_n3A, %lt3A_90 : i32
        %ne3A_92 = arith.xori %lt3A_89, %lt3A_91 : i1
        %and3A_93 = arith.andi %ne3A_92, %ne3A_87 : i1
        %add3A_94 = arith.addi %rem3A, %select_n3A : i32
        %select_n3A_95 = arith.select %and3A_93, %add3A_94, %rem3A : i32
        %eq3A_96 = arith.constant 0 : i32
        %eq3A_97 = arith.cmpi eq, %select_n3A_95, %eq3A_96 : i32
        %convert_element_type3A_98 = arith.extui %eq3A_97 : i1 to i32
        %cond3A_99 = arith.constant 0 : i32
        %cond3A_100 = arith.cmpi ne, %convert_element_type3A_98, %cond3A_99 : i32
        scf.if %cond3A_100 {
          %dma_wait3A_143 = arith.constant 0 : i32
          %dma_wait3A_144 = arith.constant 0 : i32
          %dma_wait3A_145 = tpu.memref_slice %arg2[%dma_wait3A_143, %dma_wait3A_144] : memref<10000x128xf32, #tpu.memory_space<hbm>> -> memref<80x128xf32, #tpu.memory_space<hbm>>
          %dma_wait3A_146 = arith.constant 0 : i32
          %dma_wait3A_147 = arith.constant 0 : i32
          %dma_wait3A_148 = tpu.memref_slice %arg2[%dma_wait3A_146, %dma_wait3A_147] : memref<10000x128xf32, #tpu.memory_space<hbm>> -> memref<80x128xf32, #tpu.memory_space<hbm>>
          tpu.wait_dma2 semaphore(%arg13 : memref<!tpu.dma_semaphore, #tpu.memory_space<semaphore_mem>>) src(%dma_wait3A_148 : memref<80x128xf32, #tpu.memory_space<hbm>>) dst(%arg10 : memref<80x128xf32, #tpu.memory_space<vmem>>)
          %dma_start3A_149 = arith.constant 0 : i32
          %dma_start3A_150 = tpu.memref_slice %arg9[%scan3A_83, %dma_start3A_149] : memref<25x80xi32, #tpu.memory_space<vmem>> -> memref<1x80xi32, #tpu.memory_space<vmem>>
          %dma_start3A_151 = tpu.memref_squeeze %dma_start3A_150 : memref<1x80xi32, #tpu.memory_space<vmem>> -> memref<80xi32, #tpu.memory_space<vmem>>
          %dma_start3A_152 = arith.constant 0 : i32
          %dma_start3A_153 = arith.constant 0 : i32
          %dma_start3A_154 = tpu.memref_slice %arg7[%dma_start3A_152, %dma_start3A_153] : memref<10000x128xf32, #tpu.memory_space<vmem_shared>> -> memref<10000x128xf32, #tpu.memory_space<vmem_shared>>
          tpu.enqueue_indirect_dma source(%arg10 : memref<80x128xf32, #tpu.memory_space<vmem>>) target(%dma_start3A_154 : memref<10000x128xf32, #tpu.memory_space<vmem_shared>>) offsets(%dma_start3A_151 : memref<80xi32, #tpu.memory_space<vmem>>) semaphore(%arg16 : memref<!tpu.dma_semaphore, #tpu.memory_space<semaphore_mem>>) {add = true}
          %add3A_155 = arith.constant 2 : i32
          %add3A_156 = arith.addi %scan3A_83, %add3A_155 : i32
          %lt3A_157 = arith.constant 25 : i32
          %lt3A_158 = arith.cmpi slt, %add3A_156, %lt3A_157 : i32
          %convert_element_type3A_159 = arith.extui %lt3A_158 : i1 to i32
          %cond3A_160 = arith.constant 0 : i32
          %cond3A_161 = arith.cmpi ne, %convert_element_type3A_159, %cond3A_160 : i32
          scf.if %cond3A_161 {
            %ge3A = arith.constant 1 : i32
            %ge3A_162 = arith.cmpi sge, %scan3A_83, %ge3A : i32
            %convert_element_type3A_163 = arith.extui %ge3A_162 : i1 to i32
            %cond3A_164 = arith.constant 0 : i32
            %cond3A_165 = arith.cmpi ne, %convert_element_type3A_163, %cond3A_164 : i32
            scf.if %cond3A_165 {
              %dma_wait3A_174 = arith.constant 0 : i32
              %dma_wait3A_175 = arith.constant 0 : i32
              %dma_wait3A_176 = tpu.memref_slice %arg2[%dma_wait3A_174, %dma_wait3A_175] : memref<10000x128xf32, #tpu.memory_space<hbm>> -> memref<80x128xf32, #tpu.memory_space<hbm>>
              %dma_wait3A_177 = arith.constant 0 : i32
              %dma_wait3A_178 = arith.constant 0 : i32
              %dma_wait3A_179 = tpu.memref_slice %arg2[%dma_wait3A_177, %dma_wait3A_178] : memref<10000x128xf32, #tpu.memory_space<hbm>> -> memref<80x128xf32, #tpu.memory_space<hbm>>
              tpu.wait_dma2 semaphore(%arg16 : memref<!tpu.dma_semaphore, #tpu.memory_space<semaphore_mem>>) src(%dma_wait3A_179 : memref<80x128xf32, #tpu.memory_space<hbm>>) dst(%arg10 : memref<80x128xf32, #tpu.memory_space<vmem>>)
            } else {
            }
            %add3A_166 = arith.constant 2 : i32
            %add3A_167 = arith.addi %scan3A_83, %add3A_166 : i32
            %dma_start3A_168 = arith.constant 0 : i32
            %dma_start3A_169 = tpu.memref_slice %arg8[%add3A_167, %dma_start3A_168] : memref<25x80xi32, #tpu.memory_space<vmem>> -> memref<1x80xi32, #tpu.memory_space<vmem>>
            %dma_start3A_170 = tpu.memref_squeeze %dma_start3A_169 : memref<1x80xi32, #tpu.memory_space<vmem>> -> memref<80xi32, #tpu.memory_space<vmem>>
            %dma_start3A_171 = arith.constant 0 : i32
            %dma_start3A_172 = arith.constant 0 : i32
            %dma_start3A_173 = tpu.memref_slice %arg2[%dma_start3A_171, %dma_start3A_172] : memref<10000x128xf32, #tpu.memory_space<hbm>> -> memref<10000x128xf32, #tpu.memory_space<hbm>>
            tpu.enqueue_indirect_dma source(%dma_start3A_173 : memref<10000x128xf32, #tpu.memory_space<hbm>>) target(%arg12 : memref<80x128xf32, #tpu.memory_space<vmem>>) offsets(%dma_start3A_170 : memref<80xi32, #tpu.memory_space<vmem>>) semaphore(%arg15 : memref<!tpu.dma_semaphore, #tpu.memory_space<semaphore_mem>>)
          } else {
          }
        } else {
        }
        %jit3A_101 = arith.constant 3 : i32
        %eq3A_102 = arith.constant 0 : i32
        %eq3A_103 = arith.cmpi eq, %jit3A_101, %eq3A_102 : i32
        %jit3A_104 = arith.constant 1 : i32
        %select_n3A_105 = arith.select %eq3A_103, %jit3A_104, %jit3A_101 : i32
        %rem3A_106 = arith.remsi %scan3A_83, %select_n3A_105 : i32
        %ne3A_107 = arith.constant 0 : i32
        %ne3A_108 = arith.cmpi ne, %rem3A_106, %ne3A_107 : i32
        %lt3A_109 = arith.constant 0 : i32
        %lt3A_110 = arith.cmpi slt, %rem3A_106, %lt3A_109 : i32
        %lt3A_111 = arith.constant 0 : i32
        %lt3A_112 = arith.cmpi slt, %select_n3A_105, %lt3A_111 : i32
        %ne3A_113 = arith.xori %lt3A_110, %lt3A_112 : i1
        %and3A_114 = arith.andi %ne3A_113, %ne3A_108 : i1
        %add3A_115 = arith.addi %rem3A_106, %select_n3A_105 : i32
        %select_n3A_116 = arith.select %and3A_114, %add3A_115, %rem3A_106 : i32
        %eq3A_117 = arith.constant 1 : i32
        %eq3A_118 = arith.cmpi eq, %select_n3A_116, %eq3A_117 : i32
        %convert_element_type3A_119 = arith.extui %eq3A_118 : i1 to i32
        %cond3A_120 = arith.constant 0 : i32
        %cond3A_121 = arith.cmpi ne, %convert_element_type3A_119, %cond3A_120 : i32
        scf.if %cond3A_121 {
          %dma_wait3A_143 = arith.constant 0 : i32
          %dma_wait3A_144 = arith.constant 0 : i32
          %dma_wait3A_145 = tpu.memref_slice %arg2[%dma_wait3A_143, %dma_wait3A_144] : memref<10000x128xf32, #tpu.memory_space<hbm>> -> memref<80x128xf32, #tpu.memory_space<hbm>>
          %dma_wait3A_146 = arith.constant 0 : i32
          %dma_wait3A_147 = arith.constant 0 : i32
          %dma_wait3A_148 = tpu.memref_slice %arg2[%dma_wait3A_146, %dma_wait3A_147] : memref<10000x128xf32, #tpu.memory_space<hbm>> -> memref<80x128xf32, #tpu.memory_space<hbm>>
          tpu.wait_dma2 semaphore(%arg14 : memref<!tpu.dma_semaphore, #tpu.memory_space<semaphore_mem>>) src(%dma_wait3A_148 : memref<80x128xf32, #tpu.memory_space<hbm>>) dst(%arg11 : memref<80x128xf32, #tpu.memory_space<vmem>>)
          %dma_start3A_149 = arith.constant 0 : i32
          %dma_start3A_150 = tpu.memref_slice %arg9[%scan3A_83, %dma_start3A_149] : memref<25x80xi32, #tpu.memory_space<vmem>> -> memref<1x80xi32, #tpu.memory_space<vmem>>
          %dma_start3A_151 = tpu.memref_squeeze %dma_start3A_150 : memref<1x80xi32, #tpu.memory_space<vmem>> -> memref<80xi32, #tpu.memory_space<vmem>>
          %dma_start3A_152 = arith.constant 0 : i32
          %dma_start3A_153 = arith.constant 0 : i32
          %dma_start3A_154 = tpu.memref_slice %arg7[%dma_start3A_152, %dma_start3A_153] : memref<10000x128xf32, #tpu.memory_space<vmem_shared>> -> memref<10000x128xf32, #tpu.memory_space<vmem_shared>>
          tpu.enqueue_indirect_dma source(%arg11 : memref<80x128xf32, #tpu.memory_space<vmem>>) target(%dma_start3A_154 : memref<10000x128xf32, #tpu.memory_space<vmem_shared>>) offsets(%dma_start3A_151 : memref<80xi32, #tpu.memory_space<vmem>>) semaphore(%arg16 : memref<!tpu.dma_semaphore, #tpu.memory_space<semaphore_mem>>) {add = true}
          %add3A_155 = arith.constant 2 : i32
          %add3A_156 = arith.addi %scan3A_83, %add3A_155 : i32
          %lt3A_157 = arith.constant 25 : i32
          %lt3A_158 = arith.cmpi slt, %add3A_156, %lt3A_157 : i32
          %convert_element_type3A_159 = arith.extui %lt3A_158 : i1 to i32
          %cond3A_160 = arith.constant 0 : i32
          %cond3A_161 = arith.cmpi ne, %convert_element_type3A_159, %cond3A_160 : i32
          scf.if %cond3A_161 {
            %ge3A = arith.constant 1 : i32
            %ge3A_162 = arith.cmpi sge, %scan3A_83, %ge3A : i32
            %convert_element_type3A_163 = arith.extui %ge3A_162 : i1 to i32
            %cond3A_164 = arith.constant 0 : i32
            %cond3A_165 = arith.cmpi ne, %convert_element_type3A_163, %cond3A_164 : i32
            scf.if %cond3A_165 {
              %dma_wait3A_174 = arith.constant 0 : i32
              %dma_wait3A_175 = arith.constant 0 : i32
              %dma_wait3A_176 = tpu.memref_slice %arg2[%dma_wait3A_174, %dma_wait3A_175] : memref<10000x128xf32, #tpu.memory_space<hbm>> -> memref<80x128xf32, #tpu.memory_space<hbm>>
              %dma_wait3A_177 = arith.constant 0 : i32
              %dma_wait3A_178 = arith.constant 0 : i32
              %dma_wait3A_179 = tpu.memref_slice %arg2[%dma_wait3A_177, %dma_wait3A_178] : memref<10000x128xf32, #tpu.memory_space<hbm>> -> memref<80x128xf32, #tpu.memory_space<hbm>>
              tpu.wait_dma2 semaphore(%arg16 : memref<!tpu.dma_semaphore, #tpu.memory_space<semaphore_mem>>) src(%dma_wait3A_179 : memref<80x128xf32, #tpu.memory_space<hbm>>) dst(%arg10 : memref<80x128xf32, #tpu.memory_space<vmem>>)
            } else {
            }
            %add3A_166 = arith.constant 2 : i32
            %add3A_167 = arith.addi %scan3A_83, %add3A_166 : i32
            %dma_start3A_168 = arith.constant 0 : i32
            %dma_start3A_169 = tpu.memref_slice %arg8[%add3A_167, %dma_start3A_168] : memref<25x80xi32, #tpu.memory_space<vmem>> -> memref<1x80xi32, #tpu.memory_space<vmem>>
            %dma_start3A_170 = tpu.memref_squeeze %dma_start3A_169 : memref<1x80xi32, #tpu.memory_space<vmem>> -> memref<80xi32, #tpu.memory_space<vmem>>
            %dma_start3A_171 = arith.constant 0 : i32
            %dma_start3A_172 = arith.constant 0 : i32
            %dma_start3A_173 = tpu.memref_slice %arg2[%dma_start3A_171, %dma_start3A_172] : memref<10000x128xf32, #tpu.memory_space<hbm>> -> memref<10000x128xf32, #tpu.memory_space<hbm>>
            tpu.enqueue_indirect_dma source(%dma_start3A_173 : memref<10000x128xf32, #tpu.memory_space<hbm>>) target(%arg10 : memref<80x128xf32, #tpu.memory_space<vmem>>) offsets(%dma_start3A_170 : memref<80xi32, #tpu.memory_space<vmem>>) semaphore(%arg13 : memref<!tpu.dma_semaphore, #tpu.memory_space<semaphore_mem>>)
          } else {
          }
        } else {
        }
        %jit3A_122 = arith.constant 3 : i32
        %eq3A_123 = arith.constant 0 : i32
        %eq3A_124 = arith.cmpi eq, %jit3A_122, %eq3A_123 : i32
        %jit3A_125 = arith.constant 1 : i32
        %select_n3A_126 = arith.select %eq3A_124, %jit3A_125, %jit3A_122 : i32
        %rem3A_127 = arith.remsi %scan3A_83, %select_n3A_126 : i32
        %ne3A_128 = arith.constant 0 : i32
        %ne3A_129 = arith.cmpi ne, %rem3A_127, %ne3A_128 : i32
        %lt3A_130 = arith.constant 0 : i32
        %lt3A_131 = arith.cmpi slt, %rem3A_127, %lt3A_130 : i32
        %lt3A_132 = arith.constant 0 : i32
        %lt3A_133 = arith.cmpi slt, %select_n3A_126, %lt3A_132 : i32
        %ne3A_134 = arith.xori %lt3A_131, %lt3A_133 : i1
        %and3A_135 = arith.andi %ne3A_134, %ne3A_129 : i1
        %add3A_136 = arith.addi %rem3A_127, %select_n3A_126 : i32
        %select_n3A_137 = arith.select %and3A_135, %add3A_136, %rem3A_127 : i32
        %eq3A_138 = arith.constant 2 : i32
        %eq3A_139 = arith.cmpi eq, %select_n3A_137, %eq3A_138 : i32
        %convert_element_type3A_140 = arith.extui %eq3A_139 : i1 to i32
        %cond3A_141 = arith.constant 0 : i32
        %cond3A_142 = arith.cmpi ne, %convert_element_type3A_140, %cond3A_141 : i32
        scf.if %cond3A_142 {
          %dma_wait3A_143 = arith.constant 0 : i32
          %dma_wait3A_144 = arith.constant 0 : i32
          %dma_wait3A_145 = tpu.memref_slice %arg2[%dma_wait3A_143, %dma_wait3A_144] : memref<10000x128xf32, #tpu.memory_space<hbm>> -> memref<80x128xf32, #tpu.memory_space<hbm>>
          %dma_wait3A_146 = arith.constant 0 : i32
          %dma_wait3A_147 = arith.constant 0 : i32
          %dma_wait3A_148 = tpu.memref_slice %arg2[%dma_wait3A_146, %dma_wait3A_147] : memref<10000x128xf32, #tpu.memory_space<hbm>> -> memref<80x128xf32, #tpu.memory_space<hbm>>
          tpu.wait_dma2 semaphore(%arg15 : memref<!tpu.dma_semaphore, #tpu.memory_space<semaphore_mem>>) src(%dma_wait3A_148 : memref<80x128xf32, #tpu.memory_space<hbm>>) dst(%arg12 : memref<80x128xf32, #tpu.memory_space<vmem>>)
          %dma_start3A_149 = arith.constant 0 : i32
          %dma_start3A_150 = tpu.memref_slice %arg9[%scan3A_83, %dma_start3A_149] : memref<25x80xi32, #tpu.memory_space<vmem>> -> memref<1x80xi32, #tpu.memory_space<vmem>>
          %dma_start3A_151 = tpu.memref_squeeze %dma_start3A_150 : memref<1x80xi32, #tpu.memory_space<vmem>> -> memref<80xi32, #tpu.memory_space<vmem>>
          %dma_start3A_152 = arith.constant 0 : i32
          %dma_start3A_153 = arith.constant 0 : i32
          %dma_start3A_154 = tpu.memref_slice %arg7[%dma_start3A_152, %dma_start3A_153] : memref<10000x128xf32, #tpu.memory_space<vmem_shared>> -> memref<10000x128xf32, #tpu.memory_space<vmem_shared>>
          tpu.enqueue_indirect_dma source(%arg12 : memref<80x128xf32, #tpu.memory_space<vmem>>) target(%dma_start3A_154 : memref<10000x128xf32, #tpu.memory_space<vmem_shared>>) offsets(%dma_start3A_151 : memref<80xi32, #tpu.memory_space<vmem>>) semaphore(%arg16 : memref<!tpu.dma_semaphore, #tpu.memory_space<semaphore_mem>>) {add = true}
          %add3A_155 = arith.constant 2 : i32
          %add3A_156 = arith.addi %scan3A_83, %add3A_155 : i32
          %lt3A_157 = arith.constant 25 : i32
          %lt3A_158 = arith.cmpi slt, %add3A_156, %lt3A_157 : i32
          %convert_element_type3A_159 = arith.extui %lt3A_158 : i1 to i32
          %cond3A_160 = arith.constant 0 : i32
          %cond3A_161 = arith.cmpi ne, %convert_element_type3A_159, %cond3A_160 : i32
          scf.if %cond3A_161 {
            %ge3A = arith.constant 1 : i32
            %ge3A_162 = arith.cmpi sge, %scan3A_83, %ge3A : i32
            %convert_element_type3A_163 = arith.extui %ge3A_162 : i1 to i32
            %cond3A_164 = arith.constant 0 : i32
            %cond3A_165 = arith.cmpi ne, %convert_element_type3A_163, %cond3A_164 : i32
            scf.if %cond3A_165 {
              %dma_wait3A_174 = arith.constant 0 : i32
              %dma_wait3A_175 = arith.constant 0 : i32
              %dma_wait3A_176 = tpu.memref_slice %arg2[%dma_wait3A_174, %dma_wait3A_175] : memref<10000x128xf32, #tpu.memory_space<hbm>> -> memref<80x128xf32, #tpu.memory_space<hbm>>
              %dma_wait3A_177 = arith.constant 0 : i32
              %dma_wait3A_178 = arith.constant 0 : i32
              %dma_wait3A_179 = tpu.memref_slice %arg2[%dma_wait3A_177, %dma_wait3A_178] : memref<10000x128xf32, #tpu.memory_space<hbm>> -> memref<80x128xf32, #tpu.memory_space<hbm>>
              tpu.wait_dma2 semaphore(%arg16 : memref<!tpu.dma_semaphore, #tpu.memory_space<semaphore_mem>>) src(%dma_wait3A_179 : memref<80x128xf32, #tpu.memory_space<hbm>>) dst(%arg10 : memref<80x128xf32, #tpu.memory_space<vmem>>)
            } else {
            }
            %add3A_166 = arith.constant 2 : i32
            %add3A_167 = arith.addi %scan3A_83, %add3A_166 : i32
            %dma_start3A_168 = arith.constant 0 : i32
            %dma_start3A_169 = tpu.memref_slice %arg8[%add3A_167, %dma_start3A_168] : memref<25x80xi32, #tpu.memory_space<vmem>> -> memref<1x80xi32, #tpu.memory_space<vmem>>
            %dma_start3A_170 = tpu.memref_squeeze %dma_start3A_169 : memref<1x80xi32, #tpu.memory_space<vmem>> -> memref<80xi32, #tpu.memory_space<vmem>>
            %dma_start3A_171 = arith.constant 0 : i32
            %dma_start3A_172 = arith.constant 0 : i32
            %dma_start3A_173 = tpu.memref_slice %arg2[%dma_start3A_171, %dma_start3A_172] : memref<10000x128xf32, #tpu.memory_space<hbm>> -> memref<10000x128xf32, #tpu.memory_space<hbm>>
            tpu.enqueue_indirect_dma source(%dma_start3A_173 : memref<10000x128xf32, #tpu.memory_space<hbm>>) target(%arg11 : memref<80x128xf32, #tpu.memory_space<vmem>>) offsets(%dma_start3A_170 : memref<80xi32, #tpu.memory_space<vmem>>) semaphore(%arg14 : memref<!tpu.dma_semaphore, #tpu.memory_space<semaphore_mem>>)
          } else {
          }
        } else {
        }
      }
      %scan3A_65 = arith.constant 25 : i32
      %dma_wait3A = arith.constant 0 : i32
      %dma_wait3A_66 = arith.constant 0 : i32
      %dma_wait3A_67 = tpu.memref_slice %arg2[%dma_wait3A, %dma_wait3A_66] : memref<10000x128xf32, #tpu.memory_space<hbm>> -> memref<80x128xf32, #tpu.memory_space<hbm>>
      %dma_wait3A_68 = arith.constant 0 : i32
      %dma_wait3A_69 = arith.constant 0 : i32
      %dma_wait3A_70 = tpu.memref_slice %arg2[%dma_wait3A_68, %dma_wait3A_69] : memref<10000x128xf32, #tpu.memory_space<hbm>> -> memref<80x128xf32, #tpu.memory_space<hbm>>
      tpu.wait_dma2 semaphore(%arg16 : memref<!tpu.dma_semaphore, #tpu.memory_space<semaphore_mem>>) src(%dma_wait3A_70 : memref<80x128xf32, #tpu.memory_space<hbm>>) dst(%arg10 : memref<80x128xf32, #tpu.memory_space<vmem>>)
      %dma_wait3A_71 = arith.constant 0 : i32
      %dma_wait3A_72 = arith.constant 0 : i32
      %dma_wait3A_73 = tpu.memref_slice %arg2[%dma_wait3A_71, %dma_wait3A_72] : memref<10000x128xf32, #tpu.memory_space<hbm>> -> memref<80x128xf32, #tpu.memory_space<hbm>>
      %dma_wait3A_74 = arith.constant 0 : i32
      %dma_wait3A_75 = arith.constant 0 : i32
      %dma_wait3A_76 = tpu.memref_slice %arg2[%dma_wait3A_74, %dma_wait3A_75] : memref<10000x128xf32, #tpu.memory_space<hbm>> -> memref<80x128xf32, #tpu.memory_space<hbm>>
      tpu.wait_dma2 semaphore(%arg16 : memref<!tpu.dma_semaphore, #tpu.memory_space<semaphore_mem>>) src(%dma_wait3A_76 : memref<80x128xf32, #tpu.memory_space<hbm>>) dst(%arg10 : memref<80x128xf32, #tpu.memory_space<vmem>>)
      %dma_wait3A_77 = arith.constant 0 : i32
      %dma_wait3A_78 = arith.constant 0 : i32
      %dma_wait3A_79 = tpu.memref_slice %arg2[%dma_wait3A_77, %dma_wait3A_78] : memref<10000x128xf32, #tpu.memory_space<hbm>> -> memref<80x128xf32, #tpu.memory_space<hbm>>
      %dma_wait3A_80 = arith.constant 0 : i32
      %dma_wait3A_81 = arith.constant 0 : i32
      %dma_wait3A_82 = tpu.memref_slice %arg2[%dma_wait3A_80, %dma_wait3A_81] : memref<10000x128xf32, #tpu.memory_space<hbm>> -> memref<80x128xf32, #tpu.memory_space<hbm>>
      tpu.wait_dma2 semaphore(%arg16 : memref<!tpu.dma_semaphore, #tpu.memory_space<semaphore_mem>>) src(%dma_wait3A_82 : memref<80x128xf32, #tpu.memory_space<hbm>>) dst(%arg10 : memref<80x128xf32, #tpu.memory_space<vmem>>)
    }
    %scan3A_34 = arith.constant 5 : i32
    %barrier3A_35 = arith.constant 0 : index
    tpu.barrier barrier_id(%barrier3A_35)
    %lt3A_36 = arith.constant 15 : i32
    %lt3A_37 = arith.cmpi slt, %arg1, %lt3A_36 : i32
    %convert_element_type3A_38 = arith.extui %lt3A_37 : i1 to i32
    %cond3A_39 = arith.constant 0 : i32
    %cond3A_40 = arith.cmpi ne, %convert_element_type3A_38, %cond3A_39 : i32
    scf.if %cond3A_40 {
      "tpu.region"() ({
        %run_scoped3A = tpu.sem_alloc : memref<!tpu.dma_semaphore, #tpu.memory_space<semaphore_mem>>
        %dma_start3A = arith.constant 0 : i32
        %dma_start3A_46 = tpu.memref_slice %arg6[%arg0, %multiple_of3A, %dma_start3A] : memref<2x10000x128xf32, #tpu.memory_space<hbm>> -> memref<1x624x128xf32, #tpu.memory_space<hbm>>
        %dma_start3A_47 = tpu.memref_squeeze %dma_start3A_46 : memref<1x624x128xf32, #tpu.memory_space<hbm>> -> memref<624x128xf32, #tpu.memory_space<hbm>>
        %dma_start3A_48 = arith.constant 0 : i32
        %dma_start3A_49 = tpu.memref_slice %arg7[%multiple_of3A, %dma_start3A_48] : memref<10000x128xf32, #tpu.memory_space<vmem_shared>> -> memref<624x128xf32, #tpu.memory_space<vmem_shared>>
        tpu.enqueue_dma source(%dma_start3A_49 : memref<624x128xf32, #tpu.memory_space<vmem_shared>>) target(%dma_start3A_47 : memref<624x128xf32, #tpu.memory_space<hbm>>) target_semaphore(%run_scoped3A : memref<!tpu.dma_semaphore, #tpu.memory_space<semaphore_mem>>)
        %dma_wait3A = arith.constant 0 : i32
        %dma_wait3A_50 = tpu.memref_slice %arg6[%arg0, %multiple_of3A, %dma_wait3A] : memref<2x10000x128xf32, #tpu.memory_space<hbm>> -> memref<1x624x128xf32, #tpu.memory_space<hbm>>
        %dma_wait3A_51 = tpu.memref_squeeze %dma_wait3A_50 : memref<1x624x128xf32, #tpu.memory_space<hbm>> -> memref<624x128xf32, #tpu.memory_space<hbm>>
        %dma_wait3A_52 = arith.constant 0 : i32
        %dma_wait3A_53 = tpu.memref_slice %arg7[%multiple_of3A, %dma_wait3A_52] : memref<10000x128xf32, #tpu.memory_space<vmem_shared>> -> memref<624x128xf32, #tpu.memory_space<vmem_shared>>
        tpu.wait_dma2 semaphore(%run_scoped3A : memref<!tpu.dma_semaphore, #tpu.memory_space<semaphore_mem>>) src(%dma_wait3A_53 : memref<624x128xf32, #tpu.memory_space<vmem_shared>>) dst(%dma_wait3A_51 : memref<624x128xf32, #tpu.memory_space<hbm>>)
        tpu.yield
      }) : () -> ()
    } else {
    }
    %eq3A_41 = arith.constant 15 : i32
    %eq3A_42 = arith.cmpi eq, %arg1, %eq3A_41 : i32
    %convert_element_type3A_43 = arith.extui %eq3A_42 : i1 to i32
    %cond3A_44 = arith.constant 0 : i32
    %cond3A_45 = arith.cmpi ne, %convert_element_type3A_43, %cond3A_44 : i32
    scf.if %cond3A_45 {
      "tpu.region"() ({
        %run_scoped3A = tpu.sem_alloc : memref<!tpu.dma_semaphore, #tpu.memory_space<semaphore_mem>>
        %dma_start3A = arith.constant 9360 : i32
        %dma_start3A_46 = arith.constant 0 : i32
        %dma_start3A_47 = tpu.memref_slice %arg6[%arg0, %dma_start3A, %dma_start3A_46] : memref<2x10000x128xf32, #tpu.memory_space<hbm>> -> memref<1x640x128xf32, #tpu.memory_space<hbm>>
        %dma_start3A_48 = tpu.memref_squeeze %dma_start3A_47 : memref<1x640x128xf32, #tpu.memory_space<hbm>> -> memref<640x128xf32, #tpu.memory_space<hbm>>
        %dma_start3A_49 = arith.constant 9360 : i32
        %dma_start3A_50 = arith.constant 0 : i32
        %dma_start3A_51 = tpu.memref_slice %arg7[%dma_start3A_49, %dma_start3A_50] : memref<10000x128xf32, #tpu.memory_space<vmem_shared>> -> memref<640x128xf32, #tpu.memory_space<vmem_shared>>
        tpu.enqueue_dma source(%dma_start3A_51 : memref<640x128xf32, #tpu.memory_space<vmem_shared>>) target(%dma_start3A_48 : memref<640x128xf32, #tpu.memory_space<hbm>>) target_semaphore(%run_scoped3A : memref<!tpu.dma_semaphore, #tpu.memory_space<semaphore_mem>>)
        %dma_wait3A = arith.constant 9360 : i32
        %dma_wait3A_52 = arith.constant 0 : i32
        %dma_wait3A_53 = tpu.memref_slice %arg6[%arg0, %dma_wait3A, %dma_wait3A_52] : memref<2x10000x128xf32, #tpu.memory_space<hbm>> -> memref<1x640x128xf32, #tpu.memory_space<hbm>>
        %dma_wait3A_54 = tpu.memref_squeeze %dma_wait3A_53 : memref<1x640x128xf32, #tpu.memory_space<hbm>> -> memref<640x128xf32, #tpu.memory_space<hbm>>
        %dma_wait3A_55 = arith.constant 9360 : i32
        %dma_wait3A_56 = arith.constant 0 : i32
        %dma_wait3A_57 = tpu.memref_slice %arg7[%dma_wait3A_55, %dma_wait3A_56] : memref<10000x128xf32, #tpu.memory_space<vmem_shared>> -> memref<640x128xf32, #tpu.memory_space<vmem_shared>>
        tpu.wait_dma2 semaphore(%run_scoped3A : memref<!tpu.dma_semaphore, #tpu.memory_space<semaphore_mem>>) src(%dma_wait3A_57 : memref<640x128xf32, #tpu.memory_space<vmem_shared>>) dst(%dma_wait3A_54 : memref<640x128xf32, #tpu.memory_space<hbm>>)
        tpu.yield
      }) : () -> ()
    } else {
    }
    return
  }
}

module attributes {stable_mosaic.version = 14 : i64} {
  func.func @_tc_emb_body(%arg0: memref<10000x1xi32, #tpu.memory_space<vmem>>, %arg1: memref<128x128xf32, #tpu.memory_space<vmem>>, %arg2: memref<128x128xf32, #tpu.memory_space<vmem>>, %arg3: memref<1x128xf32, #tpu.memory_space<vmem>>, %arg4: memref<128x128xf32, #tpu.memory_space<vmem>>, %arg5: memref<1x128xf32, #tpu.memory_space<vmem>>, %arg6: memref<10000x128xf32, #tpu.memory_space<vmem>>) attributes {dimension_semantics = [], scalar_prefetch = 0 : i64, scratch_operands = 0 : i64, tpu.core_type = #tpu.core_type<tc>} {
    %get3A = arith.constant 0 : index
    %get3A_0 = arith.constant 0 : index
    %get3A_1 = vector.load %arg1[%get3A, %get3A_0] : memref<128x128xf32, #tpu.memory_space<vmem>>, vector<128x128xf32>
    %get3A_2 = arith.constant 0 : index
    %get3A_3 = arith.constant 0 : index
    %get3A_4 = vector.load %arg2[%get3A_2, %get3A_3] : memref<128x128xf32, #tpu.memory_space<vmem>>, vector<128x128xf32>
    %dot_general3A = arith.constant dense<0.000000e+00> : vector<128x128xf32>
    %dot_general3A_5 = tpu.matmul %get3A_1, %get3A_4, %dot_general3A {dimension_numbers = #tpu.dot_dimension_numbers<[1], [0], [0], [1], [0, 0, 1, 1], [], []>, transpose_lhs_hint = false} : vector<128x128xf32>, vector<128x128xf32>, vector<128x128xf32> -> vector<128x128xf32>
    %get3A_6 = arith.constant 0 : index
    %get3A_7 = arith.constant 0 : index
    %get3A_8 = vector.load %arg3[%get3A_6, %get3A_7] : memref<1x128xf32, #tpu.memory_space<vmem>>, vector<1x128xf32>
    %add3A = vector.broadcast %get3A_8 : vector<1x128xf32> to vector<128x128xf32>
    %add3A_9 = arith.addf %dot_general3A_5, %add3A : vector<128x128xf32>
    %jit3A = arith.constant 0.00999999977 : f32
    %ge3A = arith.constant 0.000000e+00 : f32
    %ge3A_10 = vector.broadcast %ge3A : f32 to vector<128x128xf32>
    %ge3A_11 = arith.cmpf oge, %add3A_9, %ge3A_10 : vector<128x128xf32>
    %mul3A = vector.broadcast %jit3A : f32 to vector<128x128xf32>
    %mul3A_12 = arith.mulf %mul3A, %add3A_9 : vector<128x128xf32>
    %select_n3A = arith.select %ge3A_11, %add3A_9, %mul3A_12 : vector<128x128xi1>, vector<128x128xf32>
    %get3A_13 = arith.constant 0 : index
    %get3A_14 = arith.constant 0 : index
    %get3A_15 = vector.load %arg4[%get3A_13, %get3A_14] : memref<128x128xf32, #tpu.memory_space<vmem>>, vector<128x128xf32>
    %dot_general3A_16 = arith.constant dense<0.000000e+00> : vector<128x128xf32>
    %dot_general3A_17 = tpu.matmul %select_n3A, %get3A_15, %dot_general3A_16 {dimension_numbers = #tpu.dot_dimension_numbers<[1], [0], [0], [1], [0, 0, 1, 1], [], []>, transpose_lhs_hint = false} : vector<128x128xf32>, vector<128x128xf32>, vector<128x128xf32> -> vector<128x128xf32>
    %get3A_18 = arith.constant 0 : index
    %get3A_19 = arith.constant 0 : index
    %get3A_20 = vector.load %arg5[%get3A_18, %get3A_19] : memref<1x128xf32, #tpu.memory_space<vmem>>, vector<1x128xf32>
    %add3A_21 = vector.broadcast %get3A_20 : vector<1x128xf32> to vector<128x128xf32>
    %add3A_22 = arith.addf %dot_general3A_17, %add3A_21 : vector<128x128xf32>
    %iota3A = tpu.iota {dimensions = array<i32: 1>} : vector<10000x128xi32>
    %get3A_23 = arith.constant 0 : index
    %get3A_24 = arith.constant 0 : index
    %get3A_25 = vector.load %arg0[%get3A_23, %get3A_24] : memref<10000x1xi32, #tpu.memory_space<vmem>>, vector<10000x1xi32>
    %eq3A = vector.broadcast %get3A_25 : vector<10000x1xi32> to vector<10000x128xi32>
    %eq3A_26 = arith.cmpi eq, %iota3A, %eq3A : vector<10000x128xi32>
    %convert_element_type3A = arith.extui %eq3A_26 : vector<10000x128xi1> to vector<10000x128xi32>
    %convert_element_type3A_27 = arith.sitofp %convert_element_type3A : vector<10000x128xi32> to vector<10000x128xf32>
    %dot_general3A_28 = arith.constant dense<0.000000e+00> : vector<10000x128xf32>
    %dot_general3A_29 = tpu.matmul %convert_element_type3A_27, %add3A_22, %dot_general3A_28 {dimension_numbers = #tpu.dot_dimension_numbers<[1], [0], [0], [1], [0, 0, 1, 1], [], []>, transpose_lhs_hint = false} : vector<10000x128xf32>, vector<128x128xf32>, vector<10000x128xf32> -> vector<10000x128xf32>
    %swap3A = arith.constant 0 : index
    %swap3A_30 = arith.constant 0 : index
    %swap3A_31 = vector.load %arg6[%swap3A, %swap3A_30] : memref<10000x128xf32, #tpu.memory_space<vmem>>, vector<10000x128xf32>
    tpu.vector_store %arg6[%swap3A, %swap3A_30], %dot_general3A_29 {strides = array<i32>} : memref<10000x128xf32, #tpu.memory_space<vmem>>, vector<10000x128xf32>,
    return
  }
}

module attributes {stable_mosaic.version = 14 : i64} {
  func.func @_tc_scale_body(%arg0: memref<10000x128xf32, #tpu.memory_space<vmem>>, %arg1: memref<10000x2xf32, #tpu.memory_space<vmem>>, %arg2: memref<128x128xf32, #tpu.memory_space<vmem>>, %arg3: memref<10000x1xf32, #tpu.memory_space<vmem>>, %arg4: memref<10000x128xf32, #tpu.memory_space<vmem>>) attributes {dimension_semantics = [], scalar_prefetch = 0 : i64, scratch_operands = 0 : i64, tpu.core_type = #tpu.core_type<tc>} {
    %get3A = arith.constant 0 : index
    %get3A_0 = arith.constant 0 : index
    %get3A_1 = vector.load %arg1[%get3A, %get3A_0] : memref<10000x2xf32, #tpu.memory_space<vmem>>, vector<10000x1xf32>
    %get3A_2 = arith.constant 0 : index
    %get3A_3 = arith.constant 1 : index
    %get3A_4 = vector.load %arg1[%get3A_2, %get3A_3] : memref<10000x2xf32, #tpu.memory_space<vmem>>, vector<10000x1xf32>
    %add3A = arith.addf %get3A_1, %get3A_4 : vector<10000x1xf32>
    %add3A_5 = arith.constant 1.000000e+00 : f32
    %add3A_6 = vector.broadcast %add3A_5 : f32 to vector<10000x1xf32>
    %add3A_7 = arith.addf %add3A, %add3A_6 : vector<10000x1xf32>
    %rsqrt3A = math.rsqrt %add3A_7 : vector<10000x1xf32>
    %swap3A = arith.constant 0 : index
    %swap3A_8 = arith.constant 0 : index
    %swap3A_9 = vector.load %arg3[%swap3A, %swap3A_8] : memref<10000x1xf32, #tpu.memory_space<vmem>>, vector<10000x1xf32>
    tpu.vector_store %arg3[%swap3A, %swap3A_8], %rsqrt3A {strides = array<i32>} : memref<10000x1xf32, #tpu.memory_space<vmem>>, vector<10000x1xf32>,
    %get3A_10 = arith.constant 0 : index
    %get3A_11 = arith.constant 0 : index
    %get3A_12 = vector.load %arg0[%get3A_10, %get3A_11] : memref<10000x128xf32, #tpu.memory_space<vmem>>, vector<10000x128xf32>
    %get3A_13 = arith.constant 0 : index
    %get3A_14 = arith.constant 0 : index
    %get3A_15 = vector.load %arg2[%get3A_13, %get3A_14] : memref<128x128xf32, #tpu.memory_space<vmem>>, vector<128x128xf32>
    %dot_general3A = arith.constant dense<0.000000e+00> : vector<10000x128xf32>
    %dot_general3A_16 = tpu.matmul %get3A_12, %get3A_15, %dot_general3A {dimension_numbers = #tpu.dot_dimension_numbers<[1], [0], [0], [1], [0, 0, 1, 1], [], []>, transpose_lhs_hint = false} : vector<10000x128xf32>, vector<128x128xf32>, vector<10000x128xf32> -> vector<10000x128xf32>
    %mul3A = vector.broadcast %rsqrt3A : vector<10000x1xf32> to vector<10000x128xf32>
    %mul3A_17 = arith.mulf %dot_general3A_16, %mul3A : vector<10000x128xf32>
    %swap3A_18 = arith.constant 0 : index
    %swap3A_19 = arith.constant 0 : index
    %swap3A_20 = vector.load %arg4[%swap3A_18, %swap3A_19] : memref<10000x128xf32, #tpu.memory_space<vmem>>, vector<10000x128xf32>
    tpu.vector_store %arg4[%swap3A_18, %swap3A_19], %mul3A_17 {strides = array<i32>} : memref<10000x128xf32, #tpu.memory_space<vmem>>, vector<10000x128xf32>,
    return
  }
}

module attributes {stable_mosaic.version = 14 : i64} {
  func.func @_tc_mid_body(%arg0: memref<2x10000x128xf32, #tpu.memory_space<vmem>>, %arg1: memref<10000x128xf32, #tpu.memory_space<vmem>>, %arg2: memref<10000x1xf32, #tpu.memory_space<vmem>>, %arg3: memref<1x128xf32, #tpu.memory_space<vmem>>, %arg4: memref<128x128xf32, #tpu.memory_space<vmem>>, %arg5: memref<10000x128xf32, #tpu.memory_space<vmem>>, %arg6: memref<10000x128xf32, #tpu.memory_space<vmem>>) attributes {dimension_semantics = [], scalar_prefetch = 0 : i64, scratch_operands = 0 : i64, tpu.core_type = #tpu.core_type<tc>} {
    %get3A = arith.constant 0 : index
    %get3A_0 = arith.constant 0 : index
    %get3A_1 = arith.constant 0 : index
    %get3A_2 = vector.load %arg0[%get3A, %get3A_0, %get3A_1] : memref<2x10000x128xf32, #tpu.memory_space<vmem>>, vector<1x10000x128xf32>
    %get3A_3 = vector.shape_cast %get3A_2 : vector<1x10000x128xf32> to vector<10000x128xf32>
    %get3A_4 = arith.constant 1 : index
    %get3A_5 = arith.constant 0 : index
    %get3A_6 = arith.constant 0 : index
    %get3A_7 = vector.load %arg0[%get3A_4, %get3A_5, %get3A_6] : memref<2x10000x128xf32, #tpu.memory_space<vmem>>, vector<1x10000x128xf32>
    %get3A_8 = vector.shape_cast %get3A_7 : vector<1x10000x128xf32> to vector<10000x128xf32>
    %add3A = arith.addf %get3A_3, %get3A_8 : vector<10000x128xf32>
    %get3A_9 = arith.constant 0 : index
    %get3A_10 = arith.constant 0 : index
    %get3A_11 = vector.load %arg2[%get3A_9, %get3A_10] : memref<10000x1xf32, #tpu.memory_space<vmem>>, vector<10000x1xf32>
    %mul3A = vector.broadcast %get3A_11 : vector<10000x1xf32> to vector<10000x128xf32>
    %mul3A_12 = arith.mulf %mul3A, %add3A : vector<10000x128xf32>
    %get3A_13 = arith.constant 0 : index
    %get3A_14 = arith.constant 0 : index
    %get3A_15 = vector.load %arg3[%get3A_13, %get3A_14] : memref<1x128xf32, #tpu.memory_space<vmem>>, vector<1x128xf32>
    %add3A_16 = vector.broadcast %get3A_15 : vector<1x128xf32> to vector<10000x128xf32>
    %add3A_17 = arith.addf %mul3A_12, %add3A_16 : vector<10000x128xf32>
    %jit3A = arith.constant 0.00999999977 : f32
    %ge3A = arith.constant 0.000000e+00 : f32
    %ge3A_18 = vector.broadcast %ge3A : f32 to vector<10000x128xf32>
    %ge3A_19 = arith.cmpf oge, %add3A_17, %ge3A_18 : vector<10000x128xf32>
    %mul3A_20 = vector.broadcast %jit3A : f32 to vector<10000x128xf32>
    %mul3A_21 = arith.mulf %mul3A_20, %add3A_17 : vector<10000x128xf32>
    %select_n3A = arith.select %ge3A_19, %add3A_17, %mul3A_21 : vector<10000x128xi1>, vector<10000x128xf32>
    %get3A_22 = arith.constant 0 : index
    %get3A_23 = arith.constant 0 : index
    %get3A_24 = vector.load %arg1[%get3A_22, %get3A_23] : memref<10000x128xf32, #tpu.memory_space<vmem>>, vector<10000x128xf32>
    %add3A_25 = arith.addf %select_n3A, %get3A_24 : vector<10000x128xf32>
    %swap3A = arith.constant 0 : index
    %swap3A_26 = arith.constant 0 : index
    %swap3A_27 = vector.load %arg5[%swap3A, %swap3A_26] : memref<10000x128xf32, #tpu.memory_space<vmem>>, vector<10000x128xf32>
    tpu.vector_store %arg5[%swap3A, %swap3A_26], %add3A_25 {strides = array<i32>} : memref<10000x128xf32, #tpu.memory_space<vmem>>, vector<10000x128xf32>,
    %get3A_28 = arith.constant 0 : index
    %get3A_29 = arith.constant 0 : index
    %get3A_30 = vector.load %arg4[%get3A_28, %get3A_29] : memref<128x128xf32, #tpu.memory_space<vmem>>, vector<128x128xf32>
    %dot_general3A = arith.constant dense<0.000000e+00> : vector<10000x128xf32>
    %dot_general3A_31 = tpu.matmul %add3A_25, %get3A_30, %dot_general3A {dimension_numbers = #tpu.dot_dimension_numbers<[1], [0], [0], [1], [0, 0, 1, 1], [], []>, transpose_lhs_hint = false} : vector<10000x128xf32>, vector<128x128xf32>, vector<10000x128xf32> -> vector<10000x128xf32>
    %get3A_32 = arith.constant 0 : index
    %get3A_33 = arith.constant 0 : index
    %get3A_34 = vector.load %arg2[%get3A_32, %get3A_33] : memref<10000x1xf32, #tpu.memory_space<vmem>>, vector<10000x1xf32>
    %mul3A_35 = vector.broadcast %get3A_34 : vector<10000x1xf32> to vector<10000x128xf32>
    %mul3A_36 = arith.mulf %dot_general3A_31, %mul3A_35 : vector<10000x128xf32>
    %swap3A_37 = arith.constant 0 : index
    %swap3A_38 = arith.constant 0 : index
    %swap3A_39 = vector.load %arg6[%swap3A_37, %swap3A_38] : memref<10000x128xf32, #tpu.memory_space<vmem>>, vector<10000x128xf32>
    tpu.vector_store %arg6[%swap3A_37, %swap3A_38], %mul3A_36 {strides = array<i32>} : memref<10000x128xf32, #tpu.memory_space<vmem>>, vector<10000x128xf32>,
    return
  }
}

module attributes {stable_mosaic.version = 14 : i64} {
  func.func @_tc_post_body(%arg0: memref<2x10000x128xf32, #tpu.memory_space<vmem>>, %arg1: memref<10000x128xf32, #tpu.memory_space<vmem>>, %arg2: memref<10000x1xf32, #tpu.memory_space<vmem>>, %arg3: memref<1x128xf32, #tpu.memory_space<vmem>>, %arg4: memref<128x128xf32, #tpu.memory_space<vmem>>, %arg5: memref<128x1xf32, #tpu.memory_space<vmem>>, %arg6: memref<10000x1xf32, #tpu.memory_space<vmem>>) attributes {dimension_semantics = [], scalar_prefetch = 0 : i64, scratch_operands = 0 : i64, tpu.core_type = #tpu.core_type<tc>} {
    %get3A = arith.constant 0 : index
    %get3A_0 = arith.constant 0 : index
    %get3A_1 = arith.constant 0 : index
    %get3A_2 = vector.load %arg0[%get3A, %get3A_0, %get3A_1] : memref<2x10000x128xf32, #tpu.memory_space<vmem>>, vector<1x10000x128xf32>
    %get3A_3 = vector.shape_cast %get3A_2 : vector<1x10000x128xf32> to vector<10000x128xf32>
    %get3A_4 = arith.constant 1 : index
    %get3A_5 = arith.constant 0 : index
    %get3A_6 = arith.constant 0 : index
    %get3A_7 = vector.load %arg0[%get3A_4, %get3A_5, %get3A_6] : memref<2x10000x128xf32, #tpu.memory_space<vmem>>, vector<1x10000x128xf32>
    %get3A_8 = vector.shape_cast %get3A_7 : vector<1x10000x128xf32> to vector<10000x128xf32>
    %add3A = arith.addf %get3A_3, %get3A_8 : vector<10000x128xf32>
    %get3A_9 = arith.constant 0 : index
    %get3A_10 = arith.constant 0 : index
    %get3A_11 = vector.load %arg2[%get3A_9, %get3A_10] : memref<10000x1xf32, #tpu.memory_space<vmem>>, vector<10000x1xf32>
    %mul3A = vector.broadcast %get3A_11 : vector<10000x1xf32> to vector<10000x128xf32>
    %mul3A_12 = arith.mulf %mul3A, %add3A : vector<10000x128xf32>
    %get3A_13 = arith.constant 0 : index
    %get3A_14 = arith.constant 0 : index
    %get3A_15 = vector.load %arg3[%get3A_13, %get3A_14] : memref<1x128xf32, #tpu.memory_space<vmem>>, vector<1x128xf32>
    %add3A_16 = vector.broadcast %get3A_15 : vector<1x128xf32> to vector<10000x128xf32>
    %add3A_17 = arith.addf %mul3A_12, %add3A_16 : vector<10000x128xf32>
    %jit3A = arith.constant 0.00999999977 : f32
    %ge3A = arith.constant 0.000000e+00 : f32
    %ge3A_18 = vector.broadcast %ge3A : f32 to vector<10000x128xf32>
    %ge3A_19 = arith.cmpf oge, %add3A_17, %ge3A_18 : vector<10000x128xf32>
    %mul3A_20 = vector.broadcast %jit3A : f32 to vector<10000x128xf32>
    %mul3A_21 = arith.mulf %mul3A_20, %add3A_17 : vector<10000x128xf32>
    %select_n3A = arith.select %ge3A_19, %add3A_17, %mul3A_21 : vector<10000x128xi1>, vector<10000x128xf32>
    %get3A_22 = arith.constant 0 : index
    %get3A_23 = arith.constant 0 : index
    %get3A_24 = vector.load %arg1[%get3A_22, %get3A_23] : memref<10000x128xf32, #tpu.memory_space<vmem>>, vector<10000x128xf32>
    %add3A_25 = arith.addf %select_n3A, %get3A_24 : vector<10000x128xf32>
    %get3A_26 = arith.constant 0 : index
    %get3A_27 = arith.constant 0 : index
    %get3A_28 = vector.load %arg4[%get3A_26, %get3A_27] : memref<128x128xf32, #tpu.memory_space<vmem>>, vector<128x128xf32>
    %dot_general3A = arith.constant dense<0.000000e+00> : vector<10000x128xf32>
    %dot_general3A_29 = tpu.matmul %add3A_25, %get3A_28, %dot_general3A {dimension_numbers = #tpu.dot_dimension_numbers<[1], [0], [0], [1], [0, 0, 1, 1], [], []>, transpose_lhs_hint = false} : vector<10000x128xf32>, vector<128x128xf32>, vector<10000x128xf32> -> vector<10000x128xf32>
    %jit3A_30 = arith.constant 0.00999999977 : f32
    %ge3A_31 = arith.constant 0.000000e+00 : f32
    %ge3A_32 = vector.broadcast %ge3A_31 : f32 to vector<10000x128xf32>
    %ge3A_33 = arith.cmpf oge, %dot_general3A_29, %ge3A_32 : vector<10000x128xf32>
    %mul3A_34 = vector.broadcast %jit3A_30 : f32 to vector<10000x128xf32>
    %mul3A_35 = arith.mulf %mul3A_34, %dot_general3A_29 : vector<10000x128xf32>
    %select_n3A_36 = arith.select %ge3A_33, %dot_general3A_29, %mul3A_35 : vector<10000x128xi1>, vector<10000x128xf32>
    %get3A_37 = arith.constant 0 : index
    %get3A_38 = arith.constant 0 : index
    %get3A_39 = vector.load %arg5[%get3A_37, %get3A_38] : memref<128x1xf32, #tpu.memory_space<vmem>>, vector<128x1xf32>
    %dot_general3A_40 = arith.constant dense<0.000000e+00> : vector<10000x1xf32>
    %dot_general3A_41 = tpu.matmul %select_n3A_36, %get3A_39, %dot_general3A_40 {dimension_numbers = #tpu.dot_dimension_numbers<[1], [0], [0], [1], [0, 0, 1, 1], [], []>, transpose_lhs_hint = false} : vector<10000x128xf32>, vector<128x1xf32>, vector<10000x1xf32> -> vector<10000x1xf32>
    %swap3A = arith.constant 0 : index
    %swap3A_42 = arith.constant 0 : index
    %swap3A_43 = vector.load %arg6[%swap3A, %swap3A_42] : memref<10000x1xf32, #tpu.memory_space<vmem>>, vector<10000x1xf32>
    tpu.vector_store %arg6[%swap3A, %swap3A_42], %dot_general3A_41 {strides = array<i32>} : memref<10000x1xf32, #tpu.memory_space<vmem>>, vector<10000x1xf32>,
    return
  }
}

</mosaic_0001>

<sc_bundles>
// kernel: kernel.11.cloned.1.call-start
scs
__scs_entry_jumppad:
0x0: {  	(pc) =	sbr.rel $0x88, $3  }
0x1: {  	(tag) =	ssettag $0x0;
	lr =	simm.s32 $0x1  }
0x2: {  	[smem:$0x3F92] =	sst lr;
	_ =	strace $0xD0000000  }
0x3: {  	_ = 	snop  }
0x4: {  	_ = 	snop  }
0x5: {  	_ = 	snop  }
0x6: {  	_ = 	snop  }
0x7: {  	_ = 	snop  }
__scs_overlays_trampoline_lowered:
0x8: {  	[smem:$0x3FA1] =	sst s0  }
0x9: {  	[smem:$0x3FA2] =	sst s1  }
0xa: {  	[smem:$0x3FA3] =	sst s2  }
0xb: {  	[smem:$0x3FA4] =	sst s3  }
0xc: {  	[smem:$0x3FA5] =	sst s4  }
0xd: {  	[smem:$0x3FA6] =	sst s5  }
0xe: {  	[smem:$0x3FA7] =	sst s6  }
0xf: {  	[smem:$0x3FA8] =	sst s7  }
0x10: {  	[smem:$0x3FA9] =	sst s8  }
0x11: {  	[smem:$0x3FAA] =	sst s9;
	s0 =	simm.s32 @!p0 $0x0  }
0x12: {  	s1 =	sld [smem:$0x3F90];
	s0 =	simm.s32 @p0 $0x1  }
0x13: {  	[smem:$0x3FAB] =	sst s0;
	s0 =	simm.s32 @!p1 $0x0  }
0x14: {  	s2 =	sld [smem:$0x3F8F];
	s0 =	simm.s32 @p1 $0x1  }
0x15: {  	[smem:$0x3FAC] =	sst s0;
	s0 =	simm.s32 @!p2 $0x0  }
0x16: {  	s3 =	sld [smem:$0x3FDB];
	s0 =	simm.s32 @p2 $0x1  }
0x17: {  	s4 =	simm.s32 $0x1BF5;
	[smem:$0x3FAE] =	sst s0  }
0x18: {  	s0 =	sld [smem:$0x3F91];
	_ =	swait.ge [sflag:s4], $0x0  }
0x19: {  	s7 =	sld [smem:$0x3F92]  }
0x1a: {  	s8 =	sadd.s32 $0xFFFFE003, lr  }
0x1b: {  	s9 =	sadd.s32 $0xFFFFFEF7, lr;
	s5 =	simm.s32 $0xFFFFFFFF;
	p2 =	slt.u32 s8, $0xFFFFF086  }
0x1c: {  	p1 =	slt.u32 s9, $0xF7A;
	s5 =	simm.s32 @!p2 $0x0  }
0x1d: {  	s5 =	simm.s32 @p1 $0x1;
	p0 =	seq.s32 s7, s2  }
0x1e: {  	s7 =	smul.u32 @!p0 $0xF7A, s2;
	p2 =	seq.s32 @!p0 s5, $0x0  }
0x1f: {  	s9 =	smul.u32 $0xF7A, s1;
	s8 =	simm.s32 @!p0 $0x1BF5;
	p2 =	por !p2, p0  }
0x20: {  	[sflag:s8] =	ssyncset.s32 @!p0 $0xFFFFF086;
	s6 =	sadd.s32 @!p0 s3, s7;
	s7 =	simm.s32 @!p0 $0x108  }
0x21: {  	s3 =	sadd.s32 s3, s9;
	s6 =	sadd.s32 @!p0 $0x88, s6;
	s7 =	simm.s32 @p2 $0x1082  }
0x22: {  	[simem:s7], [sflag:s8] =	dma.local @!p0 [hbm:s6], $0xF7A  }
0x23: {  	s9 =	sor.u32 $0xD0000000, s2;
	s6 =	simm.s32 $0x108;
	_ =	swait.ge @!p0 [sflag:s8], $0x0  }
0x24: {  	s3 =	sadd.s32 $0x88, s3;
	s6 =	simm.s32 @!p1 $0x1082;
	[sflag:s4] =	ssyncset.s32 $0xFFFFF086  }
0x25: {  	[simem:s6], [sflag:s4] =	dma.local [hbm:s3], $0xF7A  }
0x26: {  	[smem:$0x3F92] =	sst s1;
	(tag) =	ssettag s2;
	_ =	strace s9  }
0x27: {  	s1 =	sld [smem:$0x3FA2]  }
0x28: {  	s2 =	sld [smem:$0x3FA3]  }
0x29: {  	s4 =	sld [smem:$0x3FA5]  }
0x2a: {  	p0 =	seq.s32 s5, $0x0;
	s5 =	sld [smem:$0x3FA6]  }
0x2b: {  	s6 =	sld [smem:$0x3FA7]  }
0x2c: {  	s7 =	sld [smem:$0x3FA8]  }
0x2d: {  	s3 =	simm.s32 $0x108;
	s8 =	sld [smem:$0x3FA9]  }
0x2e: {  	s3 =	simm.s32 @!p0 $0x1082;
	s9 =	sld [smem:$0x3FAA]  }
0x2f: {  	lr =	sadd.s32 s0, s3;
	s0 =	sld [smem:$0x3FA1]  }
0x30: {  	s3 =	sld [smem:$0x3FA4]  }
0x31: {  	[smem:$0x3FAD] =	sst s10  }
0x32: {  	s10 =	sld [smem:$0x3FAB];
	_ =	sdelay $0x3  }
0x33: {  	p0 =	seq.s32 s10, $0x1;
	s10 =	sld [smem:$0x3FAD];
	_ =	sdelay $0x3  }
0x34: {  	[smem:$0x3FAD] =	sst s10  }
0x35: {  	s10 =	sld [smem:$0x3FAC];
	_ =	sdelay $0x3  }
0x36: {  	p1 =	seq.s32 s10, $0x1;
	s10 =	sld [smem:$0x3FAD];
	_ =	sdelay $0x3  }
0x37: {  	[smem:$0x3FAD] =	sst s10  }
0x38: {  	s10 =	sld [smem:$0x3FAE]  }
0x39: {  	_ = 	snop;
	(pc) =	sbr.ind lr, $3  }
0x3a: {  	_ = 	snop  }
0x3b: {  	_ = 	snop  }
0x3c: {  	p2 =	seq.s32 s10, $0x1;
	s10 =	sld [smem:$0x3FAD]  }
0x3d: {  	_ =	shalt  }
0x3e: {  	_ =	shalt  }
0x3f: {  	_ =	shalt  }
0x40: {  	_ =	shalt  }
0x41: {  	_ =	shalt  }
0x42: {  	_ =	shalt  }
0x43: {  	_ =	shalt  }
0x44: {  	_ =	shalt  }
0x45: {  	_ =	shalt  }
0x46: {  	_ =	shalt  }
0x47: {  	_ =	shalt  }
0x48: {  	_ =	shalt  }
0x49: {  	_ =	shalt  }
0x4a: {  	_ =	shalt  }
0x4b: {  	_ =	shalt  }
0x4c: {  	_ =	shalt  }
0x4d: {  	_ =	shalt  }
0x4e: {  	_ =	shalt  }
0x4f: {  	_ =	shalt  }
0x50: {  	_ =	shalt  }
0x51: {  	_ =	shalt  }
0x52: {  	_ =	shalt  }
0x53: {  	_ =	shalt  }
0x54: {  	_ =	shalt  }
0x55: {  	_ =	shalt  }
0x56: {  	_ =	shalt  }
0x57: {  	_ =	shalt  }
0x58: {  	_ =	shalt  }
0x59: {  	_ =	shalt  }
0x5a: {  	_ =	shalt  }
0x5b: {  	_ =	shalt  }
0x5c: {  	_ =	shalt  }
0x5d: {  	_ =	shalt  }
0x5e: {  	_ =	shalt  }
0x5f: {  	_ =	shalt  }
0x60: {  	_ =	shalt  }
0x61: {  	_ =	shalt  }
0x62: {  	_ =	shalt  }
0x63: {  	_ =	shalt  }
0x64: {  	_ =	shalt  }
0x65: {  	_ =	shalt  }
0x66: {  	_ =	shalt  }
0x67: {  	_ =	shalt  }
0x68: {  	_ =	shalt  }
0x69: {  	_ =	shalt  }
0x6a: {  	_ =	shalt  }
0x6b: {  	_ =	shalt  }
0x6c: {  	_ =	shalt  }
0x6d: {  	_ =	shalt  }
0x6e: {  	_ =	shalt  }
0x6f: {  	_ =	shalt  }
0x70: {  	_ =	shalt  }
0x71: {  	_ =	shalt  }
0x72: {  	_ =	shalt  }
0x73: {  	_ =	shalt  }
0x74: {  	_ =	shalt  }
0x75: {  	_ =	shalt  }
0x76: {  	_ =	shalt  }
0x77: {  	_ =	shalt  }
0x78: {  	_ =	shalt  }
0x79: {  	_ =	shalt  }
0x7a: {  	_ =	shalt  }
0x7b: {  	_ =	shalt  }
0x7c: {  	_ =	shalt  }
0x7d: {  	_ =	shalt  }
0x7e: {  	_ =	shalt  }
0x7f: {  	_ =	shalt  }
0x80: {  	_ =	shalt  }
0x81: {  	_ =	shalt  }
0x82: {  	_ =	shalt  }
0x83: {  	_ =	shalt  }
0x84: {  	_ =	shalt  }
0x85: {  	_ =	shalt  }
0x86: {  	_ =	shalt  }
0x87: {  	_ =	shalt  }
.Lfunc_end0:
.L_simem_size_0:
called_computation_lowered:
.L_overlay_start_0:
0x88: {  	s2 =	sld [smem:$0x3FD9]  }
0x89: {  	s3 =	sld [smem:$0x3FFE];
	_ =	sdelay $0x1  }
0x8a: {  	s1 =	srdreg.scid  }
0x8b: {  	s0 =	sand.u32 $0x1, s1  }
0x8c: {  	s16 =	sshll.u32 s0, $0xA;
	s2 =	sadd.s32 s3, s2  }
0x8d: {  	s2 =	sadd.s32 s2, s16  }
0x8e: {  	[smem:$0x3FB9] =	sst s2  }
0x8f: {  	_ = 	snop  }
0x90: {  	(tm) =	ssettm $0x1  }
0x91: {  	s17 =	sld [smem:$0x3FFB];
	_ =	sdelay $0x3  }
0x92: {  	_ =	strace s17  }
0x93: {  	s2 =	sld [smem:$0x3FFC];
	_ =	sdelay $0x3  }
0x94: {  	_ =	strace s2  }
0x95: {  	s2 =	sld [smem:$0x3FFD];
	_ =	sdelay $0x3  }
0x96: {  	_ =	strace s2  }
0x97: {  	_ =	strace $0x8FFFFFFF  }
0x98: {  	s18 =	sld [smem:$0x3FDB];
	_ =	sdelay $0x1  }
0x99: {  	s19 =	simm.s32 $_scs_section_size  }
0x9a: {  	s4 =	simm.s32 $_size__tile_overlayer_lowered;
	s5 =	simm.s32 $_tile_overlayer_lowered  }
0x9b: {  	s22 =	simm.s32 $0x1BFF;
	s21 =	sshll.u32 s5, $0x1;
	s2 =	sadd.s32 s19, s18  }
0x9c: {  	s6 =	simm.s32 $0x0;
	s20 =	sshll.u32 s4, $0x1;
	s4 =	sadd.s32 s21, s2  }
0x9d: {  	[timem:s6], [sflag:s22] =	dma.local [hbm:s4], s20  }
0x9e: {  	_ =	swait.ge [sflag:s22], s20  }
0x9f: {  	s3 =	ssub.s32 $0x0, s20;
	[sflag:s22] =	ssyncset.done $0x0  }
0xa0: {  	[sflag:s22] =	ssyncadd.s32 s3;
	_ =	sdelay $0x1  }
0xa1: {  	s23 =	simm.s32 $0x1B8B  }
0xa2: {  	_ =	swait.ge [sflag:s23], $0x1  }
0xa3: {  	[sflag:s23] =	ssyncset.done $0x0  }
0xa4: {  	s25 =	simm.s32 $0x1B8E;
	s24 =	sld [smem:$0x3FFE];
	[sflag:s23] =	ssyncadd.s32 $0xFFFFFFFF  }
0xa5: {  	s26 =	simm.s32 $execute0_lowered;
	[smem:$0x3FD2] =	sst s25  }
0xa6: {  	s4 =	sshll.u32 s26, $0x1;
	_ =	strace $0x80000046;
	[dreg:$0x1] =	wrdreg $0xFFFFFFFF  }
0xa7: {  	s28 =	simm.s32 $_size_execute0_lowered;
	s2 =	sadd.s32 s2, s4;
	[dreg:$0x0] =	wrdreg $0x0  }
0xa8: {  	s4 =	sshll.u32 s28, $0x1;
	[dreg:$0x2] =	wrdreg s2  }
0xa9: {  	[dreg:$0x3] =	wrdreg s4  }
0xaa: {  	[dreg:$0x4] =	wrdreg $0xC0  }
0xab: {  	_ =	task [dreg:s6], $0x5FFFF  }
0xac: {  	[dreg:$0x1] =	wrdreg $0xFFFFFFFF  }
0xad: {  	[dreg:$0x0] =	wrdreg $0x60  }
0xae: {  	[dreg:$0x2] =	wrdreg s24  }
0xaf: {  	[dreg:$0x3] =	wrdreg $0x0  }
0xb0: {  	[dreg:$0x4] =	wrdreg $0x9  }
0xb1: {  	_ =	task.clear_ibuf [dreg:s6], $0x5FFFF;
	_ =	strace $0x90000046  }
0xb2: {  	s29 =	simm.s32 $0x9;
	_ =	strace $0x80000048  }
0xb3: {  	_ =	swait.ge [sflag:s29], $0x1  }
0xb4: {  	[sflag:s29] =	ssyncadd.s32 $0xFFFFFFFF  }
0xb5: {  	_ =	strace $0x90000048  }
0xb6: {  	_ =	sfence  }
0xb7: {  	s30 =	sld [smem:$0x0];
	_ =	sdelay $0x2  }
0xb8: {  	s31 =	sshll.u32 s1, $0xD;
	s1 =	sshrl.u32 s1, $0x2  }
0xb9: {  	s3 =	sand.u32 $0x4000, s31;
	s1 =	sadd.s32 s1, s30  }
0xba: {  	s0 =	sor.u32 s3, s0;
	s1 =	sshll.u32 s1, $0x11  }
0xbb: {  	s0 =	sor.u32 s1, s0  }
0xbc: {  	s0 =	sadd.s32 $0x8F2B, s0  }
0xbd: {  	[sflag:s0] =	ssyncadd.remote.s32 $0x1  }
0xbe: {  	_ =	sfence.sel $0xFFFF  }
0xbf: {  	[dreg:$0x0] =	wrdreg $0xFFFFFFFF;
	(pc) =	sbr.abs _section_cstart, $3  }
0xc0: {  	[dreg:$0x1] =	wrdreg $0xFFFFFFFF  }
0xc1: {  	_ =	task.clear_ibuf [dreg:s6], $0x2FFFF;
	_ =	strace $0x9FFFFFFF  }
0xc2: {  	(tm) =	ssettm $0x7FFFFFFF  }
0xc3: {  	_ =	shalt  }
tec
execute0_lowered:
.L_overlay_start_1:
0x0: {  	(tag) =	ssettag $0x1  }
0x1: {  	s0 =	srdreg.scid;
	s4 =	rddreg [dreg:$0x0]  }
0x2: {  	s11 =	stileid.u32;
	s1 =	rddreg [dreg:$0x1];
	s2 =	simm.s32 $0x0  }
0x3: {  	s12 =	simm.s32 $0x1278;
	s13 =	simm.s32 $0x2278;
	s14 =	simm.s32 $0x3278  }
0x4: {  	s15 =	simm.s32 $0x4278;
	s16 =	simm.s32 $0x2;
	s18 =	simm.s32 $0x50  }
0x5: {  	s19 =	simm.s32 $0x5278;
	s20 =	simm.s32 $0x1;
	s21 =	simm.s32 $0x0  }
0x6: {  	s5 =	sand.u32 $0x1, s0;
	s31 =	sshll.u32 s11, $0x1;
	s0 =	rddreg [dreg:$0x2]  }
0x7: {  	[smem:$0x7FF] =	sst s2;
	p0 =	sne.s32 s11, $0x0;
	s11 =	simm.s32 $0x278  }
0x8: {  	s3 =	sor.u32 s5, s31;
	_ =	strace $0x80000047;
	s6 =	ssub.s32 $0x2, s5  }
0x9: {  	s5 =	sshll.u32 s5, $0x4;
	s3 =	smul.u32 $0xA00, s3;
	s7 =	sshrl.u32 s6, $0x1  }
0xa: {  	s17 =	sshrl.u32 @!p0 s1, $0x3;
	s5 =	sadd.s32 s5, s4;
	s6 =	ssub.s32 s6, s7  }
0xb: {  	s5 =	sadd.s32 $0x17600, s5;
	s10 =	sadd.s32 s3, s4;
	s3 =	sadd.s32 $0x17000, s4  }
0xc: {  	s6 =	smax.u32 s6, $0x1;
	s4 =	sadd.s32 $0x3000, s10;
	s7 =	sadd.s32 $0x3200, s10  }
0xd: {  	v0 =	vimm.f32 $1.000000000e+00;
	s8 =	sadd.s32 $0x3400, s10;
	s9 =	sadd.s32 $0x3600, s10;
	s10 =	sadd.s32 $0x3800, s10  }
.LBB2_1:
0xe: {  	[tilespmem:s11], [sflag:$0x2] =	stream.linear.gather [hbm4b:s4+s2], $0xC80, $0x38;
	[tilespmem:$0x52F8] =	vst v63  }
0xf: {  	_ = 	snop  }
0x10: {  	[tilespmem:s12], [sflag:$0x2] =	stream.linear.gather [hbm4b:s7+s2], $0xC80, $0x38;
	[tilespmem:$0x52F8] =	vst v63  }
0x11: {  	_ = 	snop  }
0x12: {  	[tilespmem:s13], [sflag:$0x2] =	stream.linear.gather [hbm4b:s8+s2], $0xC80, $0x38;
	[tilespmem:$0x52F8] =	vst v63  }
0x13: {  	_ = 	snop  }
0x14: {  	[tilespmem:s14], [sflag:$0x2] =	stream.linear.gather [hbm4b:s9+s2], $0xC80, $0x38;
	[tilespmem:$0x52F8] =	vst v63  }
0x15: {  	_ = 	snop  }
0x16: {  	[tilespmem:s15], [sflag:$0x2] =	stream.linear.gather [hbm4b:s10+s2], $0xC80, $0x38;
	[tilespmem:$0x52F8] =	vst v63  }
0x17: {  	_ =	swait.ge [sflag:s16], $0x3E80  }
0x18: {  	[sflag:s16] =	ssyncset.done $0x0  }
0x19: {  	[sflag:s16] =	ssyncadd.s32 $0xFFFFC180  }
0x1a: {  	[tilespmem:$0x5278] =	vst v0  }
0x1b: {  	[tilespmem:$0x5288] =	vst v0  }
0x1c: {  	[tilespmem:$0x5298] =	vst v0  }
0x1d: {  	[tilespmem:$0x52A8] =	vst v0  }
0x1e: {  	s22 =	simm.s32 @!p0 $0x1C02;
	[tilespmem:$0x52B8] =	vst v0  }
0x1f: {  	[spmem:s17], [sflag:s22] =	dma.local @!p0 [hbm:s3], $0x4F0  }
0x20: {  	s22 =	simm.s32 @!p0 $0x2  }
0x21: {  	_ =	swait.ge @!p0 [sflag:s22], $0x4F0  }
0x22: {  	[sflag:s22] =	ssyncset.done @!p0 $0x0  }
0x23: {  	[sflag:s22] =	ssyncadd.s32 @!p0 $0xFFFFFB10  }
0x24: {  	s31 =	simm.s32 $0x278;
	[bflag:$0x0] =	sbarrier.arrive $0xFFFF  }
0x25: {  	[spmem:s1] =	stream.indirect.scatter.add.f32 [tilespmem:s19], [sflag:$0x1], $0x1, s31, s18, $0xb8;
	[tilespmem:$0x52F8] =	vst v63  }
0x26: {  	s23 =	simm.s32 $0x2F8  }
0x27: {  	[spmem:s1] =	stream.indirect.scatter.add.f32 [tilespmem:s19], [sflag:$0x1], $0x1, s23, s18, $0xb8;
	[tilespmem:$0x52F8] =	vst v63  }
0x28: {  	s24 =	simm.s32 $0x378  }
0x29: {  	[spmem:s1] =	stream.indirect.scatter.add.f32 [tilespmem:s19], [sflag:$0x1], $0x1, s24, s18, $0xb8;
	[tilespmem:$0x52F8] =	vst v63  }
0x2a: {  	s25 =	simm.s32 $0x3F8  }
0x2b: {  	[spmem:s1] =	stream.indirect.scatter.add.f32 [tilespmem:s19], [sflag:$0x1], $0x1, s25, s18, $0xb8;
	[tilespmem:$0x52F8] =	vst v63  }
0x2c: {  	s26 =	simm.s32 $0x478  }
0x2d: {  	[spmem:s1] =	stream.indirect.scatter.add.f32 [tilespmem:s19], [sflag:$0x1], $0x1, s26, s18, $0xb8;
	[tilespmem:$0x52F8] =	vst v63  }
0x2e: {  	s28 =	simm.s32 $0x4F8  }
0x2f: {  	[spmem:s1] =	stream.indirect.scatter.add.f32 [tilespmem:s19], [sflag:$0x1], $0x1, s28, s18, $0xb8;
	[tilespmem:$0x52F8] =	vst v63  }
0x30: {  	s29 =	simm.s32 $0x578  }
0x31: {  	[spmem:s1] =	stream.indirect.scatter.add.f32 [tilespmem:s19], [sflag:$0x1], $0x1, s29, s18, $0xb8;
	[tilespmem:$0x52F8] =	vst v63  }
0x32: {  	s30 =	simm.s32 $0x5F8  }
0x33: {  	[spmem:s1] =	stream.indirect.scatter.add.f32 [tilespmem:s19], [sflag:$0x1], $0x1, s30, s18, $0xb8;
	[tilespmem:$0x52F8] =	vst v63  }
0x34: {  	s31 =	simm.s32 $0x678  }
0x35: {  	[spmem:s1] =	stream.indirect.scatter.add.f32 [tilespmem:s19], [sflag:$0x1], $0x1, s31, s18, $0xb8;
	[tilespmem:$0x52F8] =	vst v63  }
0x36: {  	s23 =	simm.s32 $0x6F8  }
0x37: {  	[spmem:s1] =	stream.indirect.scatter.add.f32 [tilespmem:s19], [sflag:$0x1], $0x1, s23, s18, $0xb8;
	[tilespmem:$0x52F8] =	vst v63  }
0x38: {  	s24 =	simm.s32 $0x778  }
0x39: {  	[spmem:s1] =	stream.indirect.scatter.add.f32 [tilespmem:s19], [sflag:$0x1], $0x1, s24, s18, $0xb8;
	[tilespmem:$0x52F8] =	vst v63  }
0x3a: {  	s25 =	simm.s32 $0x7F8  }
0x3b: {  	[spmem:s1] =	stream.indirect.scatter.add.f32 [tilespmem:s19], [sflag:$0x1], $0x1, s25, s18, $0xb8;
	[tilespmem:$0x52F8] =	vst v63  }
0x3c: {  	s26 =	simm.s32 $0x878  }
0x3d: {  	[spmem:s1] =	stream.indirect.scatter.add.f32 [tilespmem:s19], [sflag:$0x1], $0x1, s26, s18, $0xb8;
	[tilespmem:$0x52F8] =	vst v63  }
0x3e: {  	s28 =	simm.s32 $0x8F8  }
0x3f: {  	[spmem:s1] =	stream.indirect.scatter.add.f32 [tilespmem:s19], [sflag:$0x1], $0x1, s28, s18, $0xb8;
	[tilespmem:$0x52F8] =	vst v63  }
0x40: {  	s29 =	simm.s32 $0x978  }
0x41: {  	[spmem:s1] =	stream.indirect.scatter.add.f32 [tilespmem:s19], [sflag:$0x1], $0x1, s29, s18, $0xb8;
	[tilespmem:$0x52F8] =	vst v63  }
0x42: {  	s30 =	simm.s32 $0x9F8  }
0x43: {  	[spmem:s1] =	stream.indirect.scatter.add.f32 [tilespmem:s19], [sflag:$0x1], $0x1, s30, s18, $0xb8;
	[tilespmem:$0x52F8] =	vst v63  }
0x44: {  	s31 =	simm.s32 $0xA78  }
0x45: {  	[spmem:s1] =	stream.indirect.scatter.add.f32 [tilespmem:s19], [sflag:$0x1], $0x1, s31, s18, $0xb8;
	[tilespmem:$0x52F8] =	vst v63  }
0x46: {  	s23 =	simm.s32 $0xAF8  }
0x47: {  	[spmem:s1] =	stream.indirect.scatter.add.f32 [tilespmem:s19], [sflag:$0x1], $0x1, s23, s18, $0xb8;
	[tilespmem:$0x52F8] =	vst v63  }
0x48: {  	s24 =	simm.s32 $0xB78  }
0x49: {  	[spmem:s1] =	stream.indirect.scatter.add.f32 [tilespmem:s19], [sflag:$0x1], $0x1, s24, s18, $0xb8;
	[tilespmem:$0x52F8] =	vst v63  }
0x4a: {  	s25 =	simm.s32 $0xBF8  }
0x4b: {  	[spmem:s1] =	stream.indirect.scatter.add.f32 [tilespmem:s19], [sflag:$0x1], $0x1, s25, s18, $0xb8;
	[tilespmem:$0x52F8] =	vst v63  }
0x4c: {  	s26 =	simm.s32 $0xC78  }
0x4d: {  	[spmem:s1] =	stream.indirect.scatter.add.f32 [tilespmem:s19], [sflag:$0x1], $0x1, s26, s18, $0xb8;
	[tilespmem:$0x52F8] =	vst v63  }
0x4e: {  	s28 =	simm.s32 $0xCF8  }
0x4f: {  	[spmem:s1] =	stream.indirect.scatter.add.f32 [tilespmem:s19], [sflag:$0x1], $0x1, s28, s18, $0xb8;
	[tilespmem:$0x52F8] =	vst v63  }
0x50: {  	s29 =	simm.s32 $0xD78  }
0x51: {  	[spmem:s1] =	stream.indirect.scatter.add.f32 [tilespmem:s19], [sflag:$0x1], $0x1, s29, s18, $0xb8;
	[tilespmem:$0x52F8] =	vst v63  }
0x52: {  	s30 =	simm.s32 $0xDF8  }
0x53: {  	[spmem:s1] =	stream.indirect.scatter.add.f32 [tilespmem:s19], [sflag:$0x1], $0x1, s30, s18, $0xb8;
	[tilespmem:$0x52F8] =	vst v63  }
0x54: {  	s31 =	simm.s32 $0xE78  }
0x55: {  	[spmem:s1] =	stream.indirect.scatter.add.f32 [tilespmem:s19], [sflag:$0x1], $0x1, s31, s18, $0xb8;
	[tilespmem:$0x52F8] =	vst v63  }
0x56: {  	_ =	swait.ge [sflag:s20], $0x50  }
0x57: {  	[sflag:s20] =	ssyncset.done $0x0  }
0x58: {  	[sflag:s20] =	ssyncadd.s32 $0xFFFFFFB0  }
0x59: {  	_ =	swait.ge [sflag:s20], $0x50  }
0x5a: {  	[sflag:s20] =	ssyncset.done $0x0  }
0x5b: {  	[sflag:s20] =	ssyncadd.s32 $0xFFFFFFB0  }
0x5c: {  	_ =	swait.ge [sflag:s20], $0x50  }
0x5d: {  	[sflag:s20] =	ssyncset.done $0x0  }
0x5e: {  	[sflag:s20] =	ssyncadd.s32 $0xFFFFFFB0  }
0x5f: {  	_ =	swait.ge [sflag:s20], $0x50  }
0x60: {  	[sflag:s20] =	ssyncset.done $0x0  }
0x61: {  	[sflag:s20] =	ssyncadd.s32 $0xFFFFFFB0  }
0x62: {  	_ =	swait.ge [sflag:s20], $0x50  }
0x63: {  	[sflag:s20] =	ssyncset.done $0x0  }
0x64: {  	[sflag:s20] =	ssyncadd.s32 $0xFFFFFFB0  }
0x65: {  	_ =	swait.ge [sflag:s20], $0x50  }
0x66: {  	[sflag:s20] =	ssyncset.done $0x0  }
0x67: {  	[sflag:s20] =	ssyncadd.s32 $0xFFFFFFB0  }
0x68: {  	_ =	swait.ge [sflag:s20], $0x50  }
0x69: {  	[sflag:s20] =	ssyncset.done $0x0  }
0x6a: {  	[sflag:s20] =	ssyncadd.s32 $0xFFFFFFB0  }
0x6b: {  	_ =	swait.ge [sflag:s20], $0x50  }
0x6c: {  	[sflag:s20] =	ssyncset.done $0x0  }
0x6d: {  	[sflag:s20] =	ssyncadd.s32 $0xFFFFFFB0  }
0x6e: {  	_ =	swait.ge [sflag:s20], $0x50  }
0x6f: {  	[sflag:s20] =	ssyncset.done $0x0  }
0x70: {  	[sflag:s20] =	ssyncadd.s32 $0xFFFFFFB0  }
0x71: {  	_ =	swait.ge [sflag:s20], $0x50  }
0x72: {  	[sflag:s20] =	ssyncset.done $0x0  }
0x73: {  	[sflag:s20] =	ssyncadd.s32 $0xFFFFFFB0  }
0x74: {  	_ =	swait.ge [sflag:s20], $0x50  }
0x75: {  	[sflag:s20] =	ssyncset.done $0x0  }
0x76: {  	[sflag:s20] =	ssyncadd.s32 $0xFFFFFFB0  }
0x77: {  	_ =	swait.ge [sflag:s20], $0x50  }
0x78: {  	[sflag:s20] =	ssyncset.done $0x0  }
0x79: {  	[sflag:s20] =	ssyncadd.s32 $0xFFFFFFB0  }
0x7a: {  	_ =	swait.ge [sflag:s20], $0x50  }
0x7b: {  	[sflag:s20] =	ssyncset.done $0x0  }
0x7c: {  	[sflag:s20] =	ssyncadd.s32 $0xFFFFFFB0  }
0x7d: {  	_ =	swait.ge [sflag:s20], $0x50  }
0x7e: {  	[sflag:s20] =	ssyncset.done $0x0  }
0x7f: {  	[sflag:s20] =	ssyncadd.s32 $0xFFFFFFB0  }
0x80: {  	_ =	swait.ge [sflag:s20], $0x50  }
0x81: {  	[sflag:s20] =	ssyncset.done $0x0  }
0x82: {  	[sflag:s20] =	ssyncadd.s32 $0xFFFFFFB0  }
0x83: {  	_ =	swait.ge [sflag:s20], $0x50  }
0x84: {  	[sflag:s20] =	ssyncset.done $0x0  }
0x85: {  	[sflag:s20] =	ssyncadd.s32 $0xFFFFFFB0  }
0x86: {  	_ =	swait.ge [sflag:s20], $0x50  }
0x87: {  	[sflag:s20] =	ssyncset.done $0x0  }
0x88: {  	[sflag:s20] =	ssyncadd.s32 $0xFFFFFFB0  }
0x89: {  	_ =	swait.ge [sflag:s20], $0x50  }
0x8a: {  	[sflag:s20] =	ssyncset.done $0x0  }
0x8b: {  	[sflag:s20] =	ssyncadd.s32 $0xFFFFFFB0  }
0x8c: {  	_ =	swait.ge [sflag:s20], $0x50  }
0x8d: {  	[sflag:s20] =	ssyncset.done $0x0  }
0x8e: {  	[sflag:s20] =	ssyncadd.s32 $0xFFFFFFB0  }
0x8f: {  	_ =	swait.ge [sflag:s20], $0x50  }
0x90: {  	[sflag:s20] =	ssyncset.done $0x0  }
0x91: {  	[sflag:s20] =	ssyncadd.s32 $0xFFFFFFB0  }
0x92: {  	_ =	swait.ge [sflag:s20], $0x50  }
0x93: {  	[sflag:s20] =	ssyncset.done $0x0  }
0x94: {  	[sflag:s20] =	ssyncadd.s32 $0xFFFFFFB0  }
0x95: {  	_ =	swait.ge [sflag:s20], $0x50  }
0x96: {  	[sflag:s20] =	ssyncset.done $0x0  }
0x97: {  	[sflag:s20] =	ssyncadd.s32 $0xFFFFFFB0  }
0x98: {  	_ =	swait.ge [sflag:s20], $0x50  }
0x99: {  	[sflag:s20] =	ssyncset.done $0x0  }
0x9a: {  	[sflag:s20] =	ssyncadd.s32 $0xFFFFFFB0  }
0x9b: {  	_ =	swait.ge [sflag:s20], $0x50  }
0x9c: {  	[sflag:s20] =	ssyncset.done $0x0  }
0x9d: {  	[sflag:s20] =	ssyncadd.s32 $0xFFFFFFB0  }
0x9e: {  	_ =	swait.ge [sflag:s20], $0x50  }
0x9f: {  	s24 =	simm.s32 $0x1000;
	s25 =	simm.s32 $0x8000;
	[sflag:s20] =	ssyncset.done $0x0  }
.LBB2_2:
0xa0: {  	s26 =	sadd.s32 $0x278, s24  }
0xa1: {  	[sflag:s20] =	ssyncadd.s32 $0xFFFFFFB0;
	s23 =	smov.u32 s25;
	s22 =	sadd.s32 $0x4000, s25  }
0xa2: {  	[spmem:s1] =	stream.indirect.scatter.add.f32 [tilespmem:s19], [sflag:$0x1], $0x1, s26, s18, $0xb8;
	[tilespmem:$0x52F8] =	vst v63  }
0xa3: {  	p1 =	sne.s32 s25, $0x10000;
	s25 =	sadd.s32 $0x2F8, s24  }
0xa4: {  	[spmem:s1] =	stream.indirect.scatter.add.f32 [tilespmem:s19], [sflag:$0x1], $0x1, s25, s18, $0xb8;
	[tilespmem:$0x52F8] =	vst v63  }
0xa5: {  	s25 =	sadd.s32 $0x378, s24  }
0xa6: {  	[spmem:s1] =	stream.indirect.scatter.add.f32 [tilespmem:s19], [sflag:$0x1], $0x1, s25, s18, $0xb8;
	[tilespmem:$0x52F8] =	vst v63  }
0xa7: {  	s25 =	sadd.s32 $0x3F8, s24  }
0xa8: {  	[spmem:s1] =	stream.indirect.scatter.add.f32 [tilespmem:s19], [sflag:$0x1], $0x1, s25, s18, $0xb8;
	[tilespmem:$0x52F8] =	vst v63  }
0xa9: {  	s25 =	sadd.s32 $0x478, s24  }
0xaa: {  	[spmem:s1] =	stream.indirect.scatter.add.f32 [tilespmem:s19], [sflag:$0x1], $0x1, s25, s18, $0xb8;
	[tilespmem:$0x52F8] =	vst v63  }
0xab: {  	s25 =	sadd.s32 $0x4F8, s24  }
0xac: {  	[spmem:s1] =	stream.indirect.scatter.add.f32 [tilespmem:s19], [sflag:$0x1], $0x1, s25, s18, $0xb8;
	[tilespmem:$0x52F8] =	vst v63  }
0xad: {  	s25 =	sadd.s32 $0x578, s24  }
0xae: {  	[spmem:s1] =	stream.indirect.scatter.add.f32 [tilespmem:s19], [sflag:$0x1], $0x1, s25, s18, $0xb8;
	[tilespmem:$0x52F8] =	vst v63  }
0xaf: {  	s25 =	sadd.s32 $0x5F8, s24  }
0xb0: {  	[spmem:s1] =	stream.indirect.scatter.add.f32 [tilespmem:s19], [sflag:$0x1], $0x1, s25, s18, $0xb8;
	[tilespmem:$0x52F8] =	vst v63  }
0xb1: {  	s25 =	sadd.s32 $0x678, s24  }
0xb2: {  	[spmem:s1] =	stream.indirect.scatter.add.f32 [tilespmem:s19], [sflag:$0x1], $0x1, s25, s18, $0xb8;
	[tilespmem:$0x52F8] =	vst v63  }
0xb3: {  	s25 =	sadd.s32 $0x6F8, s24  }
0xb4: {  	[spmem:s1] =	stream.indirect.scatter.add.f32 [tilespmem:s19], [sflag:$0x1], $0x1, s25, s18, $0xb8;
	[tilespmem:$0x52F8] =	vst v63  }
0xb5: {  	s25 =	sadd.s32 $0x778, s24  }
0xb6: {  	[spmem:s1] =	stream.indirect.scatter.add.f32 [tilespmem:s19], [sflag:$0x1], $0x1, s25, s18, $0xb8;
	[tilespmem:$0x52F8] =	vst v63  }
0xb7: {  	s25 =	sadd.s32 $0x7F8, s24  }
0xb8: {  	[spmem:s1] =	stream.indirect.scatter.add.f32 [tilespmem:s19], [sflag:$0x1], $0x1, s25, s18, $0xb8;
	[tilespmem:$0x52F8] =	vst v63  }
0xb9: {  	s25 =	sadd.s32 $0x878, s24  }
0xba: {  	[spmem:s1] =	stream.indirect.scatter.add.f32 [tilespmem:s19], [sflag:$0x1], $0x1, s25, s18, $0xb8;
	[tilespmem:$0x52F8] =	vst v63  }
0xbb: {  	s25 =	sadd.s32 $0x8F8, s24  }
0xbc: {  	[spmem:s1] =	stream.indirect.scatter.add.f32 [tilespmem:s19], [sflag:$0x1], $0x1, s25, s18, $0xb8;
	[tilespmem:$0x52F8] =	vst v63  }
0xbd: {  	s25 =	sadd.s32 $0x978, s24  }
0xbe: {  	[spmem:s1] =	stream.indirect.scatter.add.f32 [tilespmem:s19], [sflag:$0x1], $0x1, s25, s18, $0xb8;
	[tilespmem:$0x52F8] =	vst v63  }
0xbf: {  	s25 =	sadd.s32 $0x9F8, s24  }
0xc0: {  	[spmem:s1] =	stream.indirect.scatter.add.f32 [tilespmem:s19], [sflag:$0x1], $0x1, s25, s18, $0xb8;
	[tilespmem:$0x52F8] =	vst v63  }
0xc1: {  	s25 =	sadd.s32 $0xA78, s24  }
0xc2: {  	[spmem:s1] =	stream.indirect.scatter.add.f32 [tilespmem:s19], [sflag:$0x1], $0x1, s25, s18, $0xb8;
	[tilespmem:$0x52F8] =	vst v63  }
0xc3: {  	s25 =	sadd.s32 $0xAF8, s24  }
0xc4: {  	[spmem:s1] =	stream.indirect.scatter.add.f32 [tilespmem:s19], [sflag:$0x1], $0x1, s25, s18, $0xb8;
	[tilespmem:$0x52F8] =	vst v63  }
0xc5: {  	s25 =	sadd.s32 $0xB78, s24  }
0xc6: {  	[spmem:s1] =	stream.indirect.scatter.add.f32 [tilespmem:s19], [sflag:$0x1], $0x1, s25, s18, $0xb8;
	[tilespmem:$0x52F8] =	vst v63  }
0xc7: {  	s25 =	sadd.s32 $0xBF8, s24  }
0xc8: {  	[spmem:s1] =	stream.indirect.scatter.add.f32 [tilespmem:s19], [sflag:$0x1], $0x1, s25, s18, $0xb8;
	[tilespmem:$0x52F8] =	vst v63  }
0xc9: {  	s25 =	sadd.s32 $0xC78, s24  }
0xca: {  	[spmem:s1] =	stream.indirect.scatter.add.f32 [tilespmem:s19], [sflag:$0x1], $0x1, s25, s18, $0xb8;
	[tilespmem:$0x52F8] =	vst v63  }
0xcb: {  	s25 =	sadd.s32 $0xCF8, s24  }
0xcc: {  	[spmem:s1] =	stream.indirect.scatter.add.f32 [tilespmem:s19], [sflag:$0x1], $0x1, s25, s18, $0xb8;
	[tilespmem:$0x52F8] =	vst v63  }
0xcd: {  	s25 =	sadd.s32 $0xD78, s24  }
0xce: {  	[spmem:s1] =	stream.indirect.scatter.add.f32 [tilespmem:s19], [sflag:$0x1], $0x1, s25, s18, $0xb8;
	[tilespmem:$0x52F8] =	vst v63  }
0xcf: {  	s25 =	sadd.s32 $0xDF8, s24  }
0xd0: {  	[spmem:s1] =	stream.indirect.scatter.add.f32 [tilespmem:s19], [sflag:$0x1], $0x1, s25, s18, $0xb8;
	[tilespmem:$0x52F8] =	vst v63  }
0xd1: {  	s24 =	sadd.s32 $0xE78, s24  }
0xd2: {  	[spmem:s1] =	stream.indirect.scatter.add.f32 [tilespmem:s19], [sflag:$0x1], $0x1, s24, s18, $0xb8;
	[tilespmem:$0x52F8] =	vst v63  }
0xd3: {  	_ =	swait.ge [sflag:s20], $0x50  }
0xd4: {  	[sflag:s20] =	ssyncset.done $0x0  }
0xd5: {  	[sflag:s20] =	ssyncadd.s32 $0xFFFFFFB0  }
0xd6: {  	_ =	swait.ge [sflag:s20], $0x50  }
0xd7: {  	[sflag:s20] =	ssyncset.done $0x0  }
0xd8: {  	[sflag:s20] =	ssyncadd.s32 $0xFFFFFFB0  }
0xd9: {  	_ =	swait.ge [sflag:s20], $0x50  }
0xda: {  	[sflag:s20] =	ssyncset.done $0x0  }
0xdb: {  	[sflag:s20] =	ssyncadd.s32 $0xFFFFFFB0  }
0xdc: {  	_ =	swait.ge [sflag:s20], $0x50  }
0xdd: {  	[sflag:s20] =	ssyncset.done $0x0  }
0xde: {  	[sflag:s20] =	ssyncadd.s32 $0xFFFFFFB0  }
0xdf: {  	_ =	swait.ge [sflag:s20], $0x50  }
0xe0: {  	[sflag:s20] =	ssyncset.done $0x0  }
0xe1: {  	[sflag:s20] =	ssyncadd.s32 $0xFFFFFFB0  }
0xe2: {  	_ =	swait.ge [sflag:s20], $0x50  }
0xe3: {  	[sflag:s20] =	ssyncset.done $0x0  }
0xe4: {  	[sflag:s20] =	ssyncadd.s32 $0xFFFFFFB0  }
0xe5: {  	_ =	swait.ge [sflag:s20], $0x50  }
0xe6: {  	[sflag:s20] =	ssyncset.done $0x0  }
0xe7: {  	[sflag:s20] =	ssyncadd.s32 $0xFFFFFFB0  }
0xe8: {  	_ =	swait.ge [sflag:s20], $0x50  }
0xe9: {  	[sflag:s20] =	ssyncset.done $0x0  }
0xea: {  	[sflag:s20] =	ssyncadd.s32 $0xFFFFFFB0  }
0xeb: {  	_ =	swait.ge [sflag:s20], $0x50  }
0xec: {  	[sflag:s20] =	ssyncset.done $0x0  }
0xed: {  	[sflag:s20] =	ssyncadd.s32 $0xFFFFFFB0  }
0xee: {  	_ =	swait.ge [sflag:s20], $0x50  }
0xef: {  	[sflag:s20] =	ssyncset.done $0x0  }
0xf0: {  	[sflag:s20] =	ssyncadd.s32 $0xFFFFFFB0  }
0xf1: {  	_ =	swait.ge [sflag:s20], $0x50  }
0xf2: {  	[sflag:s20] =	ssyncset.done $0x0  }
0xf3: {  	[sflag:s20] =	ssyncadd.s32 $0xFFFFFFB0  }
0xf4: {  	_ =	swait.ge [sflag:s20], $0x50  }
0xf5: {  	[sflag:s20] =	ssyncset.done $0x0  }
0xf6: {  	[sflag:s20] =	ssyncadd.s32 $0xFFFFFFB0  }
0xf7: {  	_ =	swait.ge [sflag:s20], $0x50  }
0xf8: {  	[sflag:s20] =	ssyncset.done $0x0  }
0xf9: {  	[sflag:s20] =	ssyncadd.s32 $0xFFFFFFB0  }
0xfa: {  	_ =	swait.ge [sflag:s20], $0x50  }
0xfb: {  	[sflag:s20] =	ssyncset.done $0x0  }
0xfc: {  	[sflag:s20] =	ssyncadd.s32 $0xFFFFFFB0  }
0xfd: {  	_ =	swait.ge [sflag:s20], $0x50  }
0xfe: {  	[sflag:s20] =	ssyncset.done $0x0  }
0xff: {  	[sflag:s20] =	ssyncadd.s32 $0xFFFFFFB0  }
0x100: {  	_ =	swait.ge [sflag:s20], $0x50  }
0x101: {  	[sflag:s20] =	ssyncset.done $0x0  }
0x102: {  	[sflag:s20] =	ssyncadd.s32 $0xFFFFFFB0  }
0x103: {  	_ =	swait.ge [sflag:s20], $0x50  }
0x104: {  	[sflag:s20] =	ssyncset.done $0x0  }
0x105: {  	[sflag:s20] =	ssyncadd.s32 $0xFFFFFFB0  }
0x106: {  	_ =	swait.ge [sflag:s20], $0x50  }
0x107: {  	[sflag:s20] =	ssyncset.done $0x0  }
0x108: {  	[sflag:s20] =	ssyncadd.s32 $0xFFFFFFB0  }
0x109: {  	_ =	swait.ge [sflag:s20], $0x50  }
0x10a: {  	[sflag:s20] =	ssyncset.done $0x0  }
0x10b: {  	[sflag:s20] =	ssyncadd.s32 $0xFFFFFFB0  }
0x10c: {  	_ =	swait.ge [sflag:s20], $0x50  }
0x10d: {  	[sflag:s20] =	ssyncset.done $0x0  }
0x10e: {  	[sflag:s20] =	ssyncadd.s32 $0xFFFFFFB0  }
0x10f: {  	_ =	swait.ge [sflag:s20], $0x50  }
0x110: {  	[sflag:s20] =	ssyncset.done $0x0  }
0x111: {  	[sflag:s20] =	ssyncadd.s32 $0xFFFFFFB0  }
0x112: {  	_ =	swait.ge [sflag:s20], $0x50  }
0x113: {  	[sflag:s20] =	ssyncset.done $0x0  }
0x114: {  	[sflag:s20] =	ssyncadd.s32 $0xFFFFFFB0  }
0x115: {  	_ =	swait.ge [sflag:s20], $0x50  }
0x116: {  	[sflag:s20] =	ssyncset.done $0x0  }
0x117: {  	[sflag:s20] =	ssyncadd.s32 $0xFFFFFFB0  }
.Ltmp0:
0x118: {  	_ =	swait.ge [sflag:s20], $0x50;
	(pc) =	sbr.rel @p1 .LBB2_2-.Ltmp0, $4  }
0x119: {  	[sflag:s20] =	ssyncset.done $0x0  }
0x11a: {  	[sflag:s20] =	ssyncadd.s32 $0xFFFFFFB0  }
0x11b: {  	_ =	swait.ge [sflag:s20], $0x50  }
0x11c: {  	s25 =	smov.u32 s22;
	s24 =	sshra.s32 s23, $0x2;
	[sflag:s20] =	ssyncset.done $0x0  }
0x11d: {  	s22 =	sadd.s32 $0x278, s24;
	[sflag:s20] =	ssyncadd.s32 $0xFFFFFFB0  }
0x11e: {  	[spmem:s1] =	stream.indirect.scatter.add.f32 [tilespmem:s19], [sflag:$0x1], $0x1, s22, s18, $0xb8;
	[tilespmem:$0x52F8] =	vst v63  }
0x11f: {  	s29 =	sadd.s32 $0x2F8, s24  }
0x120: {  	[spmem:s1] =	stream.indirect.scatter.add.f32 [tilespmem:s19], [sflag:$0x1], $0x1, s29, s18, $0xb8;
	[tilespmem:$0x52F8] =	vst v63  }
0x121: {  	s30 =	sadd.s32 $0x378, s24  }
0x122: {  	[spmem:s1] =	stream.indirect.scatter.add.f32 [tilespmem:s19], [sflag:$0x1], $0x1, s30, s18, $0xb8;
	[tilespmem:$0x52F8] =	vst v63  }
0x123: {  	s31 =	sadd.s32 $0x3F8, s24  }
0x124: {  	[spmem:s1] =	stream.indirect.scatter.add.f32 [tilespmem:s19], [sflag:$0x1], $0x1, s31, s18, $0xb8;
	[tilespmem:$0x52F8] =	vst v63  }
0x125: {  	s23 =	sadd.s32 $0x478, s24  }
0x126: {  	[spmem:s1] =	stream.indirect.scatter.add.f32 [tilespmem:s19], [sflag:$0x1], $0x1, s23, s18, $0xb8;
	[tilespmem:$0x52F8] =	vst v63  }
0x127: {  	s25 =	sadd.s32 $0x4F8, s24  }
0x128: {  	[spmem:s1] =	stream.indirect.scatter.add.f32 [tilespmem:s19], [sflag:$0x1], $0x1, s25, s18, $0xb8;
	[tilespmem:$0x52F8] =	vst v63  }
0x129: {  	s26 =	sadd.s32 $0x578, s24  }
0x12a: {  	[spmem:s1] =	stream.indirect.scatter.add.f32 [tilespmem:s19], [sflag:$0x1], $0x1, s26, s18, $0xb8;
	[tilespmem:$0x52F8] =	vst v63  }
0x12b: {  	s28 =	sadd.s32 $0x5F8, s24  }
0x12c: {  	[spmem:s1] =	stream.indirect.scatter.add.f32 [tilespmem:s19], [sflag:$0x1], $0x1, s28, s18, $0xb8;
	[tilespmem:$0x52F8] =	vst v63  }
0x12d: {  	s29 =	sadd.s32 $0x678, s24  }
0x12e: {  	[spmem:s1] =	stream.indirect.scatter.add.f32 [tilespmem:s19], [sflag:$0x1], $0x1, s29, s18, $0xb8;
	[tilespmem:$0x52F8] =	vst v63  }
0x12f: {  	s30 =	sadd.s32 $0x6F8, s24  }
0x130: {  	[spmem:s1] =	stream.indirect.scatter.add.f32 [tilespmem:s19], [sflag:$0x1], $0x1, s30, s18, $0xb8;
	[tilespmem:$0x52F8] =	vst v63  }
0x131: {  	s31 =	sadd.s32 $0x778, s24  }
0x132: {  	[spmem:s1] =	stream.indirect.scatter.add.f32 [tilespmem:s19], [sflag:$0x1], $0x1, s31, s18, $0xb8;
	[tilespmem:$0x52F8] =	vst v63  }
0x133: {  	s23 =	sadd.s32 $0x7F8, s24  }
0x134: {  	[spmem:s1] =	stream.indirect.scatter.add.f32 [tilespmem:s19], [sflag:$0x1], $0x1, s23, s18, $0xb8;
	[tilespmem:$0x52F8] =	vst v63  }
0x135: {  	s25 =	sadd.s32 $0x878, s24  }
0x136: {  	[spmem:s1] =	stream.indirect.scatter.add.f32 [tilespmem:s19], [sflag:$0x1], $0x1, s25, s18, $0xb8;
	[tilespmem:$0x52F8] =	vst v63  }
0x137: {  	s26 =	sadd.s32 $0x8F8, s24  }
0x138: {  	[spmem:s1] =	stream.indirect.scatter.add.f32 [tilespmem:s19], [sflag:$0x1], $0x1, s26, s18, $0xb8;
	[tilespmem:$0x52F8] =	vst v63  }
0x139: {  	s28 =	sadd.s32 $0x978, s24  }
0x13a: {  	[spmem:s1] =	stream.indirect.scatter.add.f32 [tilespmem:s19], [sflag:$0x1], $0x1, s28, s18, $0xb8;
	[tilespmem:$0x52F8] =	vst v63  }
0x13b: {  	s29 =	sadd.s32 $0x9F8, s24  }
0x13c: {  	[spmem:s1] =	stream.indirect.scatter.add.f32 [tilespmem:s19], [sflag:$0x1], $0x1, s29, s18, $0xb8;
	[tilespmem:$0x52F8] =	vst v63  }
0x13d: {  	s30 =	sadd.s32 $0xA78, s24  }
0x13e: {  	[spmem:s1] =	stream.indirect.scatter.add.f32 [tilespmem:s19], [sflag:$0x1], $0x1, s30, s18, $0xb8;
	[tilespmem:$0x52F8] =	vst v63  }
0x13f: {  	s31 =	sadd.s32 $0xAF8, s24  }
0x140: {  	[spmem:s1] =	stream.indirect.scatter.add.f32 [tilespmem:s19], [sflag:$0x1], $0x1, s31, s18, $0xb8;
	[tilespmem:$0x52F8] =	vst v63  }
0x141: {  	s23 =	sadd.s32 $0xB78, s24  }
0x142: {  	[spmem:s1] =	stream.indirect.scatter.add.f32 [tilespmem:s19], [sflag:$0x1], $0x1, s23, s18, $0xb8;
	[tilespmem:$0x52F8] =	vst v63  }
0x143: {  	s25 =	sadd.s32 $0xBF8, s24  }
0x144: {  	[spmem:s1] =	stream.indirect.scatter.add.f32 [tilespmem:s19], [sflag:$0x1], $0x1, s25, s18, $0xb8;
	[tilespmem:$0x52F8] =	vst v63  }
0x145: {  	s26 =	sadd.s32 $0xC78, s24  }
0x146: {  	[spmem:s1] =	stream.indirect.scatter.add.f32 [tilespmem:s19], [sflag:$0x1], $0x1, s26, s18, $0xb8;
	[tilespmem:$0x52F8] =	vst v63  }
0x147: {  	s28 =	sadd.s32 $0xCF8, s24  }
0x148: {  	[spmem:s1] =	stream.indirect.scatter.add.f32 [tilespmem:s19], [sflag:$0x1], $0x1, s28, s18, $0xb8;
	[tilespmem:$0x52F8] =	vst v63  }
0x149: {  	s29 =	sadd.s32 $0xD78, s24  }
0x14a: {  	[spmem:s1] =	stream.indirect.scatter.add.f32 [tilespmem:s19], [sflag:$0x1], $0x1, s29, s18, $0xb8;
	[tilespmem:$0x52F8] =	vst v63  }
0x14b: {  	s30 =	sadd.s32 $0xDF8, s24  }
0x14c: {  	[spmem:s1] =	stream.indirect.scatter.add.f32 [tilespmem:s19], [sflag:$0x1], $0x1, s30, s18, $0xb8;
	[tilespmem:$0x52F8] =	vst v63  }
0x14d: {  	s31 =	sadd.s32 $0xE78, s24  }
0x14e: {  	[spmem:s1] =	stream.indirect.scatter.add.f32 [tilespmem:s19], [sflag:$0x1], $0x1, s31, s18, $0xb8;
	[tilespmem:$0x52F8] =	vst v63  }
0x14f: {  	_ =	swait.ge [sflag:s20], $0x50  }
0x150: {  	[sflag:s20] =	ssyncset.done $0x0  }
0x151: {  	[sflag:s20] =	ssyncadd.s32 $0xFFFFFFB0  }
0x152: {  	_ =	swait.ge [sflag:s20], $0x50  }
0x153: {  	[sflag:s20] =	ssyncset.done $0x0  }
0x154: {  	[sflag:s20] =	ssyncadd.s32 $0xFFFFFFB0  }
0x155: {  	_ =	swait.ge [sflag:s20], $0x50  }
0x156: {  	[sflag:s20] =	ssyncset.done $0x0  }
0x157: {  	[sflag:s20] =	ssyncadd.s32 $0xFFFFFFB0  }
0x158: {  	_ =	swait.ge [sflag:s20], $0x50  }
0x159: {  	[sflag:s20] =	ssyncset.done $0x0  }
0x15a: {  	[sflag:s20] =	ssyncadd.s32 $0xFFFFFFB0  }
0x15b: {  	_ =	swait.ge [sflag:s20], $0x50  }
0x15c: {  	[sflag:s20] =	ssyncset.done $0x0  }
0x15d: {  	[sflag:s20] =	ssyncadd.s32 $0xFFFFFFB0  }
0x15e: {  	_ =	swait.ge [sflag:s20], $0x50  }
0x15f: {  	[sflag:s20] =	ssyncset.done $0x0  }
0x160: {  	[sflag:s20] =	ssyncadd.s32 $0xFFFFFFB0  }
0x161: {  	_ =	swait.ge [sflag:s20], $0x50  }
0x162: {  	[sflag:s20] =	ssyncset.done $0x0  }
0x163: {  	[sflag:s20] =	ssyncadd.s32 $0xFFFFFFB0  }
0x164: {  	_ =	swait.ge [sflag:s20], $0x50  }
0x165: {  	[sflag:s20] =	ssyncset.done $0x0  }
0x166: {  	[sflag:s20] =	ssyncadd.s32 $0xFFFFFFB0  }
0x167: {  	_ =	swait.ge [sflag:s20], $0x50  }
0x168: {  	[sflag:s20] =	ssyncset.done $0x0  }
0x169: {  	[sflag:s20] =	ssyncadd.s32 $0xFFFFFFB0  }
0x16a: {  	_ =	swait.ge [sflag:s20], $0x50  }
0x16b: {  	[sflag:s20] =	ssyncset.done $0x0  }
0x16c: {  	[sflag:s20] =	ssyncadd.s32 $0xFFFFFFB0  }
0x16d: {  	_ =	swait.ge [sflag:s20], $0x50  }
0x16e: {  	[sflag:s20] =	ssyncset.done $0x0  }
0x16f: {  	[sflag:s20] =	ssyncadd.s32 $0xFFFFFFB0  }
0x170: {  	_ =	swait.ge [sflag:s20], $0x50  }
0x171: {  	[sflag:s20] =	ssyncset.done $0x0  }
0x172: {  	[sflag:s20] =	ssyncadd.s32 $0xFFFFFFB0  }
0x173: {  	_ =	swait.ge [sflag:s20], $0x50  }
0x174: {  	[sflag:s20] =	ssyncset.done $0x0  }
0x175: {  	[sflag:s20] =	ssyncadd.s32 $0xFFFFFFB0  }
0x176: {  	_ =	swait.ge [sflag:s20], $0x50  }
0x177: {  	[sflag:s20] =	ssyncset.done $0x0  }
0x178: {  	[sflag:s20] =	ssyncadd.s32 $0xFFFFFFB0  }
0x179: {  	_ =	swait.ge [sflag:s20], $0x50  }
0x17a: {  	[sflag:s20] =	ssyncset.done $0x0  }
0x17b: {  	[sflag:s20] =	ssyncadd.s32 $0xFFFFFFB0  }
0x17c: {  	_ =	swait.ge [sflag:s20], $0x50  }
0x17d: {  	[sflag:s20] =	ssyncset.done $0x0  }
0x17e: {  	[sflag:s20] =	ssyncadd.s32 $0xFFFFFFB0  }
0x17f: {  	_ =	swait.ge [sflag:s20], $0x50  }
0x180: {  	[sflag:s20] =	ssyncset.done $0x0  }
0x181: {  	[sflag:s20] =	ssyncadd.s32 $0xFFFFFFB0  }
0x182: {  	_ =	swait.ge [sflag:s20], $0x50  }
0x183: {  	[sflag:s20] =	ssyncset.done $0x0  }
0x184: {  	[sflag:s20] =	ssyncadd.s32 $0xFFFFFFB0  }
0x185: {  	_ =	swait.ge [sflag:s20], $0x50  }
0x186: {  	[sflag:s20] =	ssyncset.done $0x0  }
0x187: {  	[sflag:s20] =	ssyncadd.s32 $0xFFFFFFB0  }
0x188: {  	_ =	swait.ge [sflag:s20], $0x50  }
0x189: {  	[sflag:s20] =	ssyncset.done $0x0  }
0x18a: {  	[sflag:s20] =	ssyncadd.s32 $0xFFFFFFB0  }
0x18b: {  	_ =	swait.ge [sflag:s20], $0x50  }
0x18c: {  	[sflag:s20] =	ssyncset.done $0x0  }
0x18d: {  	[sflag:s20] =	ssyncadd.s32 $0xFFFFFFB0  }
0x18e: {  	_ =	swait.ge [sflag:s20], $0x50  }
0x18f: {  	[sflag:s20] =	ssyncset.done $0x0  }
0x190: {  	[sflag:s20] =	ssyncadd.s32 $0xFFFFFFB0  }
0x191: {  	_ =	swait.ge [sflag:s20], $0x50  }
0x192: {  	[sflag:s20] =	ssyncset.done $0x0  }
0x193: {  	[sflag:s20] =	ssyncadd.s32 $0xFFFFFFB0  }
0x194: {  	_ =	swait.ge [sflag:s20], $0x50  }
0x195: {  	[sflag:s20] =	ssyncset.done $0x0  }
0x196: {  	[sflag:s20] =	ssyncadd.s32 $0xFFFFFFB0  }
0x197: {  	_ =	swait.ge [sflag:s20], $0x50  }
0x198: {  	s21 =	sadd.s32 $0x1, s21;
	s22 =	simm.s32 @!p0 $0x1;
	[sflag:s20] =	ssyncset.done $0x0  }
0x199: {  	p1 =	sne.s32 s21, s6;
	s24 =	simm.s32 @!p0 $0x10;
	[sflag:s20] =	ssyncadd.s32 $0xFFFFFFB0  }
0x19a: {  	s23 =	simm.s32 @!p0 $0x20;
	s25 =	simm.s32 @!p0 $0x1C02;
	[bflag:$0x0] =	sbarrier.arrive $0xFFFF  }
0x19b: {  	[hbm:s5@s23], [sflag:s25] =	dma.strided @!p0 [spmem:s17@s24], $0x4F0, s22, $0x10   }
.Ltmp1:
0x19c: {  	_ = 	snop;
	(pc) =	sbr.rel @p1 .LBB2_1-.Ltmp1, $4  }
0x19d: {  	s22 =	simm.s32 @!p0 $0x2  }
0x19e: {  	_ =	swait.ge @!p0 [sflag:s22], $0x4F0  }
0x19f: {  	[sflag:s22] =	ssyncset.done @!p0 $0x0  }
0x1a0: {  	[sflag:s22] =	ssyncadd.s32 @!p0 $0xFFFFFB10  }
0x1a1: {  	_ =	sfence.sel $0x180000  }
0x1a2: {  	[bflag:$0x0] =	sbarrier.arrive $0xFFFF  }
0x1a3: {  	_ =	strace $0x90000047  }
0x1a4: {  	s0 =	sadd.s32 @!p0 $0x100000, s0;
	[bflag:$0x2] =	sbarrier.arrive $0xFFFF  }
0x1a5: {  	[sflag:s0] =	ssyncadd.tile.s32 @!p0 $0x1;
	_ =	shalt  }
.Lfunc_end2:
_tile_overlayer_lowered:
.L_overlay_start_2:
0x1a6: {  	(tag) =	ssettag $0x2  }
0x1a7: {  	s0 =	rddreg [dreg:$0x0];
	s2 =	stileid.u32  }
0x1a8: {  	s1 =	rddreg [dreg:$0x1];
	p0 =	sne.s32 s2, $0x0  }
0x1a9: {  	s3 =	rddreg [dreg:$0x2];
	[bflag:$0x3] =	sbarrier.arrive $0xFFFF;
	s2 =	simm.s32 @!p0 $0x1C02  }
0x1aa: {  	[timem:s3], [sflag:s2] =	dma.local @!p0 [hbm:s0], s1  }
0x1ab: {  	s0 =	simm.s32 @!p0 $0x2  }
0x1ac: {  	_ =	swait.ge @!p0 [sflag:s0], s1  }
0x1ad: {  	s1 =	ssub.s32 @!p0 $0x0, s1;
	[sflag:s0] =	ssyncset.done @!p0 $0x0  }
0x1ae: {  	[sflag:s0] =	ssyncadd.s32 @!p0 s1  }
0x1af: {  	[bflag:$0x3] =	sbarrier.arrive $0xFFFF  }
0x1b0: {  	_ =	shalt  }

// kernel: kernel.14.cloned.1.call-start
scs
__scs_entry_jumppad:
0x0: {  	(pc) =	sbr.rel $0x88, $3  }
0x1: {  	(tag) =	ssettag $0x0;
	lr =	simm.s32 $0x1  }
0x2: {  	[smem:$0x3F92] =	sst lr;
	_ =	strace $0xD0000000  }
0x3: {  	_ = 	snop  }
0x4: {  	_ = 	snop  }
0x5: {  	_ = 	snop  }
0x6: {  	_ = 	snop  }
0x7: {  	_ = 	snop  }
__scs_overlays_trampoline_lowered:
0x8: {  	[smem:$0x3FA1] =	sst s0  }
0x9: {  	[smem:$0x3FA2] =	sst s1  }
0xa: {  	[smem:$0x3FA3] =	sst s2  }
0xb: {  	[smem:$0x3FA4] =	sst s3  }
0xc: {  	[smem:$0x3FA5] =	sst s4  }
0xd: {  	[smem:$0x3FA6] =	sst s5  }
0xe: {  	[smem:$0x3FA7] =	sst s6  }
0xf: {  	[smem:$0x3FA8] =	sst s7  }
0x10: {  	[smem:$0x3FA9] =	sst s8  }
0x11: {  	[smem:$0x3FAA] =	sst s9;
	s0 =	simm.s32 @!p0 $0x0  }
0x12: {  	s1 =	sld [smem:$0x3F90];
	s0 =	simm.s32 @p0 $0x1  }
0x13: {  	[smem:$0x3FAB] =	sst s0;
	s0 =	simm.s32 @!p1 $0x0  }
0x14: {  	s2 =	sld [smem:$0x3F8F];
	s0 =	simm.s32 @p1 $0x1  }
0x15: {  	[smem:$0x3FAC] =	sst s0;
	s0 =	simm.s32 @!p2 $0x0  }
0x16: {  	s3 =	sld [smem:$0x3FDB];
	s0 =	simm.s32 @p2 $0x1  }
0x17: {  	s4 =	simm.s32 $0x1BF5;
	[smem:$0x3FAE] =	sst s0  }
0x18: {  	s0 =	sld [smem:$0x3F91];
	_ =	swait.ge [sflag:s4], $0x0  }
0x19: {  	s7 =	sld [smem:$0x3F92]  }
0x1a: {  	s8 =	sadd.s32 $0xFFFFE003, lr  }
0x1b: {  	s9 =	sadd.s32 $0xFFFFFEF7, lr;
	s5 =	simm.s32 $0xFFFFFFFF;
	p2 =	slt.u32 s8, $0xFFFFF086  }
0x1c: {  	p1 =	slt.u32 s9, $0xF7A;
	s5 =	simm.s32 @!p2 $0x0  }
0x1d: {  	s5 =	simm.s32 @p1 $0x1;
	p0 =	seq.s32 s7, s2  }
0x1e: {  	s7 =	smul.u32 @!p0 $0xF7A, s2;
	p2 =	seq.s32 @!p0 s5, $0x0  }
0x1f: {  	s9 =	smul.u32 $0xF7A, s1;
	s8 =	simm.s32 @!p0 $0x1BF5;
	p2 =	por !p2, p0  }
0x20: {  	[sflag:s8] =	ssyncset.s32 @!p0 $0xFFFFF086;
	s6 =	sadd.s32 @!p0 s3, s7;
	s7 =	simm.s32 @!p0 $0x108  }
0x21: {  	s3 =	sadd.s32 s3, s9;
	s6 =	sadd.s32 @!p0 $0x88, s6;
	s7 =	simm.s32 @p2 $0x1082  }
0x22: {  	[simem:s7], [sflag:s8] =	dma.local @!p0 [hbm:s6], $0xF7A  }
0x23: {  	s9 =	sor.u32 $0xD0000000, s2;
	s6 =	simm.s32 $0x108;
	_ =	swait.ge @!p0 [sflag:s8], $0x0  }
0x24: {  	s3 =	sadd.s32 $0x88, s3;
	s6 =	simm.s32 @!p1 $0x1082;
	[sflag:s4] =	ssyncset.s32 $0xFFFFF086  }
0x25: {  	[simem:s6], [sflag:s4] =	dma.local [hbm:s3], $0xF7A  }
0x26: {  	[smem:$0x3F92] =	sst s1;
	(tag) =	ssettag s2;
	_ =	strace s9  }
0x27: {  	s1 =	sld [smem:$0x3FA2]  }
0x28: {  	s2 =	sld [smem:$0x3FA3]  }
0x29: {  	s4 =	sld [smem:$0x3FA5]  }
0x2a: {  	p0 =	seq.s32 s5, $0x0;
	s5 =	sld [smem:$0x3FA6]  }
0x2b: {  	s6 =	sld [smem:$0x3FA7]  }
0x2c: {  	s7 =	sld [smem:$0x3FA8]  }
0x2d: {  	s3 =	simm.s32 $0x108;
	s8 =	sld [smem:$0x3FA9]  }
0x2e: {  	s3 =	simm.s32 @!p0 $0x1082;
	s9 =	sld [smem:$0x3FAA]  }
0x2f: {  	lr =	sadd.s32 s0, s3;
	s0 =	sld [smem:$0x3FA1]  }
0x30: {  	s3 =	sld [smem:$0x3FA4]  }
0x31: {  	[smem:$0x3FAD] =	sst s10  }
0x32: {  	s10 =	sld [smem:$0x3FAB];
	_ =	sdelay $0x3  }
0x33: {  	p0 =	seq.s32 s10, $0x1;
	s10 =	sld [smem:$0x3FAD];
	_ =	sdelay $0x3  }
0x34: {  	[smem:$0x3FAD] =	sst s10  }
0x35: {  	s10 =	sld [smem:$0x3FAC];
	_ =	sdelay $0x3  }
0x36: {  	p1 =	seq.s32 s10, $0x1;
	s10 =	sld [smem:$0x3FAD];
	_ =	sdelay $0x3  }
0x37: {  	[smem:$0x3FAD] =	sst s10  }
0x38: {  	s10 =	sld [smem:$0x3FAE]  }
0x39: {  	_ = 	snop;
	(pc) =	sbr.ind lr, $3  }
0x3a: {  	_ = 	snop  }
0x3b: {  	_ = 	snop  }
0x3c: {  	p2 =	seq.s32 s10, $0x1;
	s10 =	sld [smem:$0x3FAD]  }
0x3d: {  	_ =	shalt  }
0x3e: {  	_ =	shalt  }
0x3f: {  	_ =	shalt  }
0x40: {  	_ =	shalt  }
0x41: {  	_ =	shalt  }
0x42: {  	_ =	shalt  }
0x43: {  	_ =	shalt  }
0x44: {  	_ =	shalt  }
0x45: {  	_ =	shalt  }
0x46: {  	_ =	shalt  }
0x47: {  	_ =	shalt  }
0x48: {  	_ =	shalt  }
0x49: {  	_ =	shalt  }
0x4a: {  	_ =	shalt  }
0x4b: {  	_ =	shalt  }
0x4c: {  	_ =	shalt  }
0x4d: {  	_ =	shalt  }
0x4e: {  	_ =	shalt  }
0x4f: {  	_ =	shalt  }
0x50: {  	_ =	shalt  }
0x51: {  	_ =	shalt  }
0x52: {  	_ =	shalt  }
0x53: {  	_ =	shalt  }
0x54: {  	_ =	shalt  }
0x55: {  	_ =	shalt  }
0x56: {  	_ =	shalt  }
0x57: {  	_ =	shalt  }
0x58: {  	_ =	shalt  }
0x59: {  	_ =	shalt  }
0x5a: {  	_ =	shalt  }
0x5b: {  	_ =	shalt  }
0x5c: {  	_ =	shalt  }
0x5d: {  	_ =	shalt  }
0x5e: {  	_ =	shalt  }
0x5f: {  	_ =	shalt  }
0x60: {  	_ =	shalt  }
0x61: {  	_ =	shalt  }
0x62: {  	_ =	shalt  }
0x63: {  	_ =	shalt  }
0x64: {  	_ =	shalt  }
0x65: {  	_ =	shalt  }
0x66: {  	_ =	shalt  }
0x67: {  	_ =	shalt  }
0x68: {  	_ =	shalt  }
0x69: {  	_ =	shalt  }
0x6a: {  	_ =	shalt  }
0x6b: {  	_ =	shalt  }
0x6c: {  	_ =	shalt  }
0x6d: {  	_ =	shalt  }
0x6e: {  	_ =	shalt  }
0x6f: {  	_ =	shalt  }
0x70: {  	_ =	shalt  }
0x71: {  	_ =	shalt  }
0x72: {  	_ =	shalt  }
0x73: {  	_ =	shalt  }
0x74: {  	_ =	shalt  }
0x75: {  	_ =	shalt  }
0x76: {  	_ =	shalt  }
0x77: {  	_ =	shalt  }
0x78: {  	_ =	shalt  }
0x79: {  	_ =	shalt  }
0x7a: {  	_ =	shalt  }
0x7b: {  	_ =	shalt  }
0x7c: {  	_ =	shalt  }
0x7d: {  	_ =	shalt  }
0x7e: {  	_ =	shalt  }
0x7f: {  	_ =	shalt  }
0x80: {  	_ =	shalt  }
0x81: {  	_ =	shalt  }
0x82: {  	_ =	shalt  }
0x83: {  	_ =	shalt  }
0x84: {  	_ =	shalt  }
0x85: {  	_ =	shalt  }
0x86: {  	_ =	shalt  }
0x87: {  	_ =	shalt  }
.Lfunc_end0:
.L_simem_size_0:
called_computation.1_lowered:
.L_overlay_start_0:
0x88: {  	s2 =	sld [smem:$0x3FD9]  }
0x89: {  	s3 =	sld [smem:$0x3FFE];
	_ =	sdelay $0x1  }
0x8a: {  	s1 =	srdreg.scid  }
0x8b: {  	s0 =	sand.u32 $0x1, s1  }
0x8c: {  	s16 =	sshll.u32 s0, $0xA;
	s2 =	sadd.s32 s3, s2  }
0x8d: {  	s2 =	sadd.s32 s2, s16  }
0x8e: {  	[smem:$0x3FB9] =	sst s2  }
0x8f: {  	_ = 	snop  }
0x90: {  	(tm) =	ssettm $0x1  }
0x91: {  	s17 =	sld [smem:$0x3FFB];
	_ =	sdelay $0x3  }
0x92: {  	_ =	strace s17  }
0x93: {  	s2 =	sld [smem:$0x3FFC];
	_ =	sdelay $0x3  }
0x94: {  	_ =	strace s2  }
0x95: {  	s2 =	sld [smem:$0x3FFD];
	_ =	sdelay $0x3  }
0x96: {  	_ =	strace s2  }
0x97: {  	_ =	strace $0x8FFFFFFF  }
0x98: {  	s18 =	sld [smem:$0x3FDB];
	_ =	sdelay $0x1  }
0x99: {  	s19 =	simm.s32 $_scs_section_size  }
0x9a: {  	s4 =	simm.s32 $_size__tile_overlayer_lowered;
	s5 =	simm.s32 $_tile_overlayer_lowered  }
0x9b: {  	s22 =	simm.s32 $0x1BFF;
	s21 =	sshll.u32 s5, $0x1;
	s2 =	sadd.s32 s19, s18  }
0x9c: {  	s6 =	simm.s32 $0x0;
	s20 =	sshll.u32 s4, $0x1;
	s4 =	sadd.s32 s21, s2  }
0x9d: {  	[timem:s6], [sflag:s22] =	dma.local [hbm:s4], s20  }
0x9e: {  	_ =	swait.ge [sflag:s22], s20  }
0x9f: {  	s3 =	ssub.s32 $0x0, s20;
	[sflag:s22] =	ssyncset.done $0x0  }
0xa0: {  	[sflag:s22] =	ssyncadd.s32 s3;
	_ =	sdelay $0x1  }
0xa1: {  	s23 =	simm.s32 $0x1B8B  }
0xa2: {  	_ =	swait.ge [sflag:s23], $0x1  }
0xa3: {  	[sflag:s23] =	ssyncset.done $0x0  }
0xa4: {  	s25 =	simm.s32 $0x1B8E;
	s24 =	sld [smem:$0x3FFE];
	[sflag:s23] =	ssyncadd.s32 $0xFFFFFFFF  }
0xa5: {  	s26 =	simm.s32 $execute0_lowered;
	[smem:$0x3FD2] =	sst s25  }
0xa6: {  	s4 =	sshll.u32 s26, $0x1;
	_ =	strace $0x80000049;
	[dreg:$0x1] =	wrdreg $0xFFFFFFFF  }
0xa7: {  	s28 =	simm.s32 $_size_execute0_lowered;
	s2 =	sadd.s32 s2, s4;
	[dreg:$0x0] =	wrdreg $0x0  }
0xa8: {  	s4 =	sshll.u32 s28, $0x1;
	[dreg:$0x2] =	wrdreg s2  }
0xa9: {  	[dreg:$0x3] =	wrdreg s4  }
0xaa: {  	[dreg:$0x4] =	wrdreg $0xC0  }
0xab: {  	_ =	task [dreg:s6], $0x5FFFF  }
0xac: {  	[dreg:$0x1] =	wrdreg $0xFFFFFFFF  }
0xad: {  	[dreg:$0x0] =	wrdreg $0x60  }
0xae: {  	[dreg:$0x2] =	wrdreg s24  }
0xaf: {  	[dreg:$0x3] =	wrdreg $0x0  }
0xb0: {  	[dreg:$0x4] =	wrdreg $0x9  }
0xb1: {  	_ =	task.clear_ibuf [dreg:s6], $0x5FFFF;
	_ =	strace $0x90000049  }
0xb2: {  	s29 =	simm.s32 $0x9;
	_ =	strace $0x8000004B  }
0xb3: {  	_ =	swait.ge [sflag:s29], $0x1  }
0xb4: {  	[sflag:s29] =	ssyncadd.s32 $0xFFFFFFFF  }
0xb5: {  	_ =	strace $0x9000004B  }
0xb6: {  	_ =	sfence  }
0xb7: {  	s30 =	sld [smem:$0x0];
	_ =	sdelay $0x2  }
0xb8: {  	s31 =	sshll.u32 s1, $0xD;
	s1 =	sshrl.u32 s1, $0x2  }
0xb9: {  	s3 =	sand.u32 $0x4000, s31;
	s1 =	sadd.s32 s1, s30  }
0xba: {  	s0 =	sor.u32 s3, s0;
	s1 =	sshll.u32 s1, $0x11  }
0xbb: {  	s0 =	sor.u32 s1, s0  }
0xbc: {  	s0 =	sadd.s32 $0x8F2B, s0  }
0xbd: {  	[sflag:s0] =	ssyncadd.remote.s32 $0x1  }
0xbe: {  	_ =	sfence.sel $0xFFFF  }
0xbf: {  	[dreg:$0x0] =	wrdreg $0xFFFFFFFF;
	(pc) =	sbr.abs _section_cstart, $3  }
0xc0: {  	[dreg:$0x1] =	wrdreg $0xFFFFFFFF  }
0xc1: {  	_ =	task.clear_ibuf [dreg:s6], $0x2FFFF;
	_ =	strace $0x9FFFFFFF  }
0xc2: {  	(tm) =	ssettm $0x7FFFFFFF  }
0xc3: {  	_ =	shalt  }
tec
execute0_lowered:
.L_overlay_start_1:
0x0: {  	(tag) =	ssettag $0x1  }
0x1: {  	s0 =	rddreg [dreg:$0x0]  }
0x2: {  	s1 =	rddreg [dreg:$0x1]  }
0x3: {  	s2 =	simm.s32 $0x0;
	s4 =	srdreg.scid;
	s18 =	simm.s32 $0x5  }
0x4: {  	s28 =	simm.s32 $0x3;
	s29 =	simm.s32 $0x1A880;
	s30 =	simm.s32 $0x4  }
0x5: {  	s31 =	simm.s32 $0x2;
	[smem:$0x7FF] =	sst s2;
	s3 =	sadd.s32 $0x2C000, s0  }
0x6: {  	s5 =	sadd.s32 $0x18000, s0;
	s6 =	sadd.s32 $0x3000, s0;
	s9 =	sand.u32 $0x1, s4  }
0x7: {  	s7 =	sadd.s32 $0x53200, s0;
	s4 =	stileid.u32;
	s11 =	sadd.s32 $0x55A00, s0  }
0x8: {  	s0 =	sadd.s32 $0x50900, s0;
	_ =	strace $0x8000004A;
	s19 =	smul.u32 $0x4E000, s4  }
0x9: {  	s8 =	ssub.s32 $0x2, s9;
	s12 =	sshll.u32 s4, $0x1;
	s13 =	smul.u32 $0x2700, s4  }
0xa: {  	p1 =	seq.s32 s9, $0x0;
	p4 =	sne.s32 s4, $0xF;
	s14 =	smul.u32 $0x138800, s9  }
0xb: {  	p0 =	seq.s32 s4, $0xF;
	s16 =	smul.u32 $0x13800, s4;
	[dreg:$0x3] =	wrdreg s0  }
0xc: {  	s24 =	sshll.u32 s4, $0x6;
	s10 =	sshrl.u32 s8, $0x1;
	s12 =	sor.u32 s9, s12  }
0xd: {  	p2 =	por !p1, !p4;
	p3 =	por !p1, !p0;
	s15 =	ssub.s32 s8, s10  }
0xe: {  	p1 =	por !p2, !p2;
	p2 =	por !p3, !p3;
	s10 =	sshrl.u32 s19, $0x2  }
0xf: {  	p3 =	seq.s32 s9, $0x1;
	s20 =	sadd.s32 s3, s13;
	s21 =	sadd.s32 s16, s14  }
0x10: {  	s22 =	sshrl.u32 s14, $0x3;
	s12 =	smul.u32 $0x5000, s12;
	s8 =	simm.s32 @!p2 $0x0  }
0x11: {  	s10 =	sadd.s32 s10, s1;
	[dreg:$0x4] =	wrdreg s20;
	p4 =	por !p4, !p3  }
0x12: {  	s0 =	sshrl.u32 s21, $0x3;
	s23 =	sadd.s32 s11, s22;
	s15 =	smax.u32 s15, $0x1  }
0x13: {  	s22 =	simm.s32 $0x13880;
	s8 =	simm.s32 @p2 $0x1;
	p4 =	por !p4, !p4  }
0x14: {  	s13 =	sadd.s32 s11, s0;
	s14 =	sadd.s32 $0x24900, s23;
	s0 =	sor.u32 $0x1C05, s24  }
0x15: {  	s25 =	sshrl.u32 s10, $0x3;
	s23 =	simm.s32 $0x50;
	[smem:$0x7FD] =	sst s8  }
.Ltmp0:
0x16: {  	[dreg:$0x5] =	wrdreg s0;
	s0 =	sshll.u32 @p4 s4, $0x6;
	(pc) =	sbr.rel .LBB2_1-.Ltmp0, $4  }
0x17: {  	s8 =	sadd.s32 $0x124800, s1;
	[dreg:$0x6] =	wrdreg s25;
	s0 =	sor.u32 @p4 $0x1C05, s0  }
0x18: {  	s24 =	simm.s32 $0x15880;
	s26 =	sshrl.u32 s8, $0x3;
	[dreg:$0x7] =	wrdreg s0  }
0x19: {  	s25 =	simm.s32 $0x13900;
	s0 =	sshrl.u32 @p4 s10, $0x3;
	[dreg:$0x9] =	wrdreg s26  }
0x1a: {  	s26 =	simm.s32 $0x18080;
	[dreg:$0x8] =	wrdreg s0;
	s0 =	simm.s32 $0x1  }
.LBB2_17:
0x1b: {  	s9 =	sshll.u32 @!p0 s4, $0x6  }
0x1c: {  	[bflag:$0x0] =	sbarrier.arrive $0xFFFF;
	s11 =	sshrl.u32 @!p0 s10, $0x3;
	s9 =	sor.u32 @!p0 $0x1C05, s9  }
0x1d: {  	[hbm:s13], [sflag:s9] =	dma.local @!p0 [spmem:s11], $0x2700  }
0x1e: {  	s9 =	simm.s32 @!p0 $0x5  }
0x1f: {  	s2 =	sadd.s32 $0x1, s2;
	_ =	swait.ge @!p0 [sflag:s9], $0x2700  }
0x20: {  	p2 =	sne.s32 s2, s15;
	s11 =	sshll.u32 @p5 s4, $0x6;
	[sflag:s9] =	ssyncset.done @!p0 $0x0  }
0x21: {  	[sflag:s9] =	ssyncadd.s32 @!p0 $0xFFFFD900;
	s9 =	sor.u32 @p5 $0x1C05, s11;
	s11 =	sshrl.u32 @p5 s8, $0x3  }
0x22: {  	[hbm:s14], [sflag:s9] =	dma.local @p5 [spmem:s11], $0x2800  }
.Ltmp1:
0x23: {  	_ = 	snop;
	(pc) =	sbr.rel @!p2 .LBB2_18-.Ltmp1, $4  }
0x24: {  	s9 =	simm.s32 @p5 $0x5  }
0x25: {  	_ =	swait.ge @p5 [sflag:s9], $0x2800  }
0x26: {  	[sflag:s9] =	ssyncset.done @p5 $0x0  }
0x27: {  	[sflag:s9] =	ssyncadd.s32 @p5 $0xFFFFD800  }
.LBB2_1:
.Ltmp2:
0x28: {  	(pc) =	sbr.rel @!p1 .LBB2_5-.Ltmp2, $1  }
0x29: {  	_ =	sdelay $0x3  }
0x2a: {  	s9 =	rddreg [dreg:$0x4]  }
0x2b: {  	s11 =	rddreg [dreg:$0x5]  }
.Ltmp3:
0x2c: {  	s16 =	rddreg [dreg:$0x6];
	(pc) =	sbr.rel .LBB2_3-.Ltmp3, $4  }
0x2d: {  	[spmem:s16], [sflag:s11] =	dma.local [hbm:s9], $0x2700  }
0x2e: {  	_ =	swait.ge [sflag:s18], $0x2700  }
0x2f: {  	[sflag:s18] =	ssyncset.done $0x0  }
0x30: {  	p5 =	por $0x0, $0x0;
	[sflag:s18] =	ssyncadd.s32 $0xFFFFD900  }
.LBB2_5:
0x31: {  	s9 =	sld [smem:$0x7FD];
	_ =	sdelay $0x2  }
0x32: {  	p2 =	seq.s32 s9, $0x1  }
.Ltmp4:
0x33: {  	_ = 	snop;
	(pc) =	sbr.rel @!p2 .LBB2_3-.Ltmp4, $2  }
0x34: {  	_ =	sdelay $0x2  }
0x35: {  	p5 =	por p0, p0  }
.Ltmp5:
0x36: {  	(pc) =	sbr.rel .LBB2_7-.Ltmp5, $4  }
0x37: {  	_ = 	snop  }
0x38: {  	s9 =	rddreg [dreg:$0x3]  }
0x39: {  	s11 =	rddreg [dreg:$0x9];
	s16 =	simm.s32 $0x1FC5;
	p5 =	por $0x1, $0x1  }
0x3a: {  	[spmem:s11], [sflag:s16] =	dma.local [hbm:s9], $0x2800  }
.LBB2_3:
0x3b: {  	s9 =	rddreg [dreg:$0x7]  }
0x3c: {  	s11 =	rddreg [dreg:$0x8];
	p6 =	por @p4 $0x1, $0x1  }
0x3d: {  	[spmem:s11], [sflag:s9] =	dma.local @p4 [hbm:s7], $0x2700  }
0x3e: {  	p6 =	por @!p4 p3, p3  }
0x3f: {  	p6 =	por !p6, !p5  }
0x40: {  	p6 =	por !p6, !p6  }
.Ltmp6:
0x41: {  	_ = 	snop;
	(pc) =	sbr.rel @!p6 .LBB2_8-.Ltmp6, $4  }
0x42: {  	s9 =	simm.s32 @p4 $0x5  }
0x43: {  	_ =	swait.ge @p4 [sflag:s9], $0x2700  }
0x44: {  	[sflag:s9] =	ssyncset.done @p4 $0x0  }
0x45: {  	[sflag:s9] =	ssyncadd.s32 @p4 $0xFFFFD900  }
0x46: {  	s9 =	rddreg [dreg:$0x5]  }
0x47: {  	s11 =	rddreg [dreg:$0x9]  }
0x48: {  	[spmem:s11], [sflag:s9] =	dma.local [hbm:s7], $0x2800  }
.LBB2_7:
0x49: {  	_ =	swait.ge [sflag:s18], $0x2800  }
0x4a: {  	[sflag:s18] =	ssyncset.done $0x0  }
0x4b: {  	[sflag:s18] =	ssyncadd.s32 $0xFFFFD800  }
.LBB2_8:
.Ltmp7:
0x4c: {  	(pc) =	sbr.rel .LBB2_9-.Ltmp7, $3  }
0x4d: {  	_ =	sdelay $0x1  }
0x4e: {  	[bflag:$0x0] =	sbarrier.arrive $0xFFFF  }
0x4f: {  	s9 =	simm.s32 $0x0;
	s11 =	simm.s32 $0x0  }
.LBB2_16:
0x50: {  	_ =	swait.ge [sflag:s30], $0x2800  }
0x51: {  	[sflag:s30] =	ssyncset.done $0x0  }
0x52: {  	s11 =	sadd.s32 $0x1, s11;
	[sflag:s30] =	ssyncadd.s32 $0xFFFFD800  }
0x53: {  	p2 =	sne.s32 s11, $0x5;
	_ =	swait.ge [sflag:s30], $0x2800  }
.Ltmp8:
0x54: {  	[sflag:s30] =	ssyncset.done $0x0;
	(pc) =	sbr.rel @!p2 .LBB2_17-.Ltmp8, $4  }
0x55: {  	[sflag:s30] =	ssyncadd.s32 $0xFFFFD800  }
0x56: {  	_ =	swait.ge [sflag:s30], $0x2800  }
0x57: {  	[sflag:s30] =	ssyncset.done $0x0  }
0x58: {  	[sflag:s30] =	ssyncadd.s32 $0xFFFFD800  }
.LBB2_9:
0x59: {  	s17 =	sshll.u32 s11, $0xC  }
0x5a: {  	s17 =	sadd.s32 s12, s17  }
0x5b: {  	s17 =	sshrl.u32 s17, $0x3  }
0x5c: {  	s19 =	sadd.s32 s5, s17  }
0x5d: {  	[tilespmem:s22], [sflag:$0x5] =	stream.linear.gather [hbm4b:s19+s9], $0xC80, $0x38;
	[tilespmem:$0x1D080] =	vst v63  }
0x5e: {  	_ =	swait.ge [sflag:s18], $0xC80  }
0x5f: {  	[sflag:s18] =	ssyncset.done $0x0  }
0x60: {  	s21 =	sadd.s32 s6, s17;
	s17 =	simm.s32 $0x14880;
	[sflag:s18] =	ssyncadd.s32 $0xFFFFF380  }
0x61: {  	[tilespmem:s17], [sflag:$0x5] =	stream.linear.gather [hbm4b:s21+s9], $0xC80, $0x38;
	[tilespmem:$0x1D080] =	vst v63  }
0x62: {  	_ =	swait.ge [sflag:s18], $0xC80  }
.Ltmp9:
0x63: {  	[sflag:s18] =	ssyncset.done $0x0;
	(pc) =	sbr.rel .LBB2_10-.Ltmp9, $4  }
0x64: {  	[sflag:s18] =	ssyncadd.s32 $0xFFFFF380  }
0x65: {  	[tilespmem:s24], [sflag:$0x1] =	stream.indirect.gather [hbm4b:s3+s23], $0x80, s22, s23, $0xb8;
	[tilespmem:$0x1D080] =	vst v63  }
0x66: {  	s19 =	simm.s32 $0x0;
	s21 =	simm.s32 $0x13980  }
0x67: {  	[tilespmem:s26], [sflag:$0x2] =	stream.indirect.gather [hbm4b:s3+s23], $0x80, s25, s23, $0xb8;
	[tilespmem:$0x1D080] =	vst v63  }
.LBB2_14:
0x68: {  	_ =	swait.ge [sflag:s28], $0x2800  }
0x69: {  	p2 =	sgt.u32 s19, $0x16;
	[sflag:s28] =	ssyncset.done $0x0  }
0x6a: {  	s16 =	simm.s32 @!p2 $0x4;
	[sflag:s28] =	ssyncadd.s32 $0xFFFFD800  }
0x6b: {  	[spmem:s1] =	stream.indirect.scatter.add.f32 [tilespmem:s29], [sflag:$0x4], $0x80, s17, s23, $0xb8;
	[tilespmem:$0x1D080] =	vst v63  }
0x6c: {  	_ =	swait.ge @!p2 [sflag:s16], $0x2800  }
0x6d: {  	[sflag:s16] =	ssyncset.done @!p2 $0x0  }
0x6e: {  	s20 =	simm.s32 @!p2 $0x18080;
	[sflag:s16] =	ssyncadd.s32 @!p2 $0xFFFFD800;
	s16 =	simm.s32 @!p2 $0x50  }
0x6f: {  	[tilespmem:s20], [sflag:$0x2] =	stream.indirect.gather @!p2 [hbm4b:s3+s16], $0x80, s21, s16, $0xb8;
	[tilespmem:$0x1D080] =	vst v63  }
.LBB2_15:
0x70: {  	s19 =	sadd.s32 $0x1, s19  }
0x71: {  	p2 =	sne.s32 s19, $0x19  }
.Ltmp10:
0x72: {  	_ = 	snop;
	(pc) =	sbr.rel @!p2 .LBB2_16-.Ltmp10, $2  }
0x73: {  	_ =	sdelay $0x2  }
0x74: {  	s21 =	sadd.s32 $0x80, s21;
	s17 =	sadd.s32 $0x80, s17  }
.LBB2_10:
0x75: {  	s20 =	smul.u32 $0xAB, s19;
	_ =	sdelay $0x1  }
0x76: {  	s20 =	sshrl.u32 s20, $0x9  }
0x77: {  	s20 =	sand.u32 $0x7F, s20  }
0x78: {  	s20 =	smul.u32 $0x3, s20;
	_ =	sdelay $0x1  }
0x79: {  	s20 =	ssub.s32 s19, s20  }
0x7a: {  	s20 =	sand.u32 $0xFF, s20  }
0x7b: {  	p6 =	seq.s32 s20, $0x2  }
.Ltmp11:
0x7c: {  	_ = 	snop;
	(pc) =	sbr.rel @p6 .LBB2_14-.Ltmp11, $1  }
0x7d: {  	_ =	sdelay $0x3  }
0x7e: {  	p6 =	seq.s32 s20, $0x1  }
.Ltmp12:
0x7f: {  	_ = 	snop;
	(pc) =	sbr.rel @!p6 .LBB2_12-.Ltmp12, $1  }
0x80: {  	_ =	sdelay $0x3  }
0x81: {  	_ =	swait.ge [sflag:s31], $0x2800  }
0x82: {  	[sflag:s31] =	ssyncset.done $0x0  }
0x83: {  	p2 =	sgt.u32 s19, $0x16;
	[sflag:s31] =	ssyncadd.s32 $0xFFFFD800  }
0x84: {  	[spmem:s1] =	stream.indirect.scatter.add.f32 [tilespmem:s26], [sflag:$0x4], $0x80, s17, s23, $0xb8;
	[tilespmem:$0x1D080] =	vst v63  }
.Ltmp13:
0x85: {  	s16 =	simm.s32 @!p2 $0x4;
	(pc) =	sbr.rel .LBB2_15-.Ltmp13, $4  }
0x86: {  	_ =	swait.ge @!p2 [sflag:s16], $0x2800  }
0x87: {  	[sflag:s16] =	ssyncset.done @!p2 $0x0  }
0x88: {  	s20 =	simm.s32 @!p2 $0x15880;
	[sflag:s16] =	ssyncadd.s32 @!p2 $0xFFFFD800;
	s16 =	simm.s32 @!p2 $0x50  }
0x89: {  	[tilespmem:s20], [sflag:$0x1] =	stream.indirect.gather @!p2 [hbm4b:s3+s16], $0x80, s21, s16, $0xb8;
	[tilespmem:$0x1D080] =	vst v63  }
.LBB2_12:
0x8a: {  	_ =	swait.ge [sflag:s0], $0x2800;
	p6 =	sgt.u32 s19, $0x16  }
0x8b: {  	[sflag:s0] =	ssyncset.done $0x0;
	p2 =	seq.s32 @!p6 s19, $0x0  }
0x8c: {  	[sflag:s0] =	ssyncadd.s32 $0xFFFFD800;
	p2 =	por p2, p6  }
0x8d: {  	[spmem:s1] =	stream.indirect.scatter.add.f32 [tilespmem:s24], [sflag:$0x4], $0x80, s17, s23, $0xb8;
	[tilespmem:$0x1D080] =	vst v63  }
.Ltmp14:
0x8e: {  	s20 =	simm.s32 @!p2 $0x4;
	(pc) =	sbr.rel .LBB2_15-.Ltmp14, $4  }
0x8f: {  	_ =	swait.ge @!p2 [sflag:s20], $0x2800  }
0x90: {  	[sflag:s20] =	ssyncset.done @!p2 $0x0  }
0x91: {  	s16 =	simm.s32 @!p6 $0x1A880;
	[sflag:s20] =	ssyncadd.s32 @!p2 $0xFFFFD800;
	s20 =	simm.s32 @!p6 $0x50  }
0x92: {  	[tilespmem:s16], [sflag:$0x3] =	stream.indirect.gather @!p6 [hbm4b:s3+s20], $0x80, s21, s20, $0xb8;
	[tilespmem:$0x1D080] =	vst v63  }
.LBB2_18:
0x93: {  	_ =	sfence.sel $0x180000  }
0x94: {  	[bflag:$0x0] =	sbarrier.arrive $0xFFFF  }
0x95: {  	_ =	strace $0x9000004A  }
0x96: {  	[bflag:$0x2] =	sbarrier.arrive $0xFFFF  }
0x97: {  	p0 =	sne.s32 s4, $0x0;
	s0 =	rddreg [dreg:$0x2]  }
0x98: {  	s0 =	sadd.s32 @!p0 $0x100000, s0  }
0x99: {  	[sflag:s0] =	ssyncadd.tile.s32 @!p0 $0x1;
	_ =	shalt  }
.Lfunc_end2:
_tile_overlayer_lowered:
.L_overlay_start_2:
0x9a: {  	(tag) =	ssettag $0x2  }
0x9b: {  	s0 =	rddreg [dreg:$0x0];
	s2 =	stileid.u32  }
0x9c: {  	s1 =	rddreg [dreg:$0x1];
	p0 =	sne.s32 s2, $0x0  }
0x9d: {  	s3 =	rddreg [dreg:$0x2];
	[bflag:$0x3] =	sbarrier.arrive $0xFFFF;
	s2 =	simm.s32 @!p0 $0x1C05  }
0x9e: {  	[timem:s3], [sflag:s2] =	dma.local @!p0 [hbm:s0], s1  }
0x9f: {  	s0 =	simm.s32 @!p0 $0x5  }
0xa0: {  	_ =	swait.ge @!p0 [sflag:s0], s1  }
0xa1: {  	s1 =	ssub.s32 @!p0 $0x0, s1;
	[sflag:s0] =	ssyncset.done @!p0 $0x0  }
0xa2: {  	[sflag:s0] =	ssyncadd.s32 @!p0 s1  }
0xa3: {  	[bflag:$0x3] =	sbarrier.arrive $0xFFFF  }
0xa4: {  	_ =	shalt  }

// kernel: kernel.17.cloned.1.call-start
scs
__scs_entry_jumppad:
0x0: {  	(pc) =	sbr.rel $0x88, $3  }
0x1: {  	(tag) =	ssettag $0x0;
	lr =	simm.s32 $0x1  }
0x2: {  	[smem:$0x3F92] =	sst lr;
	_ =	strace $0xD0000000  }
0x3: {  	_ = 	snop  }
0x4: {  	_ = 	snop  }
0x5: {  	_ = 	snop  }
0x6: {  	_ = 	snop  }
0x7: {  	_ = 	snop  }
__scs_overlays_trampoline_lowered:
0x8: {  	[smem:$0x3FA1] =	sst s0  }
0x9: {  	[smem:$0x3FA2] =	sst s1  }
0xa: {  	[smem:$0x3FA3] =	sst s2  }
0xb: {  	[smem:$0x3FA4] =	sst s3  }
0xc: {  	[smem:$0x3FA5] =	sst s4  }
0xd: {  	[smem:$0x3FA6] =	sst s5  }
0xe: {  	[smem:$0x3FA7] =	sst s6  }
0xf: {  	[smem:$0x3FA8] =	sst s7  }
0x10: {  	[smem:$0x3FA9] =	sst s8  }
0x11: {  	[smem:$0x3FAA] =	sst s9;
	s0 =	simm.s32 @!p0 $0x0  }
0x12: {  	s1 =	sld [smem:$0x3F90];
	s0 =	simm.s32 @p0 $0x1  }
0x13: {  	[smem:$0x3FAB] =	sst s0;
	s0 =	simm.s32 @!p1 $0x0  }
0x14: {  	s2 =	sld [smem:$0x3F8F];
	s0 =	simm.s32 @p1 $0x1  }
0x15: {  	[smem:$0x3FAC] =	sst s0;
	s0 =	simm.s32 @!p2 $0x0  }
0x16: {  	s3 =	sld [smem:$0x3FDB];
	s0 =	simm.s32 @p2 $0x1  }
0x17: {  	s4 =	simm.s32 $0x1BF5;
	[smem:$0x3FAE] =	sst s0  }
0x18: {  	s0 =	sld [smem:$0x3F91];
	_ =	swait.ge [sflag:s4], $0x0  }
0x19: {  	s7 =	sld [smem:$0x3F92]  }
0x1a: {  	s8 =	sadd.s32 $0xFFFFE003, lr  }
0x1b: {  	s9 =	sadd.s32 $0xFFFFFEF7, lr;
	s5 =	simm.s32 $0xFFFFFFFF;
	p2 =	slt.u32 s8, $0xFFFFF086  }
0x1c: {  	p1 =	slt.u32 s9, $0xF7A;
	s5 =	simm.s32 @!p2 $0x0  }
0x1d: {  	s5 =	simm.s32 @p1 $0x1;
	p0 =	seq.s32 s7, s2  }
0x1e: {  	s7 =	smul.u32 @!p0 $0xF7A, s2;
	p2 =	seq.s32 @!p0 s5, $0x0  }
0x1f: {  	s9 =	smul.u32 $0xF7A, s1;
	s8 =	simm.s32 @!p0 $0x1BF5;
	p2 =	por !p2, p0  }
0x20: {  	[sflag:s8] =	ssyncset.s32 @!p0 $0xFFFFF086;
	s6 =	sadd.s32 @!p0 s3, s7;
	s7 =	simm.s32 @!p0 $0x108  }
0x21: {  	s3 =	sadd.s32 s3, s9;
	s6 =	sadd.s32 @!p0 $0x88, s6;
	s7 =	simm.s32 @p2 $0x1082  }
0x22: {  	[simem:s7], [sflag:s8] =	dma.local @!p0 [hbm:s6], $0xF7A  }
0x23: {  	s9 =	sor.u32 $0xD0000000, s2;
	s6 =	simm.s32 $0x108;
	_ =	swait.ge @!p0 [sflag:s8], $0x0  }
0x24: {  	s3 =	sadd.s32 $0x88, s3;
	s6 =	simm.s32 @!p1 $0x1082;
	[sflag:s4] =	ssyncset.s32 $0xFFFFF086  }
0x25: {  	[simem:s6], [sflag:s4] =	dma.local [hbm:s3], $0xF7A  }
0x26: {  	[smem:$0x3F92] =	sst s1;
	(tag) =	ssettag s2;
	_ =	strace s9  }
0x27: {  	s1 =	sld [smem:$0x3FA2]  }
0x28: {  	s2 =	sld [smem:$0x3FA3]  }
0x29: {  	s4 =	sld [smem:$0x3FA5]  }
0x2a: {  	p0 =	seq.s32 s5, $0x0;
	s5 =	sld [smem:$0x3FA6]  }
0x2b: {  	s6 =	sld [smem:$0x3FA7]  }
0x2c: {  	s7 =	sld [smem:$0x3FA8]  }
0x2d: {  	s3 =	simm.s32 $0x108;
	s8 =	sld [smem:$0x3FA9]  }
0x2e: {  	s3 =	simm.s32 @!p0 $0x1082;
	s9 =	sld [smem:$0x3FAA]  }
0x2f: {  	lr =	sadd.s32 s0, s3;
	s0 =	sld [smem:$0x3FA1]  }
0x30: {  	s3 =	sld [smem:$0x3FA4]  }
0x31: {  	[smem:$0x3FAD] =	sst s10  }
0x32: {  	s10 =	sld [smem:$0x3FAB];
	_ =	sdelay $0x3  }
0x33: {  	p0 =	seq.s32 s10, $0x1;
	s10 =	sld [smem:$0x3FAD];
	_ =	sdelay $0x3  }
0x34: {  	[smem:$0x3FAD] =	sst s10  }
0x35: {  	s10 =	sld [smem:$0x3FAC];
	_ =	sdelay $0x3  }
0x36: {  	p1 =	seq.s32 s10, $0x1;
	s10 =	sld [smem:$0x3FAD];
	_ =	sdelay $0x3  }
0x37: {  	[smem:$0x3FAD] =	sst s10  }
0x38: {  	s10 =	sld [smem:$0x3FAE]  }
0x39: {  	_ = 	snop;
	(pc) =	sbr.ind lr, $3  }
0x3a: {  	_ = 	snop  }
0x3b: {  	_ = 	snop  }
0x3c: {  	p2 =	seq.s32 s10, $0x1;
	s10 =	sld [smem:$0x3FAD]  }
0x3d: {  	_ =	shalt  }
0x3e: {  	_ =	shalt  }
0x3f: {  	_ =	shalt  }
0x40: {  	_ =	shalt  }
0x41: {  	_ =	shalt  }
0x42: {  	_ =	shalt  }
0x43: {  	_ =	shalt  }
0x44: {  	_ =	shalt  }
0x45: {  	_ =	shalt  }
0x46: {  	_ =	shalt  }
0x47: {  	_ =	shalt  }
0x48: {  	_ =	shalt  }
0x49: {  	_ =	shalt  }
0x4a: {  	_ =	shalt  }
0x4b: {  	_ =	shalt  }
0x4c: {  	_ =	shalt  }
0x4d: {  	_ =	shalt  }
0x4e: {  	_ =	shalt  }
0x4f: {  	_ =	shalt  }
0x50: {  	_ =	shalt  }
0x51: {  	_ =	shalt  }
0x52: {  	_ =	shalt  }
0x53: {  	_ =	shalt  }
0x54: {  	_ =	shalt  }
0x55: {  	_ =	shalt  }
0x56: {  	_ =	shalt  }
0x57: {  	_ =	shalt  }
0x58: {  	_ =	shalt  }
0x59: {  	_ =	shalt  }
0x5a: {  	_ =	shalt  }
0x5b: {  	_ =	shalt  }
0x5c: {  	_ =	shalt  }
0x5d: {  	_ =	shalt  }
0x5e: {  	_ =	shalt  }
0x5f: {  	_ =	shalt  }
0x60: {  	_ =	shalt  }
0x61: {  	_ =	shalt  }
0x62: {  	_ =	shalt  }
0x63: {  	_ =	shalt  }
0x64: {  	_ =	shalt  }
0x65: {  	_ =	shalt  }
0x66: {  	_ =	shalt  }
0x67: {  	_ =	shalt  }
0x68: {  	_ =	shalt  }
0x69: {  	_ =	shalt  }
0x6a: {  	_ =	shalt  }
0x6b: {  	_ =	shalt  }
0x6c: {  	_ =	shalt  }
0x6d: {  	_ =	shalt  }
0x6e: {  	_ =	shalt  }
0x6f: {  	_ =	shalt  }
0x70: {  	_ =	shalt  }
0x71: {  	_ =	shalt  }
0x72: {  	_ =	shalt  }
0x73: {  	_ =	shalt  }
0x74: {  	_ =	shalt  }
0x75: {  	_ =	shalt  }
0x76: {  	_ =	shalt  }
0x77: {  	_ =	shalt  }
0x78: {  	_ =	shalt  }
0x79: {  	_ =	shalt  }
0x7a: {  	_ =	shalt  }
0x7b: {  	_ =	shalt  }
0x7c: {  	_ =	shalt  }
0x7d: {  	_ =	shalt  }
0x7e: {  	_ =	shalt  }
0x7f: {  	_ =	shalt  }
0x80: {  	_ =	shalt  }
0x81: {  	_ =	shalt  }
0x82: {  	_ =	shalt  }
0x83: {  	_ =	shalt  }
0x84: {  	_ =	shalt  }
0x85: {  	_ =	shalt  }
0x86: {  	_ =	shalt  }
0x87: {  	_ =	shalt  }
.Lfunc_end0:
.L_simem_size_0:
called_computation.2_lowered:
.L_overlay_start_0:
0x88: {  	s2 =	sld [smem:$0x3FD9]  }
0x89: {  	s3 =	sld [smem:$0x3FFE];
	_ =	sdelay $0x1  }
0x8a: {  	s1 =	srdreg.scid  }
0x8b: {  	s0 =	sand.u32 $0x1, s1  }
0x8c: {  	s16 =	sshll.u32 s0, $0xA;
	s2 =	sadd.s32 s3, s2  }
0x8d: {  	s2 =	sadd.s32 s2, s16  }
0x8e: {  	[smem:$0x3FB9] =	sst s2  }
0x8f: {  	_ = 	snop  }
0x90: {  	(tm) =	ssettm $0x1  }
0x91: {  	s17 =	sld [smem:$0x3FFB];
	_ =	sdelay $0x3  }
0x92: {  	_ =	strace s17  }
0x93: {  	s2 =	sld [smem:$0x3FFC];
	_ =	sdelay $0x3  }
0x94: {  	_ =	strace s2  }
0x95: {  	s2 =	sld [smem:$0x3FFD];
	_ =	sdelay $0x3  }
0x96: {  	_ =	strace s2  }
0x97: {  	_ =	strace $0x8FFFFFFF  }
0x98: {  	s18 =	sld [smem:$0x3FDB];
	_ =	sdelay $0x1  }
0x99: {  	s19 =	simm.s32 $_scs_section_size  }
0x9a: {  	s4 =	simm.s32 $_size__tile_overlayer_lowered;
	s5 =	simm.s32 $_tile_overlayer_lowered  }
0x9b: {  	s22 =	simm.s32 $0x1BFF;
	s21 =	sshll.u32 s5, $0x1;
	s2 =	sadd.s32 s19, s18  }
0x9c: {  	s6 =	simm.s32 $0x0;
	s20 =	sshll.u32 s4, $0x1;
	s4 =	sadd.s32 s21, s2  }
0x9d: {  	[timem:s6], [sflag:s22] =	dma.local [hbm:s4], s20  }
0x9e: {  	_ =	swait.ge [sflag:s22], s20  }
0x9f: {  	s3 =	ssub.s32 $0x0, s20;
	[sflag:s22] =	ssyncset.done $0x0  }
0xa0: {  	[sflag:s22] =	ssyncadd.s32 s3;
	_ =	sdelay $0x1  }
0xa1: {  	s23 =	simm.s32 $0x1B8B  }
0xa2: {  	_ =	swait.ge [sflag:s23], $0x1  }
0xa3: {  	[sflag:s23] =	ssyncset.done $0x0  }
0xa4: {  	s25 =	simm.s32 $0x1B8E;
	s24 =	sld [smem:$0x3FFE];
	[sflag:s23] =	ssyncadd.s32 $0xFFFFFFFF  }
0xa5: {  	s26 =	simm.s32 $execute0_lowered;
	[smem:$0x3FD2] =	sst s25  }
0xa6: {  	s4 =	sshll.u32 s26, $0x1;
	_ =	strace $0x8000004C;
	[dreg:$0x1] =	wrdreg $0xFFFFFFFF  }
0xa7: {  	s28 =	simm.s32 $_size_execute0_lowered;
	s2 =	sadd.s32 s2, s4;
	[dreg:$0x0] =	wrdreg $0x0  }
0xa8: {  	s4 =	sshll.u32 s28, $0x1;
	[dreg:$0x2] =	wrdreg s2  }
0xa9: {  	[dreg:$0x3] =	wrdreg s4  }
0xaa: {  	[dreg:$0x4] =	wrdreg $0xC0  }
0xab: {  	_ =	task [dreg:s6], $0x5FFFF  }
0xac: {  	[dreg:$0x1] =	wrdreg $0xFFFFFFFF  }
0xad: {  	[dreg:$0x0] =	wrdreg $0x60  }
0xae: {  	[dreg:$0x2] =	wrdreg s24  }
0xaf: {  	[dreg:$0x3] =	wrdreg $0x0  }
0xb0: {  	[dreg:$0x4] =	wrdreg $0x9  }
0xb1: {  	_ =	task.clear_ibuf [dreg:s6], $0x5FFFF;
	_ =	strace $0x9000004C  }
0xb2: {  	s29 =	simm.s32 $0x9;
	_ =	strace $0x8000004E  }
0xb3: {  	_ =	swait.ge [sflag:s29], $0x1  }
0xb4: {  	[sflag:s29] =	ssyncadd.s32 $0xFFFFFFFF  }
0xb5: {  	_ =	strace $0x9000004E  }
0xb6: {  	_ =	sfence  }
0xb7: {  	s30 =	sld [smem:$0x0];
	_ =	sdelay $0x2  }
0xb8: {  	s31 =	sshll.u32 s1, $0xD;
	s1 =	sshrl.u32 s1, $0x2  }
0xb9: {  	s3 =	sand.u32 $0x4000, s31;
	s1 =	sadd.s32 s1, s30  }
0xba: {  	s0 =	sor.u32 s3, s0;
	s1 =	sshll.u32 s1, $0x11  }
0xbb: {  	s0 =	sor.u32 s1, s0  }
0xbc: {  	s0 =	sadd.s32 $0x8F2B, s0  }
0xbd: {  	[sflag:s0] =	ssyncadd.remote.s32 $0x1  }
0xbe: {  	_ =	sfence.sel $0xFFFF  }
0xbf: {  	[dreg:$0x0] =	wrdreg $0xFFFFFFFF;
	(pc) =	sbr.abs _section_cstart, $3  }
0xc0: {  	[dreg:$0x1] =	wrdreg $0xFFFFFFFF  }
0xc1: {  	_ =	task.clear_ibuf [dreg:s6], $0x2FFFF;
	_ =	strace $0x9FFFFFFF  }
0xc2: {  	(tm) =	ssettm $0x7FFFFFFF  }
0xc3: {  	_ =	shalt  }
tec
execute0_lowered:
.L_overlay_start_1:
0x0: {  	(tag) =	ssettag $0x1  }
0x1: {  	s0 =	rddreg [dreg:$0x0]  }
0x2: {  	s1 =	rddreg [dreg:$0x1]  }
0x3: {  	s2 =	simm.s32 $0x0;
	s4 =	srdreg.scid;
	s18 =	simm.s32 $0x5  }
0x4: {  	s28 =	simm.s32 $0x3;
	s29 =	simm.s32 $0x1A880;
	s30 =	simm.s32 $0x4  }
0x5: {  	s31 =	simm.s32 $0x2;
	[smem:$0x7FF] =	sst s2;
	s3 =	sadd.s32 $0x2C000, s0  }
0x6: {  	s5 =	sadd.s32 $0x18000, s0;
	s6 =	sadd.s32 $0x3000, s0;
	s9 =	sand.u32 $0x1, s4  }
0x7: {  	s7 =	sadd.s32 $0x53200, s0;
	s4 =	stileid.u32;
	s11 =	sadd.s32 $0x55A00, s0  }
0x8: {  	s0 =	sadd.s32 $0x50900, s0;
	_ =	strace $0x8000004D;
	s19 =	smul.u32 $0x4E000, s4  }
0x9: {  	s8 =	ssub.s32 $0x2, s9;
	s12 =	sshll.u32 s4, $0x1;
	s13 =	smul.u32 $0x2700, s4  }
0xa: {  	p1 =	seq.s32 s9, $0x0;
	p4 =	sne.s32 s4, $0xF;
	s14 =	smul.u32 $0x138800, s9  }
0xb: {  	p0 =	seq.s32 s4, $0xF;
	s16 =	smul.u32 $0x13800, s4;
	[dreg:$0x3] =	wrdreg s0  }
0xc: {  	s24 =	sshll.u32 s4, $0x6;
	s10 =	sshrl.u32 s8, $0x1;
	s12 =	sor.u32 s9, s12  }
0xd: {  	p2 =	por !p1, !p4;
	p3 =	por !p1, !p0;
	s15 =	ssub.s32 s8, s10  }
0xe: {  	p1 =	por !p2, !p2;
	p2 =	por !p3, !p3;
	s10 =	sshrl.u32 s19, $0x2  }
0xf: {  	p3 =	seq.s32 s9, $0x1;
	s20 =	sadd.s32 s3, s13;
	s21 =	sadd.s32 s16, s14  }
0x10: {  	s22 =	sshrl.u32 s14, $0x3;
	s12 =	smul.u32 $0x5000, s12;
	s8 =	simm.s32 @!p2 $0x0  }
0x11: {  	s10 =	sadd.s32 s10, s1;
	[dreg:$0x4] =	wrdreg s20;
	p4 =	por !p4, !p3  }
0x12: {  	s0 =	sshrl.u32 s21, $0x3;
	s23 =	sadd.s32 s11, s22;
	s15 =	smax.u32 s15, $0x1  }
0x13: {  	s22 =	simm.s32 $0x13880;
	s8 =	simm.s32 @p2 $0x1;
	p4 =	por !p4, !p4  }
0x14: {  	s13 =	sadd.s32 s11, s0;
	s14 =	sadd.s32 $0x24900, s23;
	s0 =	sor.u32 $0x1C05, s24  }
0x15: {  	s25 =	sshrl.u32 s10, $0x3;
	s23 =	simm.s32 $0x50;
	[smem:$0x7FD] =	sst s8  }
.Ltmp0:
0x16: {  	[dreg:$0x5] =	wrdreg s0;
	s0 =	sshll.u32 @p4 s4, $0x6;
	(pc) =	sbr.rel .LBB2_1-.Ltmp0, $4  }
0x17: {  	s8 =	sadd.s32 $0x124800, s1;
	[dreg:$0x6] =	wrdreg s25;
	s0 =	sor.u32 @p4 $0x1C05, s0  }
0x18: {  	s24 =	simm.s32 $0x15880;
	s26 =	sshrl.u32 s8, $0x3;
	[dreg:$0x7] =	wrdreg s0  }
0x19: {  	s25 =	simm.s32 $0x13900;
	s0 =	sshrl.u32 @p4 s10, $0x3;
	[dreg:$0x9] =	wrdreg s26  }
0x1a: {  	s26 =	simm.s32 $0x18080;
	[dreg:$0x8] =	wrdreg s0;
	s0 =	simm.s32 $0x1  }
.LBB2_17:
0x1b: {  	s9 =	sshll.u32 @!p0 s4, $0x6  }
0x1c: {  	[bflag:$0x0] =	sbarrier.arrive $0xFFFF;
	s11 =	sshrl.u32 @!p0 s10, $0x3;
	s9 =	sor.u32 @!p0 $0x1C05, s9  }
0x1d: {  	[hbm:s13], [sflag:s9] =	dma.local @!p0 [spmem:s11], $0x2700  }
0x1e: {  	s9 =	simm.s32 @!p0 $0x5  }
0x1f: {  	s2 =	sadd.s32 $0x1, s2;
	_ =	swait.ge @!p0 [sflag:s9], $0x2700  }
0x20: {  	p2 =	sne.s32 s2, s15;
	s11 =	sshll.u32 @p5 s4, $0x6;
	[sflag:s9] =	ssyncset.done @!p0 $0x0  }
0x21: {  	[sflag:s9] =	ssyncadd.s32 @!p0 $0xFFFFD900;
	s9 =	sor.u32 @p5 $0x1C05, s11;
	s11 =	sshrl.u32 @p5 s8, $0x3  }
0x22: {  	[hbm:s14], [sflag:s9] =	dma.local @p5 [spmem:s11], $0x2800  }
.Ltmp1:
0x23: {  	_ = 	snop;
	(pc) =	sbr.rel @!p2 .LBB2_18-.Ltmp1, $4  }
0x24: {  	s9 =	simm.s32 @p5 $0x5  }
0x25: {  	_ =	swait.ge @p5 [sflag:s9], $0x2800  }
0x26: {  	[sflag:s9] =	ssyncset.done @p5 $0x0  }
0x27: {  	[sflag:s9] =	ssyncadd.s32 @p5 $0xFFFFD800  }
.LBB2_1:
.Ltmp2:
0x28: {  	(pc) =	sbr.rel @!p1 .LBB2_5-.Ltmp2, $1  }
0x29: {  	_ =	sdelay $0x3  }
0x2a: {  	s9 =	rddreg [dreg:$0x4]  }
0x2b: {  	s11 =	rddreg [dreg:$0x5]  }
.Ltmp3:
0x2c: {  	s16 =	rddreg [dreg:$0x6];
	(pc) =	sbr.rel .LBB2_3-.Ltmp3, $4  }
0x2d: {  	[spmem:s16], [sflag:s11] =	dma.local [hbm:s9], $0x2700  }
0x2e: {  	_ =	swait.ge [sflag:s18], $0x2700  }
0x2f: {  	[sflag:s18] =	ssyncset.done $0x0  }
0x30: {  	p5 =	por $0x0, $0x0;
	[sflag:s18] =	ssyncadd.s32 $0xFFFFD900  }
.LBB2_5:
0x31: {  	s9 =	sld [smem:$0x7FD];
	_ =	sdelay $0x2  }
0x32: {  	p2 =	seq.s32 s9, $0x1  }
.Ltmp4:
0x33: {  	_ = 	snop;
	(pc) =	sbr.rel @!p2 .LBB2_3-.Ltmp4, $2  }
0x34: {  	_ =	sdelay $0x2  }
0x35: {  	p5 =	por p0, p0  }
.Ltmp5:
0x36: {  	(pc) =	sbr.rel .LBB2_7-.Ltmp5, $4  }
0x37: {  	_ = 	snop  }
0x38: {  	s9 =	rddreg [dreg:$0x3]  }
0x39: {  	s11 =	rddreg [dreg:$0x9];
	s16 =	simm.s32 $0x1FC5;
	p5 =	por $0x1, $0x1  }
0x3a: {  	[spmem:s11], [sflag:s16] =	dma.local [hbm:s9], $0x2800  }
.LBB2_3:
0x3b: {  	s9 =	rddreg [dreg:$0x7]  }
0x3c: {  	s11 =	rddreg [dreg:$0x8];
	p6 =	por @p4 $0x1, $0x1  }
0x3d: {  	[spmem:s11], [sflag:s9] =	dma.local @p4 [hbm:s7], $0x2700  }
0x3e: {  	p6 =	por @!p4 p3, p3  }
0x3f: {  	p6 =	por !p6, !p5  }
0x40: {  	p6 =	por !p6, !p6  }
.Ltmp6:
0x41: {  	_ = 	snop;
	(pc) =	sbr.rel @!p6 .LBB2_8-.Ltmp6, $4  }
0x42: {  	s9 =	simm.s32 @p4 $0x5  }
0x43: {  	_ =	swait.ge @p4 [sflag:s9], $0x2700  }
0x44: {  	[sflag:s9] =	ssyncset.done @p4 $0x0  }
0x45: {  	[sflag:s9] =	ssyncadd.s32 @p4 $0xFFFFD900  }
0x46: {  	s9 =	rddreg [dreg:$0x5]  }
0x47: {  	s11 =	rddreg [dreg:$0x9]  }
0x48: {  	[spmem:s11], [sflag:s9] =	dma.local [hbm:s7], $0x2800  }
.LBB2_7:
0x49: {  	_ =	swait.ge [sflag:s18], $0x2800  }
0x4a: {  	[sflag:s18] =	ssyncset.done $0x0  }
0x4b: {  	[sflag:s18] =	ssyncadd.s32 $0xFFFFD800  }
.LBB2_8:
.Ltmp7:
0x4c: {  	(pc) =	sbr.rel .LBB2_9-.Ltmp7, $3  }
0x4d: {  	_ =	sdelay $0x1  }
0x4e: {  	[bflag:$0x0] =	sbarrier.arrive $0xFFFF  }
0x4f: {  	s9 =	simm.s32 $0x0;
	s11 =	simm.s32 $0x0  }
.LBB2_16:
0x50: {  	_ =	swait.ge [sflag:s30], $0x2800  }
0x51: {  	[sflag:s30] =	ssyncset.done $0x0  }
0x52: {  	s11 =	sadd.s32 $0x1, s11;
	[sflag:s30] =	ssyncadd.s32 $0xFFFFD800  }
0x53: {  	p2 =	sne.s32 s11, $0x5;
	_ =	swait.ge [sflag:s30], $0x2800  }
.Ltmp8:
0x54: {  	[sflag:s30] =	ssyncset.done $0x0;
	(pc) =	sbr.rel @!p2 .LBB2_17-.Ltmp8, $4  }
0x55: {  	[sflag:s30] =	ssyncadd.s32 $0xFFFFD800  }
0x56: {  	_ =	swait.ge [sflag:s30], $0x2800  }
0x57: {  	[sflag:s30] =	ssyncset.done $0x0  }
0x58: {  	[sflag:s30] =	ssyncadd.s32 $0xFFFFD800  }
.LBB2_9:
0x59: {  	s17 =	sshll.u32 s11, $0xC  }
0x5a: {  	s17 =	sadd.s32 s12, s17  }
0x5b: {  	s17 =	sshrl.u32 s17, $0x3  }
0x5c: {  	s19 =	sadd.s32 s5, s17  }
0x5d: {  	[tilespmem:s22], [sflag:$0x5] =	stream.linear.gather [hbm4b:s19+s9], $0xC80, $0x38;
	[tilespmem:$0x1D080] =	vst v63  }
0x5e: {  	_ =	swait.ge [sflag:s18], $0xC80  }
0x5f: {  	[sflag:s18] =	ssyncset.done $0x0  }
0x60: {  	s21 =	sadd.s32 s6, s17;
	s17 =	simm.s32 $0x14880;
	[sflag:s18] =	ssyncadd.s32 $0xFFFFF380  }
0x61: {  	[tilespmem:s17], [sflag:$0x5] =	stream.linear.gather [hbm4b:s21+s9], $0xC80, $0x38;
	[tilespmem:$0x1D080] =	vst v63  }
0x62: {  	_ =	swait.ge [sflag:s18], $0xC80  }
.Ltmp9:
0x63: {  	[sflag:s18] =	ssyncset.done $0x0;
	(pc) =	sbr.rel .LBB2_10-.Ltmp9, $4  }
0x64: {  	[sflag:s18] =	ssyncadd.s32 $0xFFFFF380  }
0x65: {  	[tilespmem:s24], [sflag:$0x1] =	stream.indirect.gather [hbm4b:s3+s23], $0x80, s22, s23, $0xb8;
	[tilespmem:$0x1D080] =	vst v63  }
0x66: {  	s19 =	simm.s32 $0x0;
	s21 =	simm.s32 $0x13980  }
0x67: {  	[tilespmem:s26], [sflag:$0x2] =	stream.indirect.gather [hbm4b:s3+s23], $0x80, s25, s23, $0xb8;
	[tilespmem:$0x1D080] =	vst v63  }
.LBB2_14:
0x68: {  	_ =	swait.ge [sflag:s28], $0x2800  }
0x69: {  	p2 =	sgt.u32 s19, $0x16;
	[sflag:s28] =	ssyncset.done $0x0  }
0x6a: {  	s16 =	simm.s32 @!p2 $0x4;
	[sflag:s28] =	ssyncadd.s32 $0xFFFFD800  }
0x6b: {  	[spmem:s1] =	stream.indirect.scatter.add.f32 [tilespmem:s29], [sflag:$0x4], $0x80, s17, s23, $0xb8;
	[tilespmem:$0x1D080] =	vst v63  }
0x6c: {  	_ =	swait.ge @!p2 [sflag:s16], $0x2800  }
0x6d: {  	[sflag:s16] =	ssyncset.done @!p2 $0x0  }
0x6e: {  	s20 =	simm.s32 @!p2 $0x18080;
	[sflag:s16] =	ssyncadd.s32 @!p2 $0xFFFFD800;
	s16 =	simm.s32 @!p2 $0x50  }
0x6f: {  	[tilespmem:s20], [sflag:$0x2] =	stream.indirect.gather @!p2 [hbm4b:s3+s16], $0x80, s21, s16, $0xb8;
	[tilespmem:$0x1D080] =	vst v63  }
.LBB2_15:
0x70: {  	s19 =	sadd.s32 $0x1, s19  }
0x71: {  	p2 =	sne.s32 s19, $0x19  }
.Ltmp10:
0x72: {  	_ = 	snop;
	(pc) =	sbr.rel @!p2 .LBB2_16-.Ltmp10, $2  }
0x73: {  	_ =	sdelay $0x2  }
0x74: {  	s21 =	sadd.s32 $0x80, s21;
	s17 =	sadd.s32 $0x80, s17  }
.LBB2_10:
0x75: {  	s20 =	smul.u32 $0xAB, s19;
	_ =	sdelay $0x1  }
0x76: {  	s20 =	sshrl.u32 s20, $0x9  }
0x77: {  	s20 =	sand.u32 $0x7F, s20  }
0x78: {  	s20 =	smul.u32 $0x3, s20;
	_ =	sdelay $0x1  }
0x79: {  	s20 =	ssub.s32 s19, s20  }
0x7a: {  	s20 =	sand.u32 $0xFF, s20  }
0x7b: {  	p6 =	seq.s32 s20, $0x2  }
.Ltmp11:
0x7c: {  	_ = 	snop;
	(pc) =	sbr.rel @p6 .LBB2_14-.Ltmp11, $1  }
0x7d: {  	_ =	sdelay $0x3  }
0x7e: {  	p6 =	seq.s32 s20, $0x1  }
.Ltmp12:
0x7f: {  	_ = 	snop;
	(pc) =	sbr.rel @!p6 .LBB2_12-.Ltmp12, $1  }
0x80: {  	_ =	sdelay $0x3  }
0x81: {  	_ =	swait.ge [sflag:s31], $0x2800  }
0x82: {  	[sflag:s31] =	ssyncset.done $0x0  }
0x83: {  	p2 =	sgt.u32 s19, $0x16;
	[sflag:s31] =	ssyncadd.s32 $0xFFFFD800  }
0x84: {  	[spmem:s1] =	stream.indirect.scatter.add.f32 [tilespmem:s26], [sflag:$0x4], $0x80, s17, s23, $0xb8;
	[tilespmem:$0x1D080] =	vst v63  }
.Ltmp13:
0x85: {  	s16 =	simm.s32 @!p2 $0x4;
	(pc) =	sbr.rel .LBB2_15-.Ltmp13, $4  }
0x86: {  	_ =	swait.ge @!p2 [sflag:s16], $0x2800  }
0x87: {  	[sflag:s16] =	ssyncset.done @!p2 $0x0  }
0x88: {  	s20 =	simm.s32 @!p2 $0x15880;
	[sflag:s16] =	ssyncadd.s32 @!p2 $0xFFFFD800;
	s16 =	simm.s32 @!p2 $0x50  }
0x89: {  	[tilespmem:s20], [sflag:$0x1] =	stream.indirect.gather @!p2 [hbm4b:s3+s16], $0x80, s21, s16, $0xb8;
	[tilespmem:$0x1D080] =	vst v63  }
.LBB2_12:
0x8a: {  	_ =	swait.ge [sflag:s0], $0x2800;
	p6 =	sgt.u32 s19, $0x16  }
0x8b: {  	[sflag:s0] =	ssyncset.done $0x0;
	p2 =	seq.s32 @!p6 s19, $0x0  }
0x8c: {  	[sflag:s0] =	ssyncadd.s32 $0xFFFFD800;
	p2 =	por p2, p6  }
0x8d: {  	[spmem:s1] =	stream.indirect.scatter.add.f32 [tilespmem:s24], [sflag:$0x4], $0x80, s17, s23, $0xb8;
	[tilespmem:$0x1D080] =	vst v63  }
.Ltmp14:
0x8e: {  	s20 =	simm.s32 @!p2 $0x4;
	(pc) =	sbr.rel .LBB2_15-.Ltmp14, $4  }
0x8f: {  	_ =	swait.ge @!p2 [sflag:s20], $0x2800  }
0x90: {  	[sflag:s20] =	ssyncset.done @!p2 $0x0  }
0x91: {  	s16 =	simm.s32 @!p6 $0x1A880;
	[sflag:s20] =	ssyncadd.s32 @!p2 $0xFFFFD800;
	s20 =	simm.s32 @!p6 $0x50  }
0x92: {  	[tilespmem:s16], [sflag:$0x3] =	stream.indirect.gather @!p6 [hbm4b:s3+s20], $0x80, s21, s20, $0xb8;
	[tilespmem:$0x1D080] =	vst v63  }
.LBB2_18:
0x93: {  	_ =	sfence.sel $0x180000  }
0x94: {  	[bflag:$0x0] =	sbarrier.arrive $0xFFFF  }
0x95: {  	_ =	strace $0x9000004D  }
0x96: {  	[bflag:$0x2] =	sbarrier.arrive $0xFFFF  }
0x97: {  	p0 =	sne.s32 s4, $0x0;
	s0 =	rddreg [dreg:$0x2]  }
0x98: {  	s0 =	sadd.s32 @!p0 $0x100000, s0  }
0x99: {  	[sflag:s0] =	ssyncadd.tile.s32 @!p0 $0x1;
	_ =	shalt  }
.Lfunc_end2:
_tile_overlayer_lowered:
.L_overlay_start_2:
0x9a: {  	(tag) =	ssettag $0x2  }
0x9b: {  	s0 =	rddreg [dreg:$0x0];
	s2 =	stileid.u32  }
0x9c: {  	s1 =	rddreg [dreg:$0x1];
	p0 =	sne.s32 s2, $0x0  }
0x9d: {  	s3 =	rddreg [dreg:$0x2];
	[bflag:$0x3] =	sbarrier.arrive $0xFFFF;
	s2 =	simm.s32 @!p0 $0x1C05  }
0x9e: {  	[timem:s3], [sflag:s2] =	dma.local @!p0 [hbm:s0], s1  }
0x9f: {  	s0 =	simm.s32 @!p0 $0x5  }
0xa0: {  	_ =	swait.ge @!p0 [sflag:s0], s1  }
0xa1: {  	s1 =	ssub.s32 @!p0 $0x0, s1;
	[sflag:s0] =	ssyncset.done @!p0 $0x0  }
0xa2: {  	[sflag:s0] =	ssyncadd.s32 @!p0 s1  }
0xa3: {  	[bflag:$0x3] =	sbarrier.arrive $0xFFFF  }
0xa4: {  	_ =	shalt  }

// kernel: kernel.20.cloned.1.call-start
scs
__scs_entry_jumppad:
0x0: {  	(pc) =	sbr.rel $0x88, $3  }
0x1: {  	(tag) =	ssettag $0x0;
	lr =	simm.s32 $0x1  }
0x2: {  	[smem:$0x3F92] =	sst lr;
	_ =	strace $0xD0000000  }
0x3: {  	_ = 	snop  }
0x4: {  	_ = 	snop  }
0x5: {  	_ = 	snop  }
0x6: {  	_ = 	snop  }
0x7: {  	_ = 	snop  }
__scs_overlays_trampoline_lowered:
0x8: {  	[smem:$0x3FA1] =	sst s0  }
0x9: {  	[smem:$0x3FA2] =	sst s1  }
0xa: {  	[smem:$0x3FA3] =	sst s2  }
0xb: {  	[smem:$0x3FA4] =	sst s3  }
0xc: {  	[smem:$0x3FA5] =	sst s4  }
0xd: {  	[smem:$0x3FA6] =	sst s5  }
0xe: {  	[smem:$0x3FA7] =	sst s6  }
0xf: {  	[smem:$0x3FA8] =	sst s7  }
0x10: {  	[smem:$0x3FA9] =	sst s8  }
0x11: {  	[smem:$0x3FAA] =	sst s9;
	s0 =	simm.s32 @!p0 $0x0  }
0x12: {  	s1 =	sld [smem:$0x3F90];
	s0 =	simm.s32 @p0 $0x1  }
0x13: {  	[smem:$0x3FAB] =	sst s0;
	s0 =	simm.s32 @!p1 $0x0  }
0x14: {  	s2 =	sld [smem:$0x3F8F];
	s0 =	simm.s32 @p1 $0x1  }
0x15: {  	[smem:$0x3FAC] =	sst s0;
	s0 =	simm.s32 @!p2 $0x0  }
0x16: {  	s3 =	sld [smem:$0x3FDB];
	s0 =	simm.s32 @p2 $0x1  }
0x17: {  	s4 =	simm.s32 $0x1BF5;
	[smem:$0x3FAE] =	sst s0  }
0x18: {  	s0 =	sld [smem:$0x3F91];
	_ =	swait.ge [sflag:s4], $0x0  }
0x19: {  	s7 =	sld [smem:$0x3F92]  }
0x1a: {  	s8 =	sadd.s32 $0xFFFFE003, lr  }
0x1b: {  	s9 =	sadd.s32 $0xFFFFFEF7, lr;
	s5 =	simm.s32 $0xFFFFFFFF;
	p2 =	slt.u32 s8, $0xFFFFF086  }
0x1c: {  	p1 =	slt.u32 s9, $0xF7A;
	s5 =	simm.s32 @!p2 $0x0  }
0x1d: {  	s5 =	simm.s32 @p1 $0x1;
	p0 =	seq.s32 s7, s2  }
0x1e: {  	s7 =	smul.u32 @!p0 $0xF7A, s2;
	p2 =	seq.s32 @!p0 s5, $0x0  }
0x1f: {  	s9 =	smul.u32 $0xF7A, s1;
	s8 =	simm.s32 @!p0 $0x1BF5;
	p2 =	por !p2, p0  }
0x20: {  	[sflag:s8] =	ssyncset.s32 @!p0 $0xFFFFF086;
	s6 =	sadd.s32 @!p0 s3, s7;
	s7 =	simm.s32 @!p0 $0x108  }
0x21: {  	s3 =	sadd.s32 s3, s9;
	s6 =	sadd.s32 @!p0 $0x88, s6;
	s7 =	simm.s32 @p2 $0x1082  }
0x22: {  	[simem:s7], [sflag:s8] =	dma.local @!p0 [hbm:s6], $0xF7A  }
0x23: {  	s9 =	sor.u32 $0xD0000000, s2;
	s6 =	simm.s32 $0x108;
	_ =	swait.ge @!p0 [sflag:s8], $0x0  }
0x24: {  	s3 =	sadd.s32 $0x88, s3;
	s6 =	simm.s32 @!p1 $0x1082;
	[sflag:s4] =	ssyncset.s32 $0xFFFFF086  }
0x25: {  	[simem:s6], [sflag:s4] =	dma.local [hbm:s3], $0xF7A  }
0x26: {  	[smem:$0x3F92] =	sst s1;
	(tag) =	ssettag s2;
	_ =	strace s9  }
0x27: {  	s1 =	sld [smem:$0x3FA2]  }
0x28: {  	s2 =	sld [smem:$0x3FA3]  }
0x29: {  	s4 =	sld [smem:$0x3FA5]  }
0x2a: {  	p0 =	seq.s32 s5, $0x0;
	s5 =	sld [smem:$0x3FA6]  }
0x2b: {  	s6 =	sld [smem:$0x3FA7]  }
0x2c: {  	s7 =	sld [smem:$0x3FA8]  }
0x2d: {  	s3 =	simm.s32 $0x108;
	s8 =	sld [smem:$0x3FA9]  }
0x2e: {  	s3 =	simm.s32 @!p0 $0x1082;
	s9 =	sld [smem:$0x3FAA]  }
0x2f: {  	lr =	sadd.s32 s0, s3;
	s0 =	sld [smem:$0x3FA1]  }
0x30: {  	s3 =	sld [smem:$0x3FA4]  }
0x31: {  	[smem:$0x3FAD] =	sst s10  }
0x32: {  	s10 =	sld [smem:$0x3FAB];
	_ =	sdelay $0x3  }
0x33: {  	p0 =	seq.s32 s10, $0x1;
	s10 =	sld [smem:$0x3FAD];
	_ =	sdelay $0x3  }
0x34: {  	[smem:$0x3FAD] =	sst s10  }
0x35: {  	s10 =	sld [smem:$0x3FAC];
	_ =	sdelay $0x3  }
0x36: {  	p1 =	seq.s32 s10, $0x1;
	s10 =	sld [smem:$0x3FAD];
	_ =	sdelay $0x3  }
0x37: {  	[smem:$0x3FAD] =	sst s10  }
0x38: {  	s10 =	sld [smem:$0x3FAE]  }
0x39: {  	_ = 	snop;
	(pc) =	sbr.ind lr, $3  }
0x3a: {  	_ = 	snop  }
0x3b: {  	_ = 	snop  }
0x3c: {  	p2 =	seq.s32 s10, $0x1;
	s10 =	sld [smem:$0x3FAD]  }
0x3d: {  	_ =	shalt  }
0x3e: {  	_ =	shalt  }
0x3f: {  	_ =	shalt  }
0x40: {  	_ =	shalt  }
0x41: {  	_ =	shalt  }
0x42: {  	_ =	shalt  }
0x43: {  	_ =	shalt  }
0x44: {  	_ =	shalt  }
0x45: {  	_ =	shalt  }
0x46: {  	_ =	shalt  }
0x47: {  	_ =	shalt  }
0x48: {  	_ =	shalt  }
0x49: {  	_ =	shalt  }
0x4a: {  	_ =	shalt  }
0x4b: {  	_ =	shalt  }
0x4c: {  	_ =	shalt  }
0x4d: {  	_ =	shalt  }
0x4e: {  	_ =	shalt  }
0x4f: {  	_ =	shalt  }
0x50: {  	_ =	shalt  }
0x51: {  	_ =	shalt  }
0x52: {  	_ =	shalt  }
0x53: {  	_ =	shalt  }
0x54: {  	_ =	shalt  }
0x55: {  	_ =	shalt  }
0x56: {  	_ =	shalt  }
0x57: {  	_ =	shalt  }
0x58: {  	_ =	shalt  }
0x59: {  	_ =	shalt  }
0x5a: {  	_ =	shalt  }
0x5b: {  	_ =	shalt  }
0x5c: {  	_ =	shalt  }
0x5d: {  	_ =	shalt  }
0x5e: {  	_ =	shalt  }
0x5f: {  	_ =	shalt  }
0x60: {  	_ =	shalt  }
0x61: {  	_ =	shalt  }
0x62: {  	_ =	shalt  }
0x63: {  	_ =	shalt  }
0x64: {  	_ =	shalt  }
0x65: {  	_ =	shalt  }
0x66: {  	_ =	shalt  }
0x67: {  	_ =	shalt  }
0x68: {  	_ =	shalt  }
0x69: {  	_ =	shalt  }
0x6a: {  	_ =	shalt  }
0x6b: {  	_ =	shalt  }
0x6c: {  	_ =	shalt  }
0x6d: {  	_ =	shalt  }
0x6e: {  	_ =	shalt  }
0x6f: {  	_ =	shalt  }
0x70: {  	_ =	shalt  }
0x71: {  	_ =	shalt  }
0x72: {  	_ =	shalt  }
0x73: {  	_ =	shalt  }
0x74: {  	_ =	shalt  }
0x75: {  	_ =	shalt  }
0x76: {  	_ =	shalt  }
0x77: {  	_ =	shalt  }
0x78: {  	_ =	shalt  }
0x79: {  	_ =	shalt  }
0x7a: {  	_ =	shalt  }
0x7b: {  	_ =	shalt  }
0x7c: {  	_ =	shalt  }
0x7d: {  	_ =	shalt  }
0x7e: {  	_ =	shalt  }
0x7f: {  	_ =	shalt  }
0x80: {  	_ =	shalt  }
0x81: {  	_ =	shalt  }
0x82: {  	_ =	shalt  }
0x83: {  	_ =	shalt  }
0x84: {  	_ =	shalt  }
0x85: {  	_ =	shalt  }
0x86: {  	_ =	shalt  }
0x87: {  	_ =	shalt  }
.Lfunc_end0:
.L_simem_size_0:
called_computation.3_lowered:
.L_overlay_start_0:
0x88: {  	s2 =	sld [smem:$0x3FD9]  }
0x89: {  	s3 =	sld [smem:$0x3FFE];
	_ =	sdelay $0x1  }
0x8a: {  	s1 =	srdreg.scid  }
0x8b: {  	s0 =	sand.u32 $0x1, s1  }
0x8c: {  	s16 =	sshll.u32 s0, $0xA;
	s2 =	sadd.s32 s3, s2  }
0x8d: {  	s2 =	sadd.s32 s2, s16  }
0x8e: {  	[smem:$0x3FB9] =	sst s2  }
0x8f: {  	_ = 	snop  }
0x90: {  	(tm) =	ssettm $0x1  }
0x91: {  	s17 =	sld [smem:$0x3FFB];
	_ =	sdelay $0x3  }
0x92: {  	_ =	strace s17  }
0x93: {  	s2 =	sld [smem:$0x3FFC];
	_ =	sdelay $0x3  }
0x94: {  	_ =	strace s2  }
0x95: {  	s2 =	sld [smem:$0x3FFD];
	_ =	sdelay $0x3  }
0x96: {  	_ =	strace s2  }
0x97: {  	_ =	strace $0x8FFFFFFF  }
0x98: {  	s18 =	sld [smem:$0x3FDB];
	_ =	sdelay $0x1  }
0x99: {  	s19 =	simm.s32 $_scs_section_size  }
0x9a: {  	s4 =	simm.s32 $_size__tile_overlayer_lowered;
	s5 =	simm.s32 $_tile_overlayer_lowered  }
0x9b: {  	s22 =	simm.s32 $0x1BFF;
	s21 =	sshll.u32 s5, $0x1;
	s2 =	sadd.s32 s19, s18  }
0x9c: {  	s6 =	simm.s32 $0x0;
	s20 =	sshll.u32 s4, $0x1;
	s4 =	sadd.s32 s21, s2  }
0x9d: {  	[timem:s6], [sflag:s22] =	dma.local [hbm:s4], s20  }
0x9e: {  	_ =	swait.ge [sflag:s22], s20  }
0x9f: {  	s3 =	ssub.s32 $0x0, s20;
	[sflag:s22] =	ssyncset.done $0x0  }
0xa0: {  	[sflag:s22] =	ssyncadd.s32 s3;
	_ =	sdelay $0x1  }
0xa1: {  	s23 =	simm.s32 $0x1B8B  }
0xa2: {  	_ =	swait.ge [sflag:s23], $0x1  }
0xa3: {  	[sflag:s23] =	ssyncset.done $0x0  }
0xa4: {  	s25 =	simm.s32 $0x1B8E;
	s24 =	sld [smem:$0x3FFE];
	[sflag:s23] =	ssyncadd.s32 $0xFFFFFFFF  }
0xa5: {  	s26 =	simm.s32 $execute0_lowered;
	[smem:$0x3FD2] =	sst s25  }
0xa6: {  	s4 =	sshll.u32 s26, $0x1;
	_ =	strace $0x8000004F;
	[dreg:$0x1] =	wrdreg $0xFFFFFFFF  }
0xa7: {  	s28 =	simm.s32 $_size_execute0_lowered;
	s2 =	sadd.s32 s2, s4;
	[dreg:$0x0] =	wrdreg $0x0  }
0xa8: {  	s4 =	sshll.u32 s28, $0x1;
	[dreg:$0x2] =	wrdreg s2  }
0xa9: {  	[dreg:$0x3] =	wrdreg s4  }
0xaa: {  	[dreg:$0x4] =	wrdreg $0xC0  }
0xab: {  	_ =	task [dreg:s6], $0x5FFFF  }
0xac: {  	[dreg:$0x1] =	wrdreg $0xFFFFFFFF  }
0xad: {  	[dreg:$0x0] =	wrdreg $0x60  }
0xae: {  	[dreg:$0x2] =	wrdreg s24  }
0xaf: {  	[dreg:$0x3] =	wrdreg $0x0  }
0xb0: {  	[dreg:$0x4] =	wrdreg $0x9  }
0xb1: {  	_ =	task.clear_ibuf [dreg:s6], $0x5FFFF;
	_ =	strace $0x9000004F  }
0xb2: {  	s29 =	simm.s32 $0x9;
	_ =	strace $0x80000051  }
0xb3: {  	_ =	swait.ge [sflag:s29], $0x1  }
0xb4: {  	[sflag:s29] =	ssyncadd.s32 $0xFFFFFFFF  }
0xb5: {  	_ =	strace $0x90000051  }
0xb6: {  	_ =	sfence  }
0xb7: {  	s30 =	sld [smem:$0x0];
	_ =	sdelay $0x2  }
0xb8: {  	s31 =	sshll.u32 s1, $0xD;
	s1 =	sshrl.u32 s1, $0x2  }
0xb9: {  	s3 =	sand.u32 $0x4000, s31;
	s1 =	sadd.s32 s1, s30  }
0xba: {  	s0 =	sor.u32 s3, s0;
	s1 =	sshll.u32 s1, $0x11  }
0xbb: {  	s0 =	sor.u32 s1, s0  }
0xbc: {  	s0 =	sadd.s32 $0x8F2B, s0  }
0xbd: {  	[sflag:s0] =	ssyncadd.remote.s32 $0x1  }
0xbe: {  	_ =	sfence.sel $0xFFFF  }
0xbf: {  	[dreg:$0x0] =	wrdreg $0xFFFFFFFF;
	(pc) =	sbr.abs _section_cstart, $3  }
0xc0: {  	[dreg:$0x1] =	wrdreg $0xFFFFFFFF  }
0xc1: {  	_ =	task.clear_ibuf [dreg:s6], $0x2FFFF;
	_ =	strace $0x9FFFFFFF  }
0xc2: {  	(tm) =	ssettm $0x7FFFFFFF  }
0xc3: {  	_ =	shalt  }
tec
execute0_lowered:
.L_overlay_start_1:
0x0: {  	(tag) =	ssettag $0x1  }
0x1: {  	s0 =	rddreg [dreg:$0x0]  }
0x2: {  	s1 =	rddreg [dreg:$0x1]  }
0x3: {  	s2 =	simm.s32 $0x0;
	s4 =	srdreg.scid;
	s18 =	simm.s32 $0x5  }
0x4: {  	s28 =	simm.s32 $0x3;
	s29 =	simm.s32 $0x1A880;
	s30 =	simm.s32 $0x4  }
0x5: {  	s31 =	simm.s32 $0x2;
	[smem:$0x7FF] =	sst s2;
	s3 =	sadd.s32 $0x2C000, s0  }
0x6: {  	s5 =	sadd.s32 $0x18000, s0;
	s6 =	sadd.s32 $0x3000, s0;
	s9 =	sand.u32 $0x1, s4  }
0x7: {  	s7 =	sadd.s32 $0x53200, s0;
	s4 =	stileid.u32;
	s11 =	sadd.s32 $0x55A00, s0  }
0x8: {  	s0 =	sadd.s32 $0x50900, s0;
	_ =	strace $0x80000050;
	s19 =	smul.u32 $0x4E000, s4  }
0x9: {  	s8 =	ssub.s32 $0x2, s9;
	s12 =	sshll.u32 s4, $0x1;
	s13 =	smul.u32 $0x2700, s4  }
0xa: {  	p1 =	seq.s32 s9, $0x0;
	p4 =	sne.s32 s4, $0xF;
	s14 =	smul.u32 $0x138800, s9  }
0xb: {  	p0 =	seq.s32 s4, $0xF;
	s16 =	smul.u32 $0x13800, s4;
	[dreg:$0x3] =	wrdreg s0  }
0xc: {  	s24 =	sshll.u32 s4, $0x6;
	s10 =	sshrl.u32 s8, $0x1;
	s12 =	sor.u32 s9, s12  }
0xd: {  	p2 =	por !p1, !p4;
	p3 =	por !p1, !p0;
	s15 =	ssub.s32 s8, s10  }
0xe: {  	p1 =	por !p2, !p2;
	p2 =	por !p3, !p3;
	s10 =	sshrl.u32 s19, $0x2  }
0xf: {  	p3 =	seq.s32 s9, $0x1;
	s20 =	sadd.s32 s3, s13;
	s21 =	sadd.s32 s16, s14  }
0x10: {  	s22 =	sshrl.u32 s14, $0x3;
	s12 =	smul.u32 $0x5000, s12;
	s8 =	simm.s32 @!p2 $0x0  }
0x11: {  	s10 =	sadd.s32 s10, s1;
	[dreg:$0x4] =	wrdreg s20;
	p4 =	por !p4, !p3  }
0x12: {  	s0 =	sshrl.u32 s21, $0x3;
	s23 =	sadd.s32 s11, s22;
	s15 =	smax.u32 s15, $0x1  }
0x13: {  	s22 =	simm.s32 $0x13880;
	s8 =	simm.s32 @p2 $0x1;
	p4 =	por !p4, !p4  }
0x14: {  	s13 =	sadd.s32 s11, s0;
	s14 =	sadd.s32 $0x24900, s23;
	s0 =	sor.u32 $0x1C05, s24  }
0x15: {  	s25 =	sshrl.u32 s10, $0x3;
	s23 =	simm.s32 $0x50;
	[smem:$0x7FD] =	sst s8  }
.Ltmp0:
0x16: {  	[dreg:$0x5] =	wrdreg s0;
	s0 =	sshll.u32 @p4 s4, $0x6;
	(pc) =	sbr.rel .LBB2_1-.Ltmp0, $4  }
0x17: {  	s8 =	sadd.s32 $0x124800, s1;
	[dreg:$0x6] =	wrdreg s25;
	s0 =	sor.u32 @p4 $0x1C05, s0  }
0x18: {  	s24 =	simm.s32 $0x15880;
	s26 =	sshrl.u32 s8, $0x3;
	[dreg:$0x7] =	wrdreg s0  }
0x19: {  	s25 =	simm.s32 $0x13900;
	s0 =	sshrl.u32 @p4 s10, $0x3;
	[dreg:$0x9] =	wrdreg s26  }
0x1a: {  	s26 =	simm.s32 $0x18080;
	[dreg:$0x8] =	wrdreg s0;
	s0 =	simm.s32 $0x1  }
.LBB2_17:
0x1b: {  	s9 =	sshll.u32 @!p0 s4, $0x6  }
0x1c: {  	[bflag:$0x0] =	sbarrier.arrive $0xFFFF;
	s11 =	sshrl.u32 @!p0 s10, $0x3;
	s9 =	sor.u32 @!p0 $0x1C05, s9  }
0x1d: {  	[hbm:s13], [sflag:s9] =	dma.local @!p0 [spmem:s11], $0x2700  }
0x1e: {  	s9 =	simm.s32 @!p0 $0x5  }
0x1f: {  	s2 =	sadd.s32 $0x1, s2;
	_ =	swait.ge @!p0 [sflag:s9], $0x2700  }
0x20: {  	p2 =	sne.s32 s2, s15;
	s11 =	sshll.u32 @p5 s4, $0x6;
	[sflag:s9] =	ssyncset.done @!p0 $0x0  }
0x21: {  	[sflag:s9] =	ssyncadd.s32 @!p0 $0xFFFFD900;
	s9 =	sor.u32 @p5 $0x1C05, s11;
	s11 =	sshrl.u32 @p5 s8, $0x3  }
0x22: {  	[hbm:s14], [sflag:s9] =	dma.local @p5 [spmem:s11], $0x2800  }
.Ltmp1:
0x23: {  	_ = 	snop;
	(pc) =	sbr.rel @!p2 .LBB2_18-.Ltmp1, $4  }
0x24: {  	s9 =	simm.s32 @p5 $0x5  }
0x25: {  	_ =	swait.ge @p5 [sflag:s9], $0x2800  }
0x26: {  	[sflag:s9] =	ssyncset.done @p5 $0x0  }
0x27: {  	[sflag:s9] =	ssyncadd.s32 @p5 $0xFFFFD800  }
.LBB2_1:
.Ltmp2:
0x28: {  	(pc) =	sbr.rel @!p1 .LBB2_5-.Ltmp2, $1  }
0x29: {  	_ =	sdelay $0x3  }
0x2a: {  	s9 =	rddreg [dreg:$0x4]  }
0x2b: {  	s11 =	rddreg [dreg:$0x5]  }
.Ltmp3:
0x2c: {  	s16 =	rddreg [dreg:$0x6];
	(pc) =	sbr.rel .LBB2_3-.Ltmp3, $4  }
0x2d: {  	[spmem:s16], [sflag:s11] =	dma.local [hbm:s9], $0x2700  }
0x2e: {  	_ =	swait.ge [sflag:s18], $0x2700  }
0x2f: {  	[sflag:s18] =	ssyncset.done $0x0  }
0x30: {  	p5 =	por $0x0, $0x0;
	[sflag:s18] =	ssyncadd.s32 $0xFFFFD900  }
.LBB2_5:
0x31: {  	s9 =	sld [smem:$0x7FD];
	_ =	sdelay $0x2  }
0x32: {  	p2 =	seq.s32 s9, $0x1  }
.Ltmp4:
0x33: {  	_ = 	snop;
	(pc) =	sbr.rel @!p2 .LBB2_3-.Ltmp4, $2  }
0x34: {  	_ =	sdelay $0x2  }
0x35: {  	p5 =	por p0, p0  }
.Ltmp5:
0x36: {  	(pc) =	sbr.rel .LBB2_7-.Ltmp5, $4  }
0x37: {  	_ = 	snop  }
0x38: {  	s9 =	rddreg [dreg:$0x3]  }
0x39: {  	s11 =	rddreg [dreg:$0x9];
	s16 =	simm.s32 $0x1FC5;
	p5 =	por $0x1, $0x1  }
0x3a: {  	[spmem:s11], [sflag:s16] =	dma.local [hbm:s9], $0x2800  }
.LBB2_3:
0x3b: {  	s9 =	rddreg [dreg:$0x7]  }
0x3c: {  	s11 =	rddreg [dreg:$0x8];
	p6 =	por @p4 $0x1, $0x1  }
0x3d: {  	[spmem:s11], [sflag:s9] =	dma.local @p4 [hbm:s7], $0x2700  }
0x3e: {  	p6 =	por @!p4 p3, p3  }
0x3f: {  	p6 =	por !p6, !p5  }
0x40: {  	p6 =	por !p6, !p6  }
.Ltmp6:
0x41: {  	_ = 	snop;
	(pc) =	sbr.rel @!p6 .LBB2_8-.Ltmp6, $4  }
0x42: {  	s9 =	simm.s32 @p4 $0x5  }
0x43: {  	_ =	swait.ge @p4 [sflag:s9], $0x2700  }
0x44: {  	[sflag:s9] =	ssyncset.done @p4 $0x0  }
0x45: {  	[sflag:s9] =	ssyncadd.s32 @p4 $0xFFFFD900  }
0x46: {  	s9 =	rddreg [dreg:$0x5]  }
0x47: {  	s11 =	rddreg [dreg:$0x9]  }
0x48: {  	[spmem:s11], [sflag:s9] =	dma.local [hbm:s7], $0x2800  }
.LBB2_7:
0x49: {  	_ =	swait.ge [sflag:s18], $0x2800  }
0x4a: {  	[sflag:s18] =	ssyncset.done $0x0  }
0x4b: {  	[sflag:s18] =	ssyncadd.s32 $0xFFFFD800  }
.LBB2_8:
.Ltmp7:
0x4c: {  	(pc) =	sbr.rel .LBB2_9-.Ltmp7, $3  }
0x4d: {  	_ =	sdelay $0x1  }
0x4e: {  	[bflag:$0x0] =	sbarrier.arrive $0xFFFF  }
0x4f: {  	s9 =	simm.s32 $0x0;
	s11 =	simm.s32 $0x0  }
.LBB2_16:
0x50: {  	_ =	swait.ge [sflag:s30], $0x2800  }
0x51: {  	[sflag:s30] =	ssyncset.done $0x0  }
0x52: {  	s11 =	sadd.s32 $0x1, s11;
	[sflag:s30] =	ssyncadd.s32 $0xFFFFD800  }
0x53: {  	p2 =	sne.s32 s11, $0x5;
	_ =	swait.ge [sflag:s30], $0x2800  }
.Ltmp8:
0x54: {  	[sflag:s30] =	ssyncset.done $0x0;
	(pc) =	sbr.rel @!p2 .LBB2_17-.Ltmp8, $4  }
0x55: {  	[sflag:s30] =	ssyncadd.s32 $0xFFFFD800  }
0x56: {  	_ =	swait.ge [sflag:s30], $0x2800  }
0x57: {  	[sflag:s30] =	ssyncset.done $0x0  }
0x58: {  	[sflag:s30] =	ssyncadd.s32 $0xFFFFD800  }
.LBB2_9:
0x59: {  	s17 =	sshll.u32 s11, $0xC  }
0x5a: {  	s17 =	sadd.s32 s12, s17  }
0x5b: {  	s17 =	sshrl.u32 s17, $0x3  }
0x5c: {  	s19 =	sadd.s32 s5, s17  }
0x5d: {  	[tilespmem:s22], [sflag:$0x5] =	stream.linear.gather [hbm4b:s19+s9], $0xC80, $0x38;
	[tilespmem:$0x1D080] =	vst v63  }
0x5e: {  	_ =	swait.ge [sflag:s18], $0xC80  }
0x5f: {  	[sflag:s18] =	ssyncset.done $0x0  }
0x60: {  	s21 =	sadd.s32 s6, s17;
	s17 =	simm.s32 $0x14880;
	[sflag:s18] =	ssyncadd.s32 $0xFFFFF380  }
0x61: {  	[tilespmem:s17], [sflag:$0x5] =	stream.linear.gather [hbm4b:s21+s9], $0xC80, $0x38;
	[tilespmem:$0x1D080] =	vst v63  }
0x62: {  	_ =	swait.ge [sflag:s18], $0xC80  }
.Ltmp9:
0x63: {  	[sflag:s18] =	ssyncset.done $0x0;
	(pc) =	sbr.rel .LBB2_10-.Ltmp9, $4  }
0x64: {  	[sflag:s18] =	ssyncadd.s32 $0xFFFFF380  }
0x65: {  	[tilespmem:s24], [sflag:$0x1] =	stream.indirect.gather [hbm4b:s3+s23], $0x80, s22, s23, $0xb8;
	[tilespmem:$0x1D080] =	vst v63  }
0x66: {  	s19 =	simm.s32 $0x0;
	s21 =	simm.s32 $0x13980  }
0x67: {  	[tilespmem:s26], [sflag:$0x2] =	stream.indirect.gather [hbm4b:s3+s23], $0x80, s25, s23, $0xb8;
	[tilespmem:$0x1D080] =	vst v63  }
.LBB2_14:
0x68: {  	_ =	swait.ge [sflag:s28], $0x2800  }
0x69: {  	p2 =	sgt.u32 s19, $0x16;
	[sflag:s28] =	ssyncset.done $0x0  }
0x6a: {  	s16 =	simm.s32 @!p2 $0x4;
	[sflag:s28] =	ssyncadd.s32 $0xFFFFD800  }
0x6b: {  	[spmem:s1] =	stream.indirect.scatter.add.f32 [tilespmem:s29], [sflag:$0x4], $0x80, s17, s23, $0xb8;
	[tilespmem:$0x1D080] =	vst v63  }
0x6c: {  	_ =	swait.ge @!p2 [sflag:s16], $0x2800  }
0x6d: {  	[sflag:s16] =	ssyncset.done @!p2 $0x0  }
0x6e: {  	s20 =	simm.s32 @!p2 $0x18080;
	[sflag:s16] =	ssyncadd.s32 @!p2 $0xFFFFD800;
	s16 =	simm.s32 @!p2 $0x50  }
0x6f: {  	[tilespmem:s20], [sflag:$0x2] =	stream.indirect.gather @!p2 [hbm4b:s3+s16], $0x80, s21, s16, $0xb8;
	[tilespmem:$0x1D080] =	vst v63  }
.LBB2_15:
0x70: {  	s19 =	sadd.s32 $0x1, s19  }
0x71: {  	p2 =	sne.s32 s19, $0x19  }
.Ltmp10:
0x72: {  	_ = 	snop;
	(pc) =	sbr.rel @!p2 .LBB2_16-.Ltmp10, $2  }
0x73: {  	_ =	sdelay $0x2  }
0x74: {  	s21 =	sadd.s32 $0x80, s21;
	s17 =	sadd.s32 $0x80, s17  }
.LBB2_10:
0x75: {  	s20 =	smul.u32 $0xAB, s19;
	_ =	sdelay $0x1  }
0x76: {  	s20 =	sshrl.u32 s20, $0x9  }
0x77: {  	s20 =	sand.u32 $0x7F, s20  }
0x78: {  	s20 =	smul.u32 $0x3, s20;
	_ =	sdelay $0x1  }
0x79: {  	s20 =	ssub.s32 s19, s20  }
0x7a: {  	s20 =	sand.u32 $0xFF, s20  }
0x7b: {  	p6 =	seq.s32 s20, $0x2  }
.Ltmp11:
0x7c: {  	_ = 	snop;
	(pc) =	sbr.rel @p6 .LBB2_14-.Ltmp11, $1  }
0x7d: {  	_ =	sdelay $0x3  }
0x7e: {  	p6 =	seq.s32 s20, $0x1  }
.Ltmp12:
0x7f: {  	_ = 	snop;
	(pc) =	sbr.rel @!p6 .LBB2_12-.Ltmp12, $1  }
0x80: {  	_ =	sdelay $0x3  }
0x81: {  	_ =	swait.ge [sflag:s31], $0x2800  }
0x82: {  	[sflag:s31] =	ssyncset.done $0x0  }
0x83: {  	p2 =	sgt.u32 s19, $0x16;
	[sflag:s31] =	ssyncadd.s32 $0xFFFFD800  }
0x84: {  	[spmem:s1] =	stream.indirect.scatter.add.f32 [tilespmem:s26], [sflag:$0x4], $0x80, s17, s23, $0xb8;
	[tilespmem:$0x1D080] =	vst v63  }
.Ltmp13:
0x85: {  	s16 =	simm.s32 @!p2 $0x4;
	(pc) =	sbr.rel .LBB2_15-.Ltmp13, $4  }
0x86: {  	_ =	swait.ge @!p2 [sflag:s16], $0x2800  }
0x87: {  	[sflag:s16] =	ssyncset.done @!p2 $0x0  }
0x88: {  	s20 =	simm.s32 @!p2 $0x15880;
	[sflag:s16] =	ssyncadd.s32 @!p2 $0xFFFFD800;
	s16 =	simm.s32 @!p2 $0x50  }
0x89: {  	[tilespmem:s20], [sflag:$0x1] =	stream.indirect.gather @!p2 [hbm4b:s3+s16], $0x80, s21, s16, $0xb8;
	[tilespmem:$0x1D080] =	vst v63  }
.LBB2_12:
0x8a: {  	_ =	swait.ge [sflag:s0], $0x2800;
	p6 =	sgt.u32 s19, $0x16  }
0x8b: {  	[sflag:s0] =	ssyncset.done $0x0;
	p2 =	seq.s32 @!p6 s19, $0x0  }
0x8c: {  	[sflag:s0] =	ssyncadd.s32 $0xFFFFD800;
	p2 =	por p2, p6  }
0x8d: {  	[spmem:s1] =	stream.indirect.scatter.add.f32 [tilespmem:s24], [sflag:$0x4], $0x80, s17, s23, $0xb8;
	[tilespmem:$0x1D080] =	vst v63  }
.Ltmp14:
0x8e: {  	s20 =	simm.s32 @!p2 $0x4;
	(pc) =	sbr.rel .LBB2_15-.Ltmp14, $4  }
0x8f: {  	_ =	swait.ge @!p2 [sflag:s20], $0x2800  }
0x90: {  	[sflag:s20] =	ssyncset.done @!p2 $0x0  }
0x91: {  	s16 =	simm.s32 @!p6 $0x1A880;
	[sflag:s20] =	ssyncadd.s32 @!p2 $0xFFFFD800;
	s20 =	simm.s32 @!p6 $0x50  }
0x92: {  	[tilespmem:s16], [sflag:$0x3] =	stream.indirect.gather @!p6 [hbm4b:s3+s20], $0x80, s21, s20, $0xb8;
	[tilespmem:$0x1D080] =	vst v63  }
.LBB2_18:
0x93: {  	_ =	sfence.sel $0x180000  }
0x94: {  	[bflag:$0x0] =	sbarrier.arrive $0xFFFF  }
0x95: {  	_ =	strace $0x90000050  }
0x96: {  	[bflag:$0x2] =	sbarrier.arrive $0xFFFF  }
0x97: {  	p0 =	sne.s32 s4, $0x0;
	s0 =	rddreg [dreg:$0x2]  }
0x98: {  	s0 =	sadd.s32 @!p0 $0x100000, s0  }
0x99: {  	[sflag:s0] =	ssyncadd.tile.s32 @!p0 $0x1;
	_ =	shalt  }
.Lfunc_end2:
_tile_overlayer_lowered:
.L_overlay_start_2:
0x9a: {  	(tag) =	ssettag $0x2  }
0x9b: {  	s0 =	rddreg [dreg:$0x0];
	s2 =	stileid.u32  }
0x9c: {  	s1 =	rddreg [dreg:$0x1];
	p0 =	sne.s32 s2, $0x0  }
0x9d: {  	s3 =	rddreg [dreg:$0x2];
	[bflag:$0x3] =	sbarrier.arrive $0xFFFF;
	s2 =	simm.s32 @!p0 $0x1C05  }
0x9e: {  	[timem:s3], [sflag:s2] =	dma.local @!p0 [hbm:s0], s1  }
0x9f: {  	s0 =	simm.s32 @!p0 $0x5  }
0xa0: {  	_ =	swait.ge @!p0 [sflag:s0], s1  }
0xa1: {  	s1 =	ssub.s32 @!p0 $0x0, s1;
	[sflag:s0] =	ssyncset.done @!p0 $0x0  }
0xa2: {  	[sflag:s0] =	ssyncadd.s32 @!p0 s1  }
0xa3: {  	[bflag:$0x3] =	sbarrier.arrive $0xFFFF  }
0xa4: {  	_ =	shalt  }

</sc_bundles>
